<compile_context>
chip_gen: v7x
topology: tpu7x:2x2x1
jax: 0.10.2.dev20260603
libtpu: 0.0.44.dev20260713+nightly
codegen_flags: <defaults>
</compile_context>

<pallas_src>
import jax
import jax.numpy as jnp
from jax import lax
from jax.experimental import pallas as pl
from jax.experimental.pallas import tpu as pltpu, tpu_sc as plsc

NUM_CORES = 2
NUM_SUBCORES = 16
LANES = 16
NW = NUM_CORES * NUM_SUBCORES

BATCH = 16384
EMB_K = 16
NCLS = 5
PJ = 16
NROWS = 1000000
NROWS_PAD = 1 << 20
BPW = BATCH // NW
CHUNK = 128
NCHUNK = BPW // CHUNK
GROUPS_PER_BLOCK = 4
ROWS_PER_BLOCK = GROUPS_PER_BLOCK * LANES
NBLOCKS = BPW // ROWS_PER_BLOCK

K1_COLS = 32768
K1_GRID = -(-NROWS // K1_COLS)
K1_NSUB = 128 // PJ
K1_SUB = K1_COLS // K1_NSUB
K1_SUB_LOG = K1_SUB.bit_length() - 1
K1_OUT_ROWS = K1_SUB
NROWS_PACK = K1_GRID * K1_COLS


def _tc_body(wt_ref, ht_ref, bu_ref, bv_ref, bh_ref, pu_ref, pv_ref):
    bh = bh_ref[...]
    dn = (((0,), (0,)), ((), ()))
    base = pl.program_id(0) * K1_COLS
    iota_l = lax.broadcasted_iota(jnp.int32, (EMB_K, K1_SUB), 1)

    def fold(ref):
        return jnp.concatenate(
            [jnp.where(base + (m * K1_SUB) + iota_l < NROWS,
                       ref[:, pl.ds(m * K1_SUB, K1_SUB)], 0.0)
             for m in range(K1_NSUB)], 0)

    pu_ref[...] = lax.dot_general(fold(wt_ref), bu_ref[...], dn,
                                  preferred_element_type=jnp.float32) + bh
    pv_ref[...] = lax.dot_general(fold(ht_ref), bv_ref[...], dn,
                                  preferred_element_type=jnp.float32) + bh


def _make_tables(WT3, HT3, bu, bv, bh):
    out_shape = jax.ShapeDtypeStruct((NROWS_PACK * PJ // 128, 128),
                                     jnp.float32)
    return pl.pallas_call(
        _tc_body,
        grid=(K1_GRID,),
        in_specs=[
            pl.BlockSpec((EMB_K, K1_COLS), lambda g: (0, g)),
            pl.BlockSpec((EMB_K, K1_COLS), lambda g: (0, g)),
            pl.BlockSpec((128, 128), lambda g: (0, 0)),
            pl.BlockSpec((128, 128), lambda g: (0, 0)),
            pl.BlockSpec((1, 128), lambda g: (0, 0)),
        ],
        out_specs=[
            pl.BlockSpec((K1_OUT_ROWS, 128), lambda g: (g, 0)),
            pl.BlockSpec((K1_OUT_ROWS, 128), lambda g: (g, 0)),
        ],
        out_shape=[out_shape, out_shape],
    )(WT3, HT3, bu, bv, bh)


def _sc_body(x_hbm, pu_hbm, pv_hbm, out_hbm,
             xv, uidx_v, vidx_v, purows, pvrows, outv, sem):
    wid = lax.axis_index("s") * NUM_CORES + lax.axis_index("c")
    base = wid * BPW

    pltpu.sync_copy(x_hbm.at[pl.ds(base, BPW)], xv)

    iota = lax.iota(jnp.int32, LANES)
    zerov = jnp.zeros((LANES,), jnp.int32)
    onev = jnp.full((LANES,), 1, jnp.int32)
    m_hi = jnp.full((LANES,), -K1_COLS, jnp.int32)
    m_lo = jnp.full((LANES,), K1_SUB - 1, jnp.int32)
    m_mid = jnp.full((LANES,), K1_NSUB - 1, jnp.int32)

    def packed(n):
        return ((n & m_hi) + ((n & m_lo) << 3)) + ((n >> K1_SUB_LOG) & m_mid)

    for c in range(NCHUNK):
        for o in range(CHUNK // LANES):
            rows = c * CHUNK + o * LANES + iota
            u = plsc.load_gather(xv, [rows, zerov])
            v = plsc.load_gather(xv, [rows, onev])
            uidx_v[c, pl.ds(o * LANES, LANES)] = packed(u)
            vidx_v[c, pl.ds(o * LANES, LANES)] = packed(v)

    copies = []
    for c in range(NCHUNK):
        copies.append(pltpu.async_copy(
            pu_hbm.at[uidx_v.at[c]], purows.at[pl.ds(c * CHUNK, CHUNK)], sem))
        copies.append(pltpu.async_copy(
            pv_hbm.at[vidx_v.at[c]], pvrows.at[pl.ds(c * CHUNK, CHUNK)], sem))
    for cp in copies:
        cp.wait()

    def block(gb, carry):
        row0 = gb * ROWS_PER_BLOCK
        for g in range(GROUPS_PER_BLOCK):
            row_idx = row0 + g * LANES + iota
            h = []
            for j in range(NCLS):
                colv = jnp.full((LANES,), j, jnp.int32)
                pu = plsc.load_gather(purows, [row_idx, colv])
                pv = plsc.load_gather(pvrows, [row_idx, colv])
                h.append(pu + pv)
            m = h[0]
            for j in range(1, NCLS):
                m = jnp.maximum(m, h[j])
            e = [jnp.exp(h[j] - m) for j in range(NCLS)]
            s = e[0]
            for j in range(1, NCLS):
                s = s + e[j]
            r = jnp.full((LANES,), 1.0, jnp.float32) / s
            for j in range(NCLS):
                plsc.store_scatter(
                    outv, [row_idx, jnp.full((LANES,), j, jnp.int32)],
                    e[j] * r)
        return carry

    lax.fori_loop(0, NBLOCKS, block, 0)

    pltpu.sync_copy(outv, out_hbm.at[pl.ds(base, BPW)])


def _score(x, pu, pv):
    mesh = plsc.VectorSubcoreMesh(
        core_axis_name="c", subcore_axis_name="s",
        num_cores=NUM_CORES, num_subcores=NUM_SUBCORES)
    return pl.kernel(
        _sc_body,
        out_type=jax.ShapeDtypeStruct((BATCH, NCLS), jnp.float32),
        mesh=mesh,
        compiler_params=pltpu.CompilerParams(
            needs_layout_passes=False, use_tc_tiling_on_sc=False),
        scratch_types=[
            pltpu.VMEM((BPW, 2), jnp.int32),
            pltpu.VMEM((NCHUNK, CHUNK), jnp.int32),
            pltpu.VMEM((NCHUNK, CHUNK), jnp.int32),
            pltpu.VMEM((BPW, PJ), jnp.float32),
            pltpu.VMEM((BPW, PJ), jnp.float32),
            pltpu.VMEM((BPW, NCLS), jnp.float32),
            pltpu.SemaphoreType.DMA,
        ],
    )(x, pu, pv)


def _blockdiag(w):
    wt = jnp.zeros((EMB_K, PJ), jnp.float32).at[:, :NCLS].set(w.T)
    eye = jnp.eye(K1_NSUB, dtype=jnp.float32)
    return (eye[:, None, :, None] * wt[None, :, None, :]).reshape(128, 128)


@jax.jit
def _run(x, W, H, lin_w, lin_b):
    bu = _blockdiag(lin_w[:, :EMB_K])
    bv = _blockdiag(lin_w[:, EMB_K:])
    bh16 = jnp.zeros((1, PJ), jnp.float32).at[0, :NCLS].set(0.5 * lin_b)
    bh = jnp.tile(bh16, (1, K1_NSUB))
    p2u, p2v = _make_tables(W.T, H.T, bu, bv, bh)
    pu = p2u.reshape(NROWS_PACK, PJ)
    pv = p2v.reshape(NROWS_PACK, PJ)
    return _score(x, pu, pv)


def kernel(x, W, H, lin_w, lin_b):
    return _run(x, W, H, lin_w, lin_b)

# --- scband reference (transcript-rebuilt; emitter-appended) ---
"""Pipeline reference for scband-ncf-ours-10866267259504 (READ-ONLY COPY).

The authoritative reference and input builder live on the scoring server;
editing this copy changes nothing except your own understanding.
"""

import jax, jax.numpy as jnp
import numpy as np

NUM_USERS = 1000000
NUM_ITEMS = 1000000
EMB_K = 16
BATCH = 16384

def setup_inputs(seed: int = 0) -> dict:
    key = jax.random.key(seed)
    k1, k2, k3, k4, k5 = jax.random.split(key, 5)
    x = jax.random.randint(k1, (BATCH, 2), 0, NUM_USERS, dtype=jnp.int32)
    W = jax.random.normal(k2, (NUM_USERS, EMB_K), dtype=jnp.float32)
    H = jax.random.normal(k3, (NUM_ITEMS, EMB_K), dtype=jnp.float32)
    lin_w = jax.random.normal(k4, (5, 2 * EMB_K), dtype=jnp.float32) * (1.0 / jnp.sqrt(2.0 * EMB_K))
    lin_b = jax.random.normal(k5, (5,), dtype=jnp.float32) * 0.01
    return {"x": x, "W": W, "H": H, "lin_w": lin_w, "lin_b": lin_b}

def reference(x, W, H, lin_w, lin_b):
    # NCF_ours.predict path: embed users/items via MF_BaseModel tables,
    # concat, linear(2k->5), softmax over dim=1.
    user_idx = x[:, 0]
    item_idx = x[:, 1]
    U_emb = jnp.take(W, user_idx, axis=0)
    V_emb = jnp.take(H, item_idx, axis=0)
    z_emb = jnp.concatenate([U_emb, V_emb], axis=1)
    h = z_emb @ lin_w.T + lin_b
    out = jax.nn.softmax(h, axis=1)
    return out

if __name__ == "__main__":
    import jax
    _d = setup_inputs()
    print(jax.jit(kernel)(*tuple(_d.values())))

</pallas_src>

<mosaic_0001>
#map = affine_map<(d0, d1) -> (0, 0)>
module attributes {stable_mosaic.version = 14 : i64} {
  func.func @_sc_body(%arg0: i32, %arg1: i32, %arg2: memref<16384x2xi32, #tpu.memory_space<hbm>>, %arg3: memref<1015808x16xf32, #tpu.memory_space<hbm>>, %arg4: memref<1015808x16xf32, #tpu.memory_space<hbm>>, %arg5: memref<16384x5xf32, #tpu.memory_space<hbm>>, %arg6: memref<512x2xi32, #tpu.memory_space<vmem>>, %arg7: memref<4x128xi32, #tpu.memory_space<vmem>>, %arg8: memref<4x128xi32, #tpu.memory_space<vmem>>, %arg9: memref<512x16xf32, #tpu.memory_space<vmem>>, %arg10: memref<512x16xf32, #tpu.memory_space<vmem>>, %arg11: memref<512x5xf32, #tpu.memory_space<vmem>>, %arg12: memref<!tpu.dma_semaphore, #tpu.memory_space<semaphore_mem>>) attributes {dimension_semantics = [#tpu.dimension_semantics<core_parallel>, #tpu.dimension_semantics<subcore_parallel>], iteration_bounds = array<i64: 2, 16>, scalar_prefetch = 0 : i64, scratch_operands = 7 : i64, tpu.core_type = #tpu.core_type<sc_vector_subcore>, window_params = [{transform_indices = #map}, {transform_indices = #map}, {transform_indices = #map}, {transform_indices = #map}]} {
    %mul3A = arith.constant 2 : i32
    %mul3A_0 = arith.muli %arg1, %mul3A : i32
    %add3A = arith.addi %mul3A_0, %arg0 : i32
    %mul3A_1 = arith.constant 512 : i32
    %mul3A_2 = arith.muli %add3A, %mul3A_1 : i32
    "tpu.region"() ({
      %run_scoped3A = tpu.sem_alloc : memref<!tpu.dma_semaphore, #tpu.memory_space<semaphore_mem>>
      %dma_start3A_1290 = arith.constant 0 : i32
      %dma_start3A_1291 = tpu.memref_slice %arg2[%mul3A_2, %dma_start3A_1290] : memref<16384x2xi32, #tpu.memory_space<hbm>> -> memref<512x2xi32, #tpu.memory_space<hbm>>
      %dma_start3A_1292 = arith.constant 0 : i32
      %dma_start3A_1293 = tpu.memref_slice %arg2[%mul3A_2, %dma_start3A_1292] : memref<16384x2xi32, #tpu.memory_space<hbm>> -> memref<512x2xi32, #tpu.memory_space<hbm>>
      tpu.enqueue_dma source(%dma_start3A_1293 : memref<512x2xi32, #tpu.memory_space<hbm>>) target(%arg6 : memref<512x2xi32, #tpu.memory_space<vmem>>) target_semaphore(%run_scoped3A : memref<!tpu.dma_semaphore, #tpu.memory_space<semaphore_mem>>)
      %dma_wait3A_1294 = arith.constant 0 : i32
      %dma_wait3A_1295 = tpu.memref_slice %arg2[%mul3A_2, %dma_wait3A_1294] : memref<16384x2xi32, #tpu.memory_space<hbm>> -> memref<512x2xi32, #tpu.memory_space<hbm>>
      %dma_wait3A_1296 = arith.constant 0 : i32
      %dma_wait3A_1297 = tpu.memref_slice %arg2[%mul3A_2, %dma_wait3A_1296] : memref<16384x2xi32, #tpu.memory_space<hbm>> -> memref<512x2xi32, #tpu.memory_space<hbm>>
      tpu.wait_dma2 semaphore(%run_scoped3A : memref<!tpu.dma_semaphore, #tpu.memory_space<semaphore_mem>>) src(%dma_wait3A_1297 : memref<512x2xi32, #tpu.memory_space<hbm>>) dst(%arg6 : memref<512x2xi32, #tpu.memory_space<vmem>>)
      tpu.yield
    }) : () -> ()
    %iota3A = tpu.iota {dimensions = array<i32: 0>} : vector<16xi32>
    %broadcast_in_dim3A = arith.constant 0 : i32
    %broadcast_in_dim3A_3 = vector.broadcast %broadcast_in_dim3A : i32 to vector<16xi32>
    %broadcast_in_dim3A_4 = arith.constant 1 : i32
    %broadcast_in_dim3A_5 = vector.broadcast %broadcast_in_dim3A_4 : i32 to vector<16xi32>
    %broadcast_in_dim3A_6 = arith.constant -32768 : i32
    %broadcast_in_dim3A_7 = vector.broadcast %broadcast_in_dim3A_6 : i32 to vector<16xi32>
    %broadcast_in_dim3A_8 = arith.constant 4095 : i32
    %broadcast_in_dim3A_9 = vector.broadcast %broadcast_in_dim3A_8 : i32 to vector<16xi32>
    %broadcast_in_dim3A_10 = arith.constant 7 : i32
    %broadcast_in_dim3A_11 = vector.broadcast %broadcast_in_dim3A_10 : i32 to vector<16xi32>
    %add3A_12 = arith.constant 0 : i32
    %add3A_13 = vector.broadcast %add3A_12 : i32 to vector<16xi32>
    %add3A_14 = arith.addi %add3A_13, %iota3A : vector<16xi32>
    %gather3A = tpu.vector_load_idx %arg6[%add3A_14, %broadcast_in_dim3A_3] : memref<512x2xi32, #tpu.memory_space<vmem>>[vector<16xi32>, vector<16xi32>], vector<16xi32>,
    %gather3A_15 = tpu.vector_load_idx %arg6[%add3A_14, %broadcast_in_dim3A_5] : memref<512x2xi32, #tpu.memory_space<vmem>>[vector<16xi32>, vector<16xi32>], vector<16xi32>,
    %and3A = arith.andi %gather3A, %broadcast_in_dim3A_7 : vector<16xi32>
    %and3A_16 = arith.andi %gather3A, %broadcast_in_dim3A_9 : vector<16xi32>
    %shift_left3A = arith.constant 3 : i32
    %shift_left3A_17 = vector.broadcast %shift_left3A : i32 to vector<16xi32>
    %shift_left3A_18 = arith.shli %and3A_16, %shift_left3A_17 : vector<16xi32>
    %add3A_19 = arith.addi %and3A, %shift_left3A_18 : vector<16xi32>
    %shift_right_arithmetic3A = arith.constant 12 : i32
    %shift_right_arithmetic3A_20 = vector.broadcast %shift_right_arithmetic3A : i32 to vector<16xi32>
    %shift_right_arithmetic3A_21 = arith.shrsi %gather3A, %shift_right_arithmetic3A_20 : vector<16xi32>
    %and3A_22 = arith.andi %shift_right_arithmetic3A_21, %broadcast_in_dim3A_11 : vector<16xi32>
    %add3A_23 = arith.addi %add3A_19, %and3A_22 : vector<16xi32>
    %swap3A = arith.constant 0 : i32
    %swap3A_24 = arith.index_cast %swap3A : i32 to index
    %swap3A_25 = arith.constant 0 : index
    %swap3A_26 = tpu.vector_load %arg7[%swap3A_24, %swap3A_25] {strides = array<i32>} : memref<4x128xi32, #tpu.memory_space<vmem>>, vector<16xi32>,
    tpu.vector_store %arg7[%swap3A_24, %swap3A_25], %add3A_23 {strides = array<i32>} : memref<4x128xi32, #tpu.memory_space<vmem>>, vector<16xi32>,
    %and3A_27 = arith.andi %gather3A_15, %broadcast_in_dim3A_7 : vector<16xi32>
    %and3A_28 = arith.andi %gather3A_15, %broadcast_in_dim3A_9 : vector<16xi32>
    %shift_left3A_29 = arith.constant 3 : i32
    %shift_left3A_30 = vector.broadcast %shift_left3A_29 : i32 to vector<16xi32>
    %shift_left3A_31 = arith.shli %and3A_28, %shift_left3A_30 : vector<16xi32>
    %add3A_32 = arith.addi %and3A_27, %shift_left3A_31 : vector<16xi32>
    %shift_right_arithmetic3A_33 = arith.constant 12 : i32
    %shift_right_arithmetic3A_34 = vector.broadcast %shift_right_arithmetic3A_33 : i32 to vector<16xi32>
    %shift_right_arithmetic3A_35 = arith.shrsi %gather3A_15, %shift_right_arithmetic3A_34 : vector<16xi32>
    %and3A_36 = arith.andi %shift_right_arithmetic3A_35, %broadcast_in_dim3A_11 : vector<16xi32>
    %add3A_37 = arith.addi %add3A_32, %and3A_36 : vector<16xi32>
    %swap3A_38 = arith.constant 0 : i32
    %swap3A_39 = arith.index_cast %swap3A_38 : i32 to index
    %swap3A_40 = arith.constant 0 : index
    %swap3A_41 = tpu.vector_load %arg8[%swap3A_39, %swap3A_40] {strides = array<i32>} : memref<4x128xi32, #tpu.memory_space<vmem>>, vector<16xi32>,
    tpu.vector_store %arg8[%swap3A_39, %swap3A_40], %add3A_37 {strides = array<i32>} : memref<4x128xi32, #tpu.memory_space<vmem>>, vector<16xi32>,
    %add3A_42 = arith.constant 16 : i32
    %add3A_43 = vector.broadcast %add3A_42 : i32 to vector<16xi32>
    %add3A_44 = arith.addi %add3A_43, %iota3A : vector<16xi32>
    %gather3A_45 = tpu.vector_load_idx %arg6[%add3A_44, %broadcast_in_dim3A_3] : memref<512x2xi32, #tpu.memory_space<vmem>>[vector<16xi32>, vector<16xi32>], vector<16xi32>,
    %gather3A_46 = tpu.vector_load_idx %arg6[%add3A_44, %broadcast_in_dim3A_5] : memref<512x2xi32, #tpu.memory_space<vmem>>[vector<16xi32>, vector<16xi32>], vector<16xi32>,
    %and3A_47 = arith.andi %gather3A_45, %broadcast_in_dim3A_7 : vector<16xi32>
    %and3A_48 = arith.andi %gather3A_45, %broadcast_in_dim3A_9 : vector<16xi32>
    %shift_left3A_49 = arith.constant 3 : i32
    %shift_left3A_50 = vector.broadcast %shift_left3A_49 : i32 to vector<16xi32>
    %shift_left3A_51 = arith.shli %and3A_48, %shift_left3A_50 : vector<16xi32>
    %add3A_52 = arith.addi %and3A_47, %shift_left3A_51 : vector<16xi32>
    %shift_right_arithmetic3A_53 = arith.constant 12 : i32
    %shift_right_arithmetic3A_54 = vector.broadcast %shift_right_arithmetic3A_53 : i32 to vector<16xi32>
    %shift_right_arithmetic3A_55 = arith.shrsi %gather3A_45, %shift_right_arithmetic3A_54 : vector<16xi32>
    %and3A_56 = arith.andi %shift_right_arithmetic3A_55, %broadcast_in_dim3A_11 : vector<16xi32>
    %add3A_57 = arith.addi %add3A_52, %and3A_56 : vector<16xi32>
    %swap3A_58 = arith.constant 0 : i32
    %swap3A_59 = arith.index_cast %swap3A_58 : i32 to index
    %swap3A_60 = arith.constant 16 : index
    %swap3A_61 = tpu.vector_load %arg7[%swap3A_59, %swap3A_60] {strides = array<i32>} : memref<4x128xi32, #tpu.memory_space<vmem>>, vector<16xi32>,
    tpu.vector_store %arg7[%swap3A_59, %swap3A_60], %add3A_57 {strides = array<i32>} : memref<4x128xi32, #tpu.memory_space<vmem>>, vector<16xi32>,
    %and3A_62 = arith.andi %gather3A_46, %broadcast_in_dim3A_7 : vector<16xi32>
    %and3A_63 = arith.andi %gather3A_46, %broadcast_in_dim3A_9 : vector<16xi32>
    %shift_left3A_64 = arith.constant 3 : i32
    %shift_left3A_65 = vector.broadcast %shift_left3A_64 : i32 to vector<16xi32>
    %shift_left3A_66 = arith.shli %and3A_63, %shift_left3A_65 : vector<16xi32>
    %add3A_67 = arith.addi %and3A_62, %shift_left3A_66 : vector<16xi32>
    %shift_right_arithmetic3A_68 = arith.constant 12 : i32
    %shift_right_arithmetic3A_69 = vector.broadcast %shift_right_arithmetic3A_68 : i32 to vector<16xi32>
    %shift_right_arithmetic3A_70 = arith.shrsi %gather3A_46, %shift_right_arithmetic3A_69 : vector<16xi32>
    %and3A_71 = arith.andi %shift_right_arithmetic3A_70, %broadcast_in_dim3A_11 : vector<16xi32>
    %add3A_72 = arith.addi %add3A_67, %and3A_71 : vector<16xi32>
    %swap3A_73 = arith.constant 0 : i32
    %swap3A_74 = arith.index_cast %swap3A_73 : i32 to index
    %swap3A_75 = arith.constant 16 : index
    %swap3A_76 = tpu.vector_load %arg8[%swap3A_74, %swap3A_75] {strides = array<i32>} : memref<4x128xi32, #tpu.memory_space<vmem>>, vector<16xi32>,
    tpu.vector_store %arg8[%swap3A_74, %swap3A_75], %add3A_72 {strides = array<i32>} : memref<4x128xi32, #tpu.memory_space<vmem>>, vector<16xi32>,
    %add3A_77 = arith.constant 32 : i32
    %add3A_78 = vector.broadcast %add3A_77 : i32 to vector<16xi32>
    %add3A_79 = arith.addi %add3A_78, %iota3A : vector<16xi32>
    %gather3A_80 = tpu.vector_load_idx %arg6[%add3A_79, %broadcast_in_dim3A_3] : memref<512x2xi32, #tpu.memory_space<vmem>>[vector<16xi32>, vector<16xi32>], vector<16xi32>,
    %gather3A_81 = tpu.vector_load_idx %arg6[%add3A_79, %broadcast_in_dim3A_5] : memref<512x2xi32, #tpu.memory_space<vmem>>[vector<16xi32>, vector<16xi32>], vector<16xi32>,
    %and3A_82 = arith.andi %gather3A_80, %broadcast_in_dim3A_7 : vector<16xi32>
    %and3A_83 = arith.andi %gather3A_80, %broadcast_in_dim3A_9 : vector<16xi32>
    %shift_left3A_84 = arith.constant 3 : i32
    %shift_left3A_85 = vector.broadcast %shift_left3A_84 : i32 to vector<16xi32>
    %shift_left3A_86 = arith.shli %and3A_83, %shift_left3A_85 : vector<16xi32>
    %add3A_87 = arith.addi %and3A_82, %shift_left3A_86 : vector<16xi32>
    %shift_right_arithmetic3A_88 = arith.constant 12 : i32
    %shift_right_arithmetic3A_89 = vector.broadcast %shift_right_arithmetic3A_88 : i32 to vector<16xi32>
    %shift_right_arithmetic3A_90 = arith.shrsi %gather3A_80, %shift_right_arithmetic3A_89 : vector<16xi32>
    %and3A_91 = arith.andi %shift_right_arithmetic3A_90, %broadcast_in_dim3A_11 : vector<16xi32>
    %add3A_92 = arith.addi %add3A_87, %and3A_91 : vector<16xi32>
    %swap3A_93 = arith.constant 0 : i32
    %swap3A_94 = arith.index_cast %swap3A_93 : i32 to index
    %swap3A_95 = arith.constant 32 : index
    %swap3A_96 = tpu.vector_load %arg7[%swap3A_94, %swap3A_95] {strides = array<i32>} : memref<4x128xi32, #tpu.memory_space<vmem>>, vector<16xi32>,
    tpu.vector_store %arg7[%swap3A_94, %swap3A_95], %add3A_92 {strides = array<i32>} : memref<4x128xi32, #tpu.memory_space<vmem>>, vector<16xi32>,
    %and3A_97 = arith.andi %gather3A_81, %broadcast_in_dim3A_7 : vector<16xi32>
    %and3A_98 = arith.andi %gather3A_81, %broadcast_in_dim3A_9 : vector<16xi32>
    %shift_left3A_99 = arith.constant 3 : i32
    %shift_left3A_100 = vector.broadcast %shift_left3A_99 : i32 to vector<16xi32>
    %shift_left3A_101 = arith.shli %and3A_98, %shift_left3A_100 : vector<16xi32>
    %add3A_102 = arith.addi %and3A_97, %shift_left3A_101 : vector<16xi32>
    %shift_right_arithmetic3A_103 = arith.constant 12 : i32
    %shift_right_arithmetic3A_104 = vector.broadcast %shift_right_arithmetic3A_103 : i32 to vector<16xi32>
    %shift_right_arithmetic3A_105 = arith.shrsi %gather3A_81, %shift_right_arithmetic3A_104 : vector<16xi32>
    %and3A_106 = arith.andi %shift_right_arithmetic3A_105, %broadcast_in_dim3A_11 : vector<16xi32>
    %add3A_107 = arith.addi %add3A_102, %and3A_106 : vector<16xi32>
    %swap3A_108 = arith.constant 0 : i32
    %swap3A_109 = arith.index_cast %swap3A_108 : i32 to index
    %swap3A_110 = arith.constant 32 : index
    %swap3A_111 = tpu.vector_load %arg8[%swap3A_109, %swap3A_110] {strides = array<i32>} : memref<4x128xi32, #tpu.memory_space<vmem>>, vector<16xi32>,
    tpu.vector_store %arg8[%swap3A_109, %swap3A_110], %add3A_107 {strides = array<i32>} : memref<4x128xi32, #tpu.memory_space<vmem>>, vector<16xi32>,
    %add3A_112 = arith.constant 48 : i32
    %add3A_113 = vector.broadcast %add3A_112 : i32 to vector<16xi32>
    %add3A_114 = arith.addi %add3A_113, %iota3A : vector<16xi32>
    %gather3A_115 = tpu.vector_load_idx %arg6[%add3A_114, %broadcast_in_dim3A_3] : memref<512x2xi32, #tpu.memory_space<vmem>>[vector<16xi32>, vector<16xi32>], vector<16xi32>,
    %gather3A_116 = tpu.vector_load_idx %arg6[%add3A_114, %broadcast_in_dim3A_5] : memref<512x2xi32, #tpu.memory_space<vmem>>[vector<16xi32>, vector<16xi32>], vector<16xi32>,
    %and3A_117 = arith.andi %gather3A_115, %broadcast_in_dim3A_7 : vector<16xi32>
    %and3A_118 = arith.andi %gather3A_115, %broadcast_in_dim3A_9 : vector<16xi32>
    %shift_left3A_119 = arith.constant 3 : i32
    %shift_left3A_120 = vector.broadcast %shift_left3A_119 : i32 to vector<16xi32>
    %shift_left3A_121 = arith.shli %and3A_118, %shift_left3A_120 : vector<16xi32>
    %add3A_122 = arith.addi %and3A_117, %shift_left3A_121 : vector<16xi32>
    %shift_right_arithmetic3A_123 = arith.constant 12 : i32
    %shift_right_arithmetic3A_124 = vector.broadcast %shift_right_arithmetic3A_123 : i32 to vector<16xi32>
    %shift_right_arithmetic3A_125 = arith.shrsi %gather3A_115, %shift_right_arithmetic3A_124 : vector<16xi32>
    %and3A_126 = arith.andi %shift_right_arithmetic3A_125, %broadcast_in_dim3A_11 : vector<16xi32>
    %add3A_127 = arith.addi %add3A_122, %and3A_126 : vector<16xi32>
    %swap3A_128 = arith.constant 0 : i32
    %swap3A_129 = arith.index_cast %swap3A_128 : i32 to index
    %swap3A_130 = arith.constant 48 : index
    %swap3A_131 = tpu.vector_load %arg7[%swap3A_129, %swap3A_130] {strides = array<i32>} : memref<4x128xi32, #tpu.memory_space<vmem>>, vector<16xi32>,
    tpu.vector_store %arg7[%swap3A_129, %swap3A_130], %add3A_127 {strides = array<i32>} : memref<4x128xi32, #tpu.memory_space<vmem>>, vector<16xi32>,
    %and3A_132 = arith.andi %gather3A_116, %broadcast_in_dim3A_7 : vector<16xi32>
    %and3A_133 = arith.andi %gather3A_116, %broadcast_in_dim3A_9 : vector<16xi32>
    %shift_left3A_134 = arith.constant 3 : i32
    %shift_left3A_135 = vector.broadcast %shift_left3A_134 : i32 to vector<16xi32>
    %shift_left3A_136 = arith.shli %and3A_133, %shift_left3A_135 : vector<16xi32>
    %add3A_137 = arith.addi %and3A_132, %shift_left3A_136 : vector<16xi32>
    %shift_right_arithmetic3A_138 = arith.constant 12 : i32
    %shift_right_arithmetic3A_139 = vector.broadcast %shift_right_arithmetic3A_138 : i32 to vector<16xi32>
    %shift_right_arithmetic3A_140 = arith.shrsi %gather3A_116, %shift_right_arithmetic3A_139 : vector<16xi32>
    %and3A_141 = arith.andi %shift_right_arithmetic3A_140, %broadcast_in_dim3A_11 : vector<16xi32>
    %add3A_142 = arith.addi %add3A_137, %and3A_141 : vector<16xi32>
    %swap3A_143 = arith.constant 0 : i32
    %swap3A_144 = arith.index_cast %swap3A_143 : i32 to index
    %swap3A_145 = arith.constant 48 : index
    %swap3A_146 = tpu.vector_load %arg8[%swap3A_144, %swap3A_145] {strides = array<i32>} : memref<4x128xi32, #tpu.memory_space<vmem>>, vector<16xi32>,
    tpu.vector_store %arg8[%swap3A_144, %swap3A_145], %add3A_142 {strides = array<i32>} : memref<4x128xi32, #tpu.memory_space<vmem>>, vector<16xi32>,
    %add3A_147 = arith.constant 64 : i32
    %add3A_148 = vector.broadcast %add3A_147 : i32 to vector<16xi32>
    %add3A_149 = arith.addi %add3A_148, %iota3A : vector<16xi32>
    %gather3A_150 = tpu.vector_load_idx %arg6[%add3A_149, %broadcast_in_dim3A_3] : memref<512x2xi32, #tpu.memory_space<vmem>>[vector<16xi32>, vector<16xi32>], vector<16xi32>,
    %gather3A_151 = tpu.vector_load_idx %arg6[%add3A_149, %broadcast_in_dim3A_5] : memref<512x2xi32, #tpu.memory_space<vmem>>[vector<16xi32>, vector<16xi32>], vector<16xi32>,
    %and3A_152 = arith.andi %gather3A_150, %broadcast_in_dim3A_7 : vector<16xi32>
    %and3A_153 = arith.andi %gather3A_150, %broadcast_in_dim3A_9 : vector<16xi32>
    %shift_left3A_154 = arith.constant 3 : i32
    %shift_left3A_155 = vector.broadcast %shift_left3A_154 : i32 to vector<16xi32>
    %shift_left3A_156 = arith.shli %and3A_153, %shift_left3A_155 : vector<16xi32>
    %add3A_157 = arith.addi %and3A_152, %shift_left3A_156 : vector<16xi32>
    %shift_right_arithmetic3A_158 = arith.constant 12 : i32
    %shift_right_arithmetic3A_159 = vector.broadcast %shift_right_arithmetic3A_158 : i32 to vector<16xi32>
    %shift_right_arithmetic3A_160 = arith.shrsi %gather3A_150, %shift_right_arithmetic3A_159 : vector<16xi32>
    %and3A_161 = arith.andi %shift_right_arithmetic3A_160, %broadcast_in_dim3A_11 : vector<16xi32>
    %add3A_162 = arith.addi %add3A_157, %and3A_161 : vector<16xi32>
    %swap3A_163 = arith.constant 0 : i32
    %swap3A_164 = arith.index_cast %swap3A_163 : i32 to index
    %swap3A_165 = arith.constant 64 : index
    %swap3A_166 = tpu.vector_load %arg7[%swap3A_164, %swap3A_165] {strides = array<i32>} : memref<4x128xi32, #tpu.memory_space<vmem>>, vector<16xi32>,
    tpu.vector_store %arg7[%swap3A_164, %swap3A_165], %add3A_162 {strides = array<i32>} : memref<4x128xi32, #tpu.memory_space<vmem>>, vector<16xi32>,
    %and3A_167 = arith.andi %gather3A_151, %broadcast_in_dim3A_7 : vector<16xi32>
    %and3A_168 = arith.andi %gather3A_151, %broadcast_in_dim3A_9 : vector<16xi32>
    %shift_left3A_169 = arith.constant 3 : i32
    %shift_left3A_170 = vector.broadcast %shift_left3A_169 : i32 to vector<16xi32>
    %shift_left3A_171 = arith.shli %and3A_168, %shift_left3A_170 : vector<16xi32>
    %add3A_172 = arith.addi %and3A_167, %shift_left3A_171 : vector<16xi32>
    %shift_right_arithmetic3A_173 = arith.constant 12 : i32
    %shift_right_arithmetic3A_174 = vector.broadcast %shift_right_arithmetic3A_173 : i32 to vector<16xi32>
    %shift_right_arithmetic3A_175 = arith.shrsi %gather3A_151, %shift_right_arithmetic3A_174 : vector<16xi32>
    %and3A_176 = arith.andi %shift_right_arithmetic3A_175, %broadcast_in_dim3A_11 : vector<16xi32>
    %add3A_177 = arith.addi %add3A_172, %and3A_176 : vector<16xi32>
    %swap3A_178 = arith.constant 0 : i32
    %swap3A_179 = arith.index_cast %swap3A_178 : i32 to index
    %swap3A_180 = arith.constant 64 : index
    %swap3A_181 = tpu.vector_load %arg8[%swap3A_179, %swap3A_180] {strides = array<i32>} : memref<4x128xi32, #tpu.memory_space<vmem>>, vector<16xi32>,
    tpu.vector_store %arg8[%swap3A_179, %swap3A_180], %add3A_177 {strides = array<i32>} : memref<4x128xi32, #tpu.memory_space<vmem>>, vector<16xi32>,
    %add3A_182 = arith.constant 80 : i32
    %add3A_183 = vector.broadcast %add3A_182 : i32 to vector<16xi32>
    %add3A_184 = arith.addi %add3A_183, %iota3A : vector<16xi32>
    %gather3A_185 = tpu.vector_load_idx %arg6[%add3A_184, %broadcast_in_dim3A_3] : memref<512x2xi32, #tpu.memory_space<vmem>>[vector<16xi32>, vector<16xi32>], vector<16xi32>,
    %gather3A_186 = tpu.vector_load_idx %arg6[%add3A_184, %broadcast_in_dim3A_5] : memref<512x2xi32, #tpu.memory_space<vmem>>[vector<16xi32>, vector<16xi32>], vector<16xi32>,
    %and3A_187 = arith.andi %gather3A_185, %broadcast_in_dim3A_7 : vector<16xi32>
    %and3A_188 = arith.andi %gather3A_185, %broadcast_in_dim3A_9 : vector<16xi32>
    %shift_left3A_189 = arith.constant 3 : i32
    %shift_left3A_190 = vector.broadcast %shift_left3A_189 : i32 to vector<16xi32>
    %shift_left3A_191 = arith.shli %and3A_188, %shift_left3A_190 : vector<16xi32>
    %add3A_192 = arith.addi %and3A_187, %shift_left3A_191 : vector<16xi32>
    %shift_right_arithmetic3A_193 = arith.constant 12 : i32
    %shift_right_arithmetic3A_194 = vector.broadcast %shift_right_arithmetic3A_193 : i32 to vector<16xi32>
    %shift_right_arithmetic3A_195 = arith.shrsi %gather3A_185, %shift_right_arithmetic3A_194 : vector<16xi32>
    %and3A_196 = arith.andi %shift_right_arithmetic3A_195, %broadcast_in_dim3A_11 : vector<16xi32>
    %add3A_197 = arith.addi %add3A_192, %and3A_196 : vector<16xi32>
    %swap3A_198 = arith.constant 0 : i32
    %swap3A_199 = arith.index_cast %swap3A_198 : i32 to index
    %swap3A_200 = arith.constant 80 : index
    %swap3A_201 = tpu.vector_load %arg7[%swap3A_199, %swap3A_200] {strides = array<i32>} : memref<4x128xi32, #tpu.memory_space<vmem>>, vector<16xi32>,
    tpu.vector_store %arg7[%swap3A_199, %swap3A_200], %add3A_197 {strides = array<i32>} : memref<4x128xi32, #tpu.memory_space<vmem>>, vector<16xi32>,
    %and3A_202 = arith.andi %gather3A_186, %broadcast_in_dim3A_7 : vector<16xi32>
    %and3A_203 = arith.andi %gather3A_186, %broadcast_in_dim3A_9 : vector<16xi32>
    %shift_left3A_204 = arith.constant 3 : i32
    %shift_left3A_205 = vector.broadcast %shift_left3A_204 : i32 to vector<16xi32>
    %shift_left3A_206 = arith.shli %and3A_203, %shift_left3A_205 : vector<16xi32>
    %add3A_207 = arith.addi %and3A_202, %shift_left3A_206 : vector<16xi32>
    %shift_right_arithmetic3A_208 = arith.constant 12 : i32
    %shift_right_arithmetic3A_209 = vector.broadcast %shift_right_arithmetic3A_208 : i32 to vector<16xi32>
    %shift_right_arithmetic3A_210 = arith.shrsi %gather3A_186, %shift_right_arithmetic3A_209 : vector<16xi32>
    %and3A_211 = arith.andi %shift_right_arithmetic3A_210, %broadcast_in_dim3A_11 : vector<16xi32>
    %add3A_212 = arith.addi %add3A_207, %and3A_211 : vector<16xi32>
    %swap3A_213 = arith.constant 0 : i32
    %swap3A_214 = arith.index_cast %swap3A_213 : i32 to index
    %swap3A_215 = arith.constant 80 : index
    %swap3A_216 = tpu.vector_load %arg8[%swap3A_214, %swap3A_215] {strides = array<i32>} : memref<4x128xi32, #tpu.memory_space<vmem>>, vector<16xi32>,
    tpu.vector_store %arg8[%swap3A_214, %swap3A_215], %add3A_212 {strides = array<i32>} : memref<4x128xi32, #tpu.memory_space<vmem>>, vector<16xi32>,
    %add3A_217 = arith.constant 96 : i32
    %add3A_218 = vector.broadcast %add3A_217 : i32 to vector<16xi32>
    %add3A_219 = arith.addi %add3A_218, %iota3A : vector<16xi32>
    %gather3A_220 = tpu.vector_load_idx %arg6[%add3A_219, %broadcast_in_dim3A_3] : memref<512x2xi32, #tpu.memory_space<vmem>>[vector<16xi32>, vector<16xi32>], vector<16xi32>,
    %gather3A_221 = tpu.vector_load_idx %arg6[%add3A_219, %broadcast_in_dim3A_5] : memref<512x2xi32, #tpu.memory_space<vmem>>[vector<16xi32>, vector<16xi32>], vector<16xi32>,
    %and3A_222 = arith.andi %gather3A_220, %broadcast_in_dim3A_7 : vector<16xi32>
    %and3A_223 = arith.andi %gather3A_220, %broadcast_in_dim3A_9 : vector<16xi32>
    %shift_left3A_224 = arith.constant 3 : i32
    %shift_left3A_225 = vector.broadcast %shift_left3A_224 : i32 to vector<16xi32>
    %shift_left3A_226 = arith.shli %and3A_223, %shift_left3A_225 : vector<16xi32>
    %add3A_227 = arith.addi %and3A_222, %shift_left3A_226 : vector<16xi32>
    %shift_right_arithmetic3A_228 = arith.constant 12 : i32
    %shift_right_arithmetic3A_229 = vector.broadcast %shift_right_arithmetic3A_228 : i32 to vector<16xi32>
    %shift_right_arithmetic3A_230 = arith.shrsi %gather3A_220, %shift_right_arithmetic3A_229 : vector<16xi32>
    %and3A_231 = arith.andi %shift_right_arithmetic3A_230, %broadcast_in_dim3A_11 : vector<16xi32>
    %add3A_232 = arith.addi %add3A_227, %and3A_231 : vector<16xi32>
    %swap3A_233 = arith.constant 0 : i32
    %swap3A_234 = arith.index_cast %swap3A_233 : i32 to index
    %swap3A_235 = arith.constant 96 : index
    %swap3A_236 = tpu.vector_load %arg7[%swap3A_234, %swap3A_235] {strides = array<i32>} : memref<4x128xi32, #tpu.memory_space<vmem>>, vector<16xi32>,
    tpu.vector_store %arg7[%swap3A_234, %swap3A_235], %add3A_232 {strides = array<i32>} : memref<4x128xi32, #tpu.memory_space<vmem>>, vector<16xi32>,
    %and3A_237 = arith.andi %gather3A_221, %broadcast_in_dim3A_7 : vector<16xi32>
    %and3A_238 = arith.andi %gather3A_221, %broadcast_in_dim3A_9 : vector<16xi32>
    %shift_left3A_239 = arith.constant 3 : i32
    %shift_left3A_240 = vector.broadcast %shift_left3A_239 : i32 to vector<16xi32>
    %shift_left3A_241 = arith.shli %and3A_238, %shift_left3A_240 : vector<16xi32>
    %add3A_242 = arith.addi %and3A_237, %shift_left3A_241 : vector<16xi32>
    %shift_right_arithmetic3A_243 = arith.constant 12 : i32
    %shift_right_arithmetic3A_244 = vector.broadcast %shift_right_arithmetic3A_243 : i32 to vector<16xi32>
    %shift_right_arithmetic3A_245 = arith.shrsi %gather3A_221, %shift_right_arithmetic3A_244 : vector<16xi32>
    %and3A_246 = arith.andi %shift_right_arithmetic3A_245, %broadcast_in_dim3A_11 : vector<16xi32>
    %add3A_247 = arith.addi %add3A_242, %and3A_246 : vector<16xi32>
    %swap3A_248 = arith.constant 0 : i32
    %swap3A_249 = arith.index_cast %swap3A_248 : i32 to index
    %swap3A_250 = arith.constant 96 : index
    %swap3A_251 = tpu.vector_load %arg8[%swap3A_249, %swap3A_250] {strides = array<i32>} : memref<4x128xi32, #tpu.memory_space<vmem>>, vector<16xi32>,
    tpu.vector_store %arg8[%swap3A_249, %swap3A_250], %add3A_247 {strides = array<i32>} : memref<4x128xi32, #tpu.memory_space<vmem>>, vector<16xi32>,
    %add3A_252 = arith.constant 112 : i32
    %add3A_253 = vector.broadcast %add3A_252 : i32 to vector<16xi32>
    %add3A_254 = arith.addi %add3A_253, %iota3A : vector<16xi32>
    %gather3A_255 = tpu.vector_load_idx %arg6[%add3A_254, %broadcast_in_dim3A_3] : memref<512x2xi32, #tpu.memory_space<vmem>>[vector<16xi32>, vector<16xi32>], vector<16xi32>,
    %gather3A_256 = tpu.vector_load_idx %arg6[%add3A_254, %broadcast_in_dim3A_5] : memref<512x2xi32, #tpu.memory_space<vmem>>[vector<16xi32>, vector<16xi32>], vector<16xi32>,
    %and3A_257 = arith.andi %gather3A_255, %broadcast_in_dim3A_7 : vector<16xi32>
    %and3A_258 = arith.andi %gather3A_255, %broadcast_in_dim3A_9 : vector<16xi32>
    %shift_left3A_259 = arith.constant 3 : i32
    %shift_left3A_260 = vector.broadcast %shift_left3A_259 : i32 to vector<16xi32>
    %shift_left3A_261 = arith.shli %and3A_258, %shift_left3A_260 : vector<16xi32>
    %add3A_262 = arith.addi %and3A_257, %shift_left3A_261 : vector<16xi32>
    %shift_right_arithmetic3A_263 = arith.constant 12 : i32
    %shift_right_arithmetic3A_264 = vector.broadcast %shift_right_arithmetic3A_263 : i32 to vector<16xi32>
    %shift_right_arithmetic3A_265 = arith.shrsi %gather3A_255, %shift_right_arithmetic3A_264 : vector<16xi32>
    %and3A_266 = arith.andi %shift_right_arithmetic3A_265, %broadcast_in_dim3A_11 : vector<16xi32>
    %add3A_267 = arith.addi %add3A_262, %and3A_266 : vector<16xi32>
    %swap3A_268 = arith.constant 0 : i32
    %swap3A_269 = arith.index_cast %swap3A_268 : i32 to index
    %swap3A_270 = arith.constant 112 : index
    %swap3A_271 = tpu.vector_load %arg7[%swap3A_269, %swap3A_270] {strides = array<i32>} : memref<4x128xi32, #tpu.memory_space<vmem>>, vector<16xi32>,
    tpu.vector_store %arg7[%swap3A_269, %swap3A_270], %add3A_267 {strides = array<i32>} : memref<4x128xi32, #tpu.memory_space<vmem>>, vector<16xi32>,
    %and3A_272 = arith.andi %gather3A_256, %broadcast_in_dim3A_7 : vector<16xi32>
    %and3A_273 = arith.andi %gather3A_256, %broadcast_in_dim3A_9 : vector<16xi32>
    %shift_left3A_274 = arith.constant 3 : i32
    %shift_left3A_275 = vector.broadcast %shift_left3A_274 : i32 to vector<16xi32>
    %shift_left3A_276 = arith.shli %and3A_273, %shift_left3A_275 : vector<16xi32>
    %add3A_277 = arith.addi %and3A_272, %shift_left3A_276 : vector<16xi32>
    %shift_right_arithmetic3A_278 = arith.constant 12 : i32
    %shift_right_arithmetic3A_279 = vector.broadcast %shift_right_arithmetic3A_278 : i32 to vector<16xi32>
    %shift_right_arithmetic3A_280 = arith.shrsi %gather3A_256, %shift_right_arithmetic3A_279 : vector<16xi32>
    %and3A_281 = arith.andi %shift_right_arithmetic3A_280, %broadcast_in_dim3A_11 : vector<16xi32>
    %add3A_282 = arith.addi %add3A_277, %and3A_281 : vector<16xi32>
    %swap3A_283 = arith.constant 0 : i32
    %swap3A_284 = arith.index_cast %swap3A_283 : i32 to index
    %swap3A_285 = arith.constant 112 : index
    %swap3A_286 = tpu.vector_load %arg8[%swap3A_284, %swap3A_285] {strides = array<i32>} : memref<4x128xi32, #tpu.memory_space<vmem>>, vector<16xi32>,
    tpu.vector_store %arg8[%swap3A_284, %swap3A_285], %add3A_282 {strides = array<i32>} : memref<4x128xi32, #tpu.memory_space<vmem>>, vector<16xi32>,
    %add3A_287 = arith.constant 128 : i32
    %add3A_288 = vector.broadcast %add3A_287 : i32 to vector<16xi32>
    %add3A_289 = arith.addi %add3A_288, %iota3A : vector<16xi32>
    %gather3A_290 = tpu.vector_load_idx %arg6[%add3A_289, %broadcast_in_dim3A_3] : memref<512x2xi32, #tpu.memory_space<vmem>>[vector<16xi32>, vector<16xi32>], vector<16xi32>,
    %gather3A_291 = tpu.vector_load_idx %arg6[%add3A_289, %broadcast_in_dim3A_5] : memref<512x2xi32, #tpu.memory_space<vmem>>[vector<16xi32>, vector<16xi32>], vector<16xi32>,
    %and3A_292 = arith.andi %gather3A_290, %broadcast_in_dim3A_7 : vector<16xi32>
    %and3A_293 = arith.andi %gather3A_290, %broadcast_in_dim3A_9 : vector<16xi32>
    %shift_left3A_294 = arith.constant 3 : i32
    %shift_left3A_295 = vector.broadcast %shift_left3A_294 : i32 to vector<16xi32>
    %shift_left3A_296 = arith.shli %and3A_293, %shift_left3A_295 : vector<16xi32>
    %add3A_297 = arith.addi %and3A_292, %shift_left3A_296 : vector<16xi32>
    %shift_right_arithmetic3A_298 = arith.constant 12 : i32
    %shift_right_arithmetic3A_299 = vector.broadcast %shift_right_arithmetic3A_298 : i32 to vector<16xi32>
    %shift_right_arithmetic3A_300 = arith.shrsi %gather3A_290, %shift_right_arithmetic3A_299 : vector<16xi32>
    %and3A_301 = arith.andi %shift_right_arithmetic3A_300, %broadcast_in_dim3A_11 : vector<16xi32>
    %add3A_302 = arith.addi %add3A_297, %and3A_301 : vector<16xi32>
    %swap3A_303 = arith.constant 1 : i32
    %swap3A_304 = arith.index_cast %swap3A_303 : i32 to index
    %swap3A_305 = arith.constant 0 : index
    %swap3A_306 = tpu.vector_load %arg7[%swap3A_304, %swap3A_305] {strides = array<i32>} : memref<4x128xi32, #tpu.memory_space<vmem>>, vector<16xi32>,
    tpu.vector_store %arg7[%swap3A_304, %swap3A_305], %add3A_302 {strides = array<i32>} : memref<4x128xi32, #tpu.memory_space<vmem>>, vector<16xi32>,
    %and3A_307 = arith.andi %gather3A_291, %broadcast_in_dim3A_7 : vector<16xi32>
    %and3A_308 = arith.andi %gather3A_291, %broadcast_in_dim3A_9 : vector<16xi32>
    %shift_left3A_309 = arith.constant 3 : i32
    %shift_left3A_310 = vector.broadcast %shift_left3A_309 : i32 to vector<16xi32>
    %shift_left3A_311 = arith.shli %and3A_308, %shift_left3A_310 : vector<16xi32>
    %add3A_312 = arith.addi %and3A_307, %shift_left3A_311 : vector<16xi32>
    %shift_right_arithmetic3A_313 = arith.constant 12 : i32
    %shift_right_arithmetic3A_314 = vector.broadcast %shift_right_arithmetic3A_313 : i32 to vector<16xi32>
    %shift_right_arithmetic3A_315 = arith.shrsi %gather3A_291, %shift_right_arithmetic3A_314 : vector<16xi32>
    %and3A_316 = arith.andi %shift_right_arithmetic3A_315, %broadcast_in_dim3A_11 : vector<16xi32>
    %add3A_317 = arith.addi %add3A_312, %and3A_316 : vector<16xi32>
    %swap3A_318 = arith.constant 1 : i32
    %swap3A_319 = arith.index_cast %swap3A_318 : i32 to index
    %swap3A_320 = arith.constant 0 : index
    %swap3A_321 = tpu.vector_load %arg8[%swap3A_319, %swap3A_320] {strides = array<i32>} : memref<4x128xi32, #tpu.memory_space<vmem>>, vector<16xi32>,
    tpu.vector_store %arg8[%swap3A_319, %swap3A_320], %add3A_317 {strides = array<i32>} : memref<4x128xi32, #tpu.memory_space<vmem>>, vector<16xi32>,
    %add3A_322 = arith.constant 144 : i32
    %add3A_323 = vector.broadcast %add3A_322 : i32 to vector<16xi32>
    %add3A_324 = arith.addi %add3A_323, %iota3A : vector<16xi32>
    %gather3A_325 = tpu.vector_load_idx %arg6[%add3A_324, %broadcast_in_dim3A_3] : memref<512x2xi32, #tpu.memory_space<vmem>>[vector<16xi32>, vector<16xi32>], vector<16xi32>,
    %gather3A_326 = tpu.vector_load_idx %arg6[%add3A_324, %broadcast_in_dim3A_5] : memref<512x2xi32, #tpu.memory_space<vmem>>[vector<16xi32>, vector<16xi32>], vector<16xi32>,
    %and3A_327 = arith.andi %gather3A_325, %broadcast_in_dim3A_7 : vector<16xi32>
    %and3A_328 = arith.andi %gather3A_325, %broadcast_in_dim3A_9 : vector<16xi32>
    %shift_left3A_329 = arith.constant 3 : i32
    %shift_left3A_330 = vector.broadcast %shift_left3A_329 : i32 to vector<16xi32>
    %shift_left3A_331 = arith.shli %and3A_328, %shift_left3A_330 : vector<16xi32>
    %add3A_332 = arith.addi %and3A_327, %shift_left3A_331 : vector<16xi32>
    %shift_right_arithmetic3A_333 = arith.constant 12 : i32
    %shift_right_arithmetic3A_334 = vector.broadcast %shift_right_arithmetic3A_333 : i32 to vector<16xi32>
    %shift_right_arithmetic3A_335 = arith.shrsi %gather3A_325, %shift_right_arithmetic3A_334 : vector<16xi32>
    %and3A_336 = arith.andi %shift_right_arithmetic3A_335, %broadcast_in_dim3A_11 : vector<16xi32>
    %add3A_337 = arith.addi %add3A_332, %and3A_336 : vector<16xi32>
    %swap3A_338 = arith.constant 1 : i32
    %swap3A_339 = arith.index_cast %swap3A_338 : i32 to index
    %swap3A_340 = arith.constant 16 : index
    %swap3A_341 = tpu.vector_load %arg7[%swap3A_339, %swap3A_340] {strides = array<i32>} : memref<4x128xi32, #tpu.memory_space<vmem>>, vector<16xi32>,
    tpu.vector_store %arg7[%swap3A_339, %swap3A_340], %add3A_337 {strides = array<i32>} : memref<4x128xi32, #tpu.memory_space<vmem>>, vector<16xi32>,
    %and3A_342 = arith.andi %gather3A_326, %broadcast_in_dim3A_7 : vector<16xi32>
    %and3A_343 = arith.andi %gather3A_326, %broadcast_in_dim3A_9 : vector<16xi32>
    %shift_left3A_344 = arith.constant 3 : i32
    %shift_left3A_345 = vector.broadcast %shift_left3A_344 : i32 to vector<16xi32>
    %shift_left3A_346 = arith.shli %and3A_343, %shift_left3A_345 : vector<16xi32>
    %add3A_347 = arith.addi %and3A_342, %shift_left3A_346 : vector<16xi32>
    %shift_right_arithmetic3A_348 = arith.constant 12 : i32
    %shift_right_arithmetic3A_349 = vector.broadcast %shift_right_arithmetic3A_348 : i32 to vector<16xi32>
    %shift_right_arithmetic3A_350 = arith.shrsi %gather3A_326, %shift_right_arithmetic3A_349 : vector<16xi32>
    %and3A_351 = arith.andi %shift_right_arithmetic3A_350, %broadcast_in_dim3A_11 : vector<16xi32>
    %add3A_352 = arith.addi %add3A_347, %and3A_351 : vector<16xi32>
    %swap3A_353 = arith.constant 1 : i32
    %swap3A_354 = arith.index_cast %swap3A_353 : i32 to index
    %swap3A_355 = arith.constant 16 : index
    %swap3A_356 = tpu.vector_load %arg8[%swap3A_354, %swap3A_355] {strides = array<i32>} : memref<4x128xi32, #tpu.memory_space<vmem>>, vector<16xi32>,
    tpu.vector_store %arg8[%swap3A_354, %swap3A_355], %add3A_352 {strides = array<i32>} : memref<4x128xi32, #tpu.memory_space<vmem>>, vector<16xi32>,
    %add3A_357 = arith.constant 160 : i32
    %add3A_358 = vector.broadcast %add3A_357 : i32 to vector<16xi32>
    %add3A_359 = arith.addi %add3A_358, %iota3A : vector<16xi32>
    %gather3A_360 = tpu.vector_load_idx %arg6[%add3A_359, %broadcast_in_dim3A_3] : memref<512x2xi32, #tpu.memory_space<vmem>>[vector<16xi32>, vector<16xi32>], vector<16xi32>,
    %gather3A_361 = tpu.vector_load_idx %arg6[%add3A_359, %broadcast_in_dim3A_5] : memref<512x2xi32, #tpu.memory_space<vmem>>[vector<16xi32>, vector<16xi32>], vector<16xi32>,
    %and3A_362 = arith.andi %gather3A_360, %broadcast_in_dim3A_7 : vector<16xi32>
    %and3A_363 = arith.andi %gather3A_360, %broadcast_in_dim3A_9 : vector<16xi32>
    %shift_left3A_364 = arith.constant 3 : i32
    %shift_left3A_365 = vector.broadcast %shift_left3A_364 : i32 to vector<16xi32>
    %shift_left3A_366 = arith.shli %and3A_363, %shift_left3A_365 : vector<16xi32>
    %add3A_367 = arith.addi %and3A_362, %shift_left3A_366 : vector<16xi32>
    %shift_right_arithmetic3A_368 = arith.constant 12 : i32
    %shift_right_arithmetic3A_369 = vector.broadcast %shift_right_arithmetic3A_368 : i32 to vector<16xi32>
    %shift_right_arithmetic3A_370 = arith.shrsi %gather3A_360, %shift_right_arithmetic3A_369 : vector<16xi32>
    %and3A_371 = arith.andi %shift_right_arithmetic3A_370, %broadcast_in_dim3A_11 : vector<16xi32>
    %add3A_372 = arith.addi %add3A_367, %and3A_371 : vector<16xi32>
    %swap3A_373 = arith.constant 1 : i32
    %swap3A_374 = arith.index_cast %swap3A_373 : i32 to index
    %swap3A_375 = arith.constant 32 : index
    %swap3A_376 = tpu.vector_load %arg7[%swap3A_374, %swap3A_375] {strides = array<i32>} : memref<4x128xi32, #tpu.memory_space<vmem>>, vector<16xi32>,
    tpu.vector_store %arg7[%swap3A_374, %swap3A_375], %add3A_372 {strides = array<i32>} : memref<4x128xi32, #tpu.memory_space<vmem>>, vector<16xi32>,
    %and3A_377 = arith.andi %gather3A_361, %broadcast_in_dim3A_7 : vector<16xi32>
    %and3A_378 = arith.andi %gather3A_361, %broadcast_in_dim3A_9 : vector<16xi32>
    %shift_left3A_379 = arith.constant 3 : i32
    %shift_left3A_380 = vector.broadcast %shift_left3A_379 : i32 to vector<16xi32>
    %shift_left3A_381 = arith.shli %and3A_378, %shift_left3A_380 : vector<16xi32>
    %add3A_382 = arith.addi %and3A_377, %shift_left3A_381 : vector<16xi32>
    %shift_right_arithmetic3A_383 = arith.constant 12 : i32
    %shift_right_arithmetic3A_384 = vector.broadcast %shift_right_arithmetic3A_383 : i32 to vector<16xi32>
    %shift_right_arithmetic3A_385 = arith.shrsi %gather3A_361, %shift_right_arithmetic3A_384 : vector<16xi32>
    %and3A_386 = arith.andi %shift_right_arithmetic3A_385, %broadcast_in_dim3A_11 : vector<16xi32>
    %add3A_387 = arith.addi %add3A_382, %and3A_386 : vector<16xi32>
    %swap3A_388 = arith.constant 1 : i32
    %swap3A_389 = arith.index_cast %swap3A_388 : i32 to index
    %swap3A_390 = arith.constant 32 : index
    %swap3A_391 = tpu.vector_load %arg8[%swap3A_389, %swap3A_390] {strides = array<i32>} : memref<4x128xi32, #tpu.memory_space<vmem>>, vector<16xi32>,
    tpu.vector_store %arg8[%swap3A_389, %swap3A_390], %add3A_387 {strides = array<i32>} : memref<4x128xi32, #tpu.memory_space<vmem>>, vector<16xi32>,
    %add3A_392 = arith.constant 176 : i32
    %add3A_393 = vector.broadcast %add3A_392 : i32 to vector<16xi32>
    %add3A_394 = arith.addi %add3A_393, %iota3A : vector<16xi32>
    %gather3A_395 = tpu.vector_load_idx %arg6[%add3A_394, %broadcast_in_dim3A_3] : memref<512x2xi32, #tpu.memory_space<vmem>>[vector<16xi32>, vector<16xi32>], vector<16xi32>,
    %gather3A_396 = tpu.vector_load_idx %arg6[%add3A_394, %broadcast_in_dim3A_5] : memref<512x2xi32, #tpu.memory_space<vmem>>[vector<16xi32>, vector<16xi32>], vector<16xi32>,
    %and3A_397 = arith.andi %gather3A_395, %broadcast_in_dim3A_7 : vector<16xi32>
    %and3A_398 = arith.andi %gather3A_395, %broadcast_in_dim3A_9 : vector<16xi32>
    %shift_left3A_399 = arith.constant 3 : i32
    %shift_left3A_400 = vector.broadcast %shift_left3A_399 : i32 to vector<16xi32>
    %shift_left3A_401 = arith.shli %and3A_398, %shift_left3A_400 : vector<16xi32>
    %add3A_402 = arith.addi %and3A_397, %shift_left3A_401 : vector<16xi32>
    %shift_right_arithmetic3A_403 = arith.constant 12 : i32
    %shift_right_arithmetic3A_404 = vector.broadcast %shift_right_arithmetic3A_403 : i32 to vector<16xi32>
    %shift_right_arithmetic3A_405 = arith.shrsi %gather3A_395, %shift_right_arithmetic3A_404 : vector<16xi32>
    %and3A_406 = arith.andi %shift_right_arithmetic3A_405, %broadcast_in_dim3A_11 : vector<16xi32>
    %add3A_407 = arith.addi %add3A_402, %and3A_406 : vector<16xi32>
    %swap3A_408 = arith.constant 1 : i32
    %swap3A_409 = arith.index_cast %swap3A_408 : i32 to index
    %swap3A_410 = arith.constant 48 : index
    %swap3A_411 = tpu.vector_load %arg7[%swap3A_409, %swap3A_410] {strides = array<i32>} : memref<4x128xi32, #tpu.memory_space<vmem>>, vector<16xi32>,
    tpu.vector_store %arg7[%swap3A_409, %swap3A_410], %add3A_407 {strides = array<i32>} : memref<4x128xi32, #tpu.memory_space<vmem>>, vector<16xi32>,
    %and3A_412 = arith.andi %gather3A_396, %broadcast_in_dim3A_7 : vector<16xi32>
    %and3A_413 = arith.andi %gather3A_396, %broadcast_in_dim3A_9 : vector<16xi32>
    %shift_left3A_414 = arith.constant 3 : i32
    %shift_left3A_415 = vector.broadcast %shift_left3A_414 : i32 to vector<16xi32>
    %shift_left3A_416 = arith.shli %and3A_413, %shift_left3A_415 : vector<16xi32>
    %add3A_417 = arith.addi %and3A_412, %shift_left3A_416 : vector<16xi32>
    %shift_right_arithmetic3A_418 = arith.constant 12 : i32
    %shift_right_arithmetic3A_419 = vector.broadcast %shift_right_arithmetic3A_418 : i32 to vector<16xi32>
    %shift_right_arithmetic3A_420 = arith.shrsi %gather3A_396, %shift_right_arithmetic3A_419 : vector<16xi32>
    %and3A_421 = arith.andi %shift_right_arithmetic3A_420, %broadcast_in_dim3A_11 : vector<16xi32>
    %add3A_422 = arith.addi %add3A_417, %and3A_421 : vector<16xi32>
    %swap3A_423 = arith.constant 1 : i32
    %swap3A_424 = arith.index_cast %swap3A_423 : i32 to index
    %swap3A_425 = arith.constant 48 : index
    %swap3A_426 = tpu.vector_load %arg8[%swap3A_424, %swap3A_425] {strides = array<i32>} : memref<4x128xi32, #tpu.memory_space<vmem>>, vector<16xi32>,
    tpu.vector_store %arg8[%swap3A_424, %swap3A_425], %add3A_422 {strides = array<i32>} : memref<4x128xi32, #tpu.memory_space<vmem>>, vector<16xi32>,
    %add3A_427 = arith.constant 192 : i32
    %add3A_428 = vector.broadcast %add3A_427 : i32 to vector<16xi32>
    %add3A_429 = arith.addi %add3A_428, %iota3A : vector<16xi32>
    %gather3A_430 = tpu.vector_load_idx %arg6[%add3A_429, %broadcast_in_dim3A_3] : memref<512x2xi32, #tpu.memory_space<vmem>>[vector<16xi32>, vector<16xi32>], vector<16xi32>,
    %gather3A_431 = tpu.vector_load_idx %arg6[%add3A_429, %broadcast_in_dim3A_5] : memref<512x2xi32, #tpu.memory_space<vmem>>[vector<16xi32>, vector<16xi32>], vector<16xi32>,
    %and3A_432 = arith.andi %gather3A_430, %broadcast_in_dim3A_7 : vector<16xi32>
    %and3A_433 = arith.andi %gather3A_430, %broadcast_in_dim3A_9 : vector<16xi32>
    %shift_left3A_434 = arith.constant 3 : i32
    %shift_left3A_435 = vector.broadcast %shift_left3A_434 : i32 to vector<16xi32>
    %shift_left3A_436 = arith.shli %and3A_433, %shift_left3A_435 : vector<16xi32>
    %add3A_437 = arith.addi %and3A_432, %shift_left3A_436 : vector<16xi32>
    %shift_right_arithmetic3A_438 = arith.constant 12 : i32
    %shift_right_arithmetic3A_439 = vector.broadcast %shift_right_arithmetic3A_438 : i32 to vector<16xi32>
    %shift_right_arithmetic3A_440 = arith.shrsi %gather3A_430, %shift_right_arithmetic3A_439 : vector<16xi32>
    %and3A_441 = arith.andi %shift_right_arithmetic3A_440, %broadcast_in_dim3A_11 : vector<16xi32>
    %add3A_442 = arith.addi %add3A_437, %and3A_441 : vector<16xi32>
    %swap3A_443 = arith.constant 1 : i32
    %swap3A_444 = arith.index_cast %swap3A_443 : i32 to index
    %swap3A_445 = arith.constant 64 : index
    %swap3A_446 = tpu.vector_load %arg7[%swap3A_444, %swap3A_445] {strides = array<i32>} : memref<4x128xi32, #tpu.memory_space<vmem>>, vector<16xi32>,
    tpu.vector_store %arg7[%swap3A_444, %swap3A_445], %add3A_442 {strides = array<i32>} : memref<4x128xi32, #tpu.memory_space<vmem>>, vector<16xi32>,
    %and3A_447 = arith.andi %gather3A_431, %broadcast_in_dim3A_7 : vector<16xi32>
    %and3A_448 = arith.andi %gather3A_431, %broadcast_in_dim3A_9 : vector<16xi32>
    %shift_left3A_449 = arith.constant 3 : i32
    %shift_left3A_450 = vector.broadcast %shift_left3A_449 : i32 to vector<16xi32>
    %shift_left3A_451 = arith.shli %and3A_448, %shift_left3A_450 : vector<16xi32>
    %add3A_452 = arith.addi %and3A_447, %shift_left3A_451 : vector<16xi32>
    %shift_right_arithmetic3A_453 = arith.constant 12 : i32
    %shift_right_arithmetic3A_454 = vector.broadcast %shift_right_arithmetic3A_453 : i32 to vector<16xi32>
    %shift_right_arithmetic3A_455 = arith.shrsi %gather3A_431, %shift_right_arithmetic3A_454 : vector<16xi32>
    %and3A_456 = arith.andi %shift_right_arithmetic3A_455, %broadcast_in_dim3A_11 : vector<16xi32>
    %add3A_457 = arith.addi %add3A_452, %and3A_456 : vector<16xi32>
    %swap3A_458 = arith.constant 1 : i32
    %swap3A_459 = arith.index_cast %swap3A_458 : i32 to index
    %swap3A_460 = arith.constant 64 : index
    %swap3A_461 = tpu.vector_load %arg8[%swap3A_459, %swap3A_460] {strides = array<i32>} : memref<4x128xi32, #tpu.memory_space<vmem>>, vector<16xi32>,
    tpu.vector_store %arg8[%swap3A_459, %swap3A_460], %add3A_457 {strides = array<i32>} : memref<4x128xi32, #tpu.memory_space<vmem>>, vector<16xi32>,
    %add3A_462 = arith.constant 208 : i32
    %add3A_463 = vector.broadcast %add3A_462 : i32 to vector<16xi32>
    %add3A_464 = arith.addi %add3A_463, %iota3A : vector<16xi32>
    %gather3A_465 = tpu.vector_load_idx %arg6[%add3A_464, %broadcast_in_dim3A_3] : memref<512x2xi32, #tpu.memory_space<vmem>>[vector<16xi32>, vector<16xi32>], vector<16xi32>,
    %gather3A_466 = tpu.vector_load_idx %arg6[%add3A_464, %broadcast_in_dim3A_5] : memref<512x2xi32, #tpu.memory_space<vmem>>[vector<16xi32>, vector<16xi32>], vector<16xi32>,
    %and3A_467 = arith.andi %gather3A_465, %broadcast_in_dim3A_7 : vector<16xi32>
    %and3A_468 = arith.andi %gather3A_465, %broadcast_in_dim3A_9 : vector<16xi32>
    %shift_left3A_469 = arith.constant 3 : i32
    %shift_left3A_470 = vector.broadcast %shift_left3A_469 : i32 to vector<16xi32>
    %shift_left3A_471 = arith.shli %and3A_468, %shift_left3A_470 : vector<16xi32>
    %add3A_472 = arith.addi %and3A_467, %shift_left3A_471 : vector<16xi32>
    %shift_right_arithmetic3A_473 = arith.constant 12 : i32
    %shift_right_arithmetic3A_474 = vector.broadcast %shift_right_arithmetic3A_473 : i32 to vector<16xi32>
    %shift_right_arithmetic3A_475 = arith.shrsi %gather3A_465, %shift_right_arithmetic3A_474 : vector<16xi32>
    %and3A_476 = arith.andi %shift_right_arithmetic3A_475, %broadcast_in_dim3A_11 : vector<16xi32>
    %add3A_477 = arith.addi %add3A_472, %and3A_476 : vector<16xi32>
    %swap3A_478 = arith.constant 1 : i32
    %swap3A_479 = arith.index_cast %swap3A_478 : i32 to index
    %swap3A_480 = arith.constant 80 : index
    %swap3A_481 = tpu.vector_load %arg7[%swap3A_479, %swap3A_480] {strides = array<i32>} : memref<4x128xi32, #tpu.memory_space<vmem>>, vector<16xi32>,
    tpu.vector_store %arg7[%swap3A_479, %swap3A_480], %add3A_477 {strides = array<i32>} : memref<4x128xi32, #tpu.memory_space<vmem>>, vector<16xi32>,
    %and3A_482 = arith.andi %gather3A_466, %broadcast_in_dim3A_7 : vector<16xi32>
    %and3A_483 = arith.andi %gather3A_466, %broadcast_in_dim3A_9 : vector<16xi32>
    %shift_left3A_484 = arith.constant 3 : i32
    %shift_left3A_485 = vector.broadcast %shift_left3A_484 : i32 to vector<16xi32>
    %shift_left3A_486 = arith.shli %and3A_483, %shift_left3A_485 : vector<16xi32>
    %add3A_487 = arith.addi %and3A_482, %shift_left3A_486 : vector<16xi32>
    %shift_right_arithmetic3A_488 = arith.constant 12 : i32
    %shift_right_arithmetic3A_489 = vector.broadcast %shift_right_arithmetic3A_488 : i32 to vector<16xi32>
    %shift_right_arithmetic3A_490 = arith.shrsi %gather3A_466, %shift_right_arithmetic3A_489 : vector<16xi32>
    %and3A_491 = arith.andi %shift_right_arithmetic3A_490, %broadcast_in_dim3A_11 : vector<16xi32>
    %add3A_492 = arith.addi %add3A_487, %and3A_491 : vector<16xi32>
    %swap3A_493 = arith.constant 1 : i32
    %swap3A_494 = arith.index_cast %swap3A_493 : i32 to index
    %swap3A_495 = arith.constant 80 : index
    %swap3A_496 = tpu.vector_load %arg8[%swap3A_494, %swap3A_495] {strides = array<i32>} : memref<4x128xi32, #tpu.memory_space<vmem>>, vector<16xi32>,
    tpu.vector_store %arg8[%swap3A_494, %swap3A_495], %add3A_492 {strides = array<i32>} : memref<4x128xi32, #tpu.memory_space<vmem>>, vector<16xi32>,
    %add3A_497 = arith.constant 224 : i32
    %add3A_498 = vector.broadcast %add3A_497 : i32 to vector<16xi32>
    %add3A_499 = arith.addi %add3A_498, %iota3A : vector<16xi32>
    %gather3A_500 = tpu.vector_load_idx %arg6[%add3A_499, %broadcast_in_dim3A_3] : memref<512x2xi32, #tpu.memory_space<vmem>>[vector<16xi32>, vector<16xi32>], vector<16xi32>,
    %gather3A_501 = tpu.vector_load_idx %arg6[%add3A_499, %broadcast_in_dim3A_5] : memref<512x2xi32, #tpu.memory_space<vmem>>[vector<16xi32>, vector<16xi32>], vector<16xi32>,
    %and3A_502 = arith.andi %gather3A_500, %broadcast_in_dim3A_7 : vector<16xi32>
    %and3A_503 = arith.andi %gather3A_500, %broadcast_in_dim3A_9 : vector<16xi32>
    %shift_left3A_504 = arith.constant 3 : i32
    %shift_left3A_505 = vector.broadcast %shift_left3A_504 : i32 to vector<16xi32>
    %shift_left3A_506 = arith.shli %and3A_503, %shift_left3A_505 : vector<16xi32>
    %add3A_507 = arith.addi %and3A_502, %shift_left3A_506 : vector<16xi32>
    %shift_right_arithmetic3A_508 = arith.constant 12 : i32
    %shift_right_arithmetic3A_509 = vector.broadcast %shift_right_arithmetic3A_508 : i32 to vector<16xi32>
    %shift_right_arithmetic3A_510 = arith.shrsi %gather3A_500, %shift_right_arithmetic3A_509 : vector<16xi32>
    %and3A_511 = arith.andi %shift_right_arithmetic3A_510, %broadcast_in_dim3A_11 : vector<16xi32>
    %add3A_512 = arith.addi %add3A_507, %and3A_511 : vector<16xi32>
    %swap3A_513 = arith.constant 1 : i32
    %swap3A_514 = arith.index_cast %swap3A_513 : i32 to index
    %swap3A_515 = arith.constant 96 : index
    %swap3A_516 = tpu.vector_load %arg7[%swap3A_514, %swap3A_515] {strides = array<i32>} : memref<4x128xi32, #tpu.memory_space<vmem>>, vector<16xi32>,
    tpu.vector_store %arg7[%swap3A_514, %swap3A_515], %add3A_512 {strides = array<i32>} : memref<4x128xi32, #tpu.memory_space<vmem>>, vector<16xi32>,
    %and3A_517 = arith.andi %gather3A_501, %broadcast_in_dim3A_7 : vector<16xi32>
    %and3A_518 = arith.andi %gather3A_501, %broadcast_in_dim3A_9 : vector<16xi32>
    %shift_left3A_519 = arith.constant 3 : i32
    %shift_left3A_520 = vector.broadcast %shift_left3A_519 : i32 to vector<16xi32>
    %shift_left3A_521 = arith.shli %and3A_518, %shift_left3A_520 : vector<16xi32>
    %add3A_522 = arith.addi %and3A_517, %shift_left3A_521 : vector<16xi32>
    %shift_right_arithmetic3A_523 = arith.constant 12 : i32
    %shift_right_arithmetic3A_524 = vector.broadcast %shift_right_arithmetic3A_523 : i32 to vector<16xi32>
    %shift_right_arithmetic3A_525 = arith.shrsi %gather3A_501, %shift_right_arithmetic3A_524 : vector<16xi32>
    %and3A_526 = arith.andi %shift_right_arithmetic3A_525, %broadcast_in_dim3A_11 : vector<16xi32>
    %add3A_527 = arith.addi %add3A_522, %and3A_526 : vector<16xi32>
    %swap3A_528 = arith.constant 1 : i32
    %swap3A_529 = arith.index_cast %swap3A_528 : i32 to index
    %swap3A_530 = arith.constant 96 : index
    %swap3A_531 = tpu.vector_load %arg8[%swap3A_529, %swap3A_530] {strides = array<i32>} : memref<4x128xi32, #tpu.memory_space<vmem>>, vector<16xi32>,
    tpu.vector_store %arg8[%swap3A_529, %swap3A_530], %add3A_527 {strides = array<i32>} : memref<4x128xi32, #tpu.memory_space<vmem>>, vector<16xi32>,
    %add3A_532 = arith.constant 240 : i32
    %add3A_533 = vector.broadcast %add3A_532 : i32 to vector<16xi32>
    %add3A_534 = arith.addi %add3A_533, %iota3A : vector<16xi32>
    %gather3A_535 = tpu.vector_load_idx %arg6[%add3A_534, %broadcast_in_dim3A_3] : memref<512x2xi32, #tpu.memory_space<vmem>>[vector<16xi32>, vector<16xi32>], vector<16xi32>,
    %gather3A_536 = tpu.vector_load_idx %arg6[%add3A_534, %broadcast_in_dim3A_5] : memref<512x2xi32, #tpu.memory_space<vmem>>[vector<16xi32>, vector<16xi32>], vector<16xi32>,
    %and3A_537 = arith.andi %gather3A_535, %broadcast_in_dim3A_7 : vector<16xi32>
    %and3A_538 = arith.andi %gather3A_535, %broadcast_in_dim3A_9 : vector<16xi32>
    %shift_left3A_539 = arith.constant 3 : i32
    %shift_left3A_540 = vector.broadcast %shift_left3A_539 : i32 to vector<16xi32>
    %shift_left3A_541 = arith.shli %and3A_538, %shift_left3A_540 : vector<16xi32>
    %add3A_542 = arith.addi %and3A_537, %shift_left3A_541 : vector<16xi32>
    %shift_right_arithmetic3A_543 = arith.constant 12 : i32
    %shift_right_arithmetic3A_544 = vector.broadcast %shift_right_arithmetic3A_543 : i32 to vector<16xi32>
    %shift_right_arithmetic3A_545 = arith.shrsi %gather3A_535, %shift_right_arithmetic3A_544 : vector<16xi32>
    %and3A_546 = arith.andi %shift_right_arithmetic3A_545, %broadcast_in_dim3A_11 : vector<16xi32>
    %add3A_547 = arith.addi %add3A_542, %and3A_546 : vector<16xi32>
    %swap3A_548 = arith.constant 1 : i32
    %swap3A_549 = arith.index_cast %swap3A_548 : i32 to index
    %swap3A_550 = arith.constant 112 : index
    %swap3A_551 = tpu.vector_load %arg7[%swap3A_549, %swap3A_550] {strides = array<i32>} : memref<4x128xi32, #tpu.memory_space<vmem>>, vector<16xi32>,
    tpu.vector_store %arg7[%swap3A_549, %swap3A_550], %add3A_547 {strides = array<i32>} : memref<4x128xi32, #tpu.memory_space<vmem>>, vector<16xi32>,
    %and3A_552 = arith.andi %gather3A_536, %broadcast_in_dim3A_7 : vector<16xi32>
    %and3A_553 = arith.andi %gather3A_536, %broadcast_in_dim3A_9 : vector<16xi32>
    %shift_left3A_554 = arith.constant 3 : i32
    %shift_left3A_555 = vector.broadcast %shift_left3A_554 : i32 to vector<16xi32>
    %shift_left3A_556 = arith.shli %and3A_553, %shift_left3A_555 : vector<16xi32>
    %add3A_557 = arith.addi %and3A_552, %shift_left3A_556 : vector<16xi32>
    %shift_right_arithmetic3A_558 = arith.constant 12 : i32
    %shift_right_arithmetic3A_559 = vector.broadcast %shift_right_arithmetic3A_558 : i32 to vector<16xi32>
    %shift_right_arithmetic3A_560 = arith.shrsi %gather3A_536, %shift_right_arithmetic3A_559 : vector<16xi32>
    %and3A_561 = arith.andi %shift_right_arithmetic3A_560, %broadcast_in_dim3A_11 : vector<16xi32>
    %add3A_562 = arith.addi %add3A_557, %and3A_561 : vector<16xi32>
    %swap3A_563 = arith.constant 1 : i32
    %swap3A_564 = arith.index_cast %swap3A_563 : i32 to index
    %swap3A_565 = arith.constant 112 : index
    %swap3A_566 = tpu.vector_load %arg8[%swap3A_564, %swap3A_565] {strides = array<i32>} : memref<4x128xi32, #tpu.memory_space<vmem>>, vector<16xi32>,
    tpu.vector_store %arg8[%swap3A_564, %swap3A_565], %add3A_562 {strides = array<i32>} : memref<4x128xi32, #tpu.memory_space<vmem>>, vector<16xi32>,
    %add3A_567 = arith.constant 256 : i32
    %add3A_568 = vector.broadcast %add3A_567 : i32 to vector<16xi32>
    %add3A_569 = arith.addi %add3A_568, %iota3A : vector<16xi32>
    %gather3A_570 = tpu.vector_load_idx %arg6[%add3A_569, %broadcast_in_dim3A_3] : memref<512x2xi32, #tpu.memory_space<vmem>>[vector<16xi32>, vector<16xi32>], vector<16xi32>,
    %gather3A_571 = tpu.vector_load_idx %arg6[%add3A_569, %broadcast_in_dim3A_5] : memref<512x2xi32, #tpu.memory_space<vmem>>[vector<16xi32>, vector<16xi32>], vector<16xi32>,
    %and3A_572 = arith.andi %gather3A_570, %broadcast_in_dim3A_7 : vector<16xi32>
    %and3A_573 = arith.andi %gather3A_570, %broadcast_in_dim3A_9 : vector<16xi32>
    %shift_left3A_574 = arith.constant 3 : i32
    %shift_left3A_575 = vector.broadcast %shift_left3A_574 : i32 to vector<16xi32>
    %shift_left3A_576 = arith.shli %and3A_573, %shift_left3A_575 : vector<16xi32>
    %add3A_577 = arith.addi %and3A_572, %shift_left3A_576 : vector<16xi32>
    %shift_right_arithmetic3A_578 = arith.constant 12 : i32
    %shift_right_arithmetic3A_579 = vector.broadcast %shift_right_arithmetic3A_578 : i32 to vector<16xi32>
    %shift_right_arithmetic3A_580 = arith.shrsi %gather3A_570, %shift_right_arithmetic3A_579 : vector<16xi32>
    %and3A_581 = arith.andi %shift_right_arithmetic3A_580, %broadcast_in_dim3A_11 : vector<16xi32>
    %add3A_582 = arith.addi %add3A_577, %and3A_581 : vector<16xi32>
    %swap3A_583 = arith.constant 2 : i32
    %swap3A_584 = arith.index_cast %swap3A_583 : i32 to index
    %swap3A_585 = arith.constant 0 : index
    %swap3A_586 = tpu.vector_load %arg7[%swap3A_584, %swap3A_585] {strides = array<i32>} : memref<4x128xi32, #tpu.memory_space<vmem>>, vector<16xi32>,
    tpu.vector_store %arg7[%swap3A_584, %swap3A_585], %add3A_582 {strides = array<i32>} : memref<4x128xi32, #tpu.memory_space<vmem>>, vector<16xi32>,
    %and3A_587 = arith.andi %gather3A_571, %broadcast_in_dim3A_7 : vector<16xi32>
    %and3A_588 = arith.andi %gather3A_571, %broadcast_in_dim3A_9 : vector<16xi32>
    %shift_left3A_589 = arith.constant 3 : i32
    %shift_left3A_590 = vector.broadcast %shift_left3A_589 : i32 to vector<16xi32>
    %shift_left3A_591 = arith.shli %and3A_588, %shift_left3A_590 : vector<16xi32>
    %add3A_592 = arith.addi %and3A_587, %shift_left3A_591 : vector<16xi32>
    %shift_right_arithmetic3A_593 = arith.constant 12 : i32
    %shift_right_arithmetic3A_594 = vector.broadcast %shift_right_arithmetic3A_593 : i32 to vector<16xi32>
    %shift_right_arithmetic3A_595 = arith.shrsi %gather3A_571, %shift_right_arithmetic3A_594 : vector<16xi32>
    %and3A_596 = arith.andi %shift_right_arithmetic3A_595, %broadcast_in_dim3A_11 : vector<16xi32>
    %add3A_597 = arith.addi %add3A_592, %and3A_596 : vector<16xi32>
    %swap3A_598 = arith.constant 2 : i32
    %swap3A_599 = arith.index_cast %swap3A_598 : i32 to index
    %swap3A_600 = arith.constant 0 : index
    %swap3A_601 = tpu.vector_load %arg8[%swap3A_599, %swap3A_600] {strides = array<i32>} : memref<4x128xi32, #tpu.memory_space<vmem>>, vector<16xi32>,
    tpu.vector_store %arg8[%swap3A_599, %swap3A_600], %add3A_597 {strides = array<i32>} : memref<4x128xi32, #tpu.memory_space<vmem>>, vector<16xi32>,
    %add3A_602 = arith.constant 272 : i32
    %add3A_603 = vector.broadcast %add3A_602 : i32 to vector<16xi32>
    %add3A_604 = arith.addi %add3A_603, %iota3A : vector<16xi32>
    %gather3A_605 = tpu.vector_load_idx %arg6[%add3A_604, %broadcast_in_dim3A_3] : memref<512x2xi32, #tpu.memory_space<vmem>>[vector<16xi32>, vector<16xi32>], vector<16xi32>,
    %gather3A_606 = tpu.vector_load_idx %arg6[%add3A_604, %broadcast_in_dim3A_5] : memref<512x2xi32, #tpu.memory_space<vmem>>[vector<16xi32>, vector<16xi32>], vector<16xi32>,
    %and3A_607 = arith.andi %gather3A_605, %broadcast_in_dim3A_7 : vector<16xi32>
    %and3A_608 = arith.andi %gather3A_605, %broadcast_in_dim3A_9 : vector<16xi32>
    %shift_left3A_609 = arith.constant 3 : i32
    %shift_left3A_610 = vector.broadcast %shift_left3A_609 : i32 to vector<16xi32>
    %shift_left3A_611 = arith.shli %and3A_608, %shift_left3A_610 : vector<16xi32>
    %add3A_612 = arith.addi %and3A_607, %shift_left3A_611 : vector<16xi32>
    %shift_right_arithmetic3A_613 = arith.constant 12 : i32
    %shift_right_arithmetic3A_614 = vector.broadcast %shift_right_arithmetic3A_613 : i32 to vector<16xi32>
    %shift_right_arithmetic3A_615 = arith.shrsi %gather3A_605, %shift_right_arithmetic3A_614 : vector<16xi32>
    %and3A_616 = arith.andi %shift_right_arithmetic3A_615, %broadcast_in_dim3A_11 : vector<16xi32>
    %add3A_617 = arith.addi %add3A_612, %and3A_616 : vector<16xi32>
    %swap3A_618 = arith.constant 2 : i32
    %swap3A_619 = arith.index_cast %swap3A_618 : i32 to index
    %swap3A_620 = arith.constant 16 : index
    %swap3A_621 = tpu.vector_load %arg7[%swap3A_619, %swap3A_620] {strides = array<i32>} : memref<4x128xi32, #tpu.memory_space<vmem>>, vector<16xi32>,
    tpu.vector_store %arg7[%swap3A_619, %swap3A_620], %add3A_617 {strides = array<i32>} : memref<4x128xi32, #tpu.memory_space<vmem>>, vector<16xi32>,
    %and3A_622 = arith.andi %gather3A_606, %broadcast_in_dim3A_7 : vector<16xi32>
    %and3A_623 = arith.andi %gather3A_606, %broadcast_in_dim3A_9 : vector<16xi32>
    %shift_left3A_624 = arith.constant 3 : i32
    %shift_left3A_625 = vector.broadcast %shift_left3A_624 : i32 to vector<16xi32>
    %shift_left3A_626 = arith.shli %and3A_623, %shift_left3A_625 : vector<16xi32>
    %add3A_627 = arith.addi %and3A_622, %shift_left3A_626 : vector<16xi32>
    %shift_right_arithmetic3A_628 = arith.constant 12 : i32
    %shift_right_arithmetic3A_629 = vector.broadcast %shift_right_arithmetic3A_628 : i32 to vector<16xi32>
    %shift_right_arithmetic3A_630 = arith.shrsi %gather3A_606, %shift_right_arithmetic3A_629 : vector<16xi32>
    %and3A_631 = arith.andi %shift_right_arithmetic3A_630, %broadcast_in_dim3A_11 : vector<16xi32>
    %add3A_632 = arith.addi %add3A_627, %and3A_631 : vector<16xi32>
    %swap3A_633 = arith.constant 2 : i32
    %swap3A_634 = arith.index_cast %swap3A_633 : i32 to index
    %swap3A_635 = arith.constant 16 : index
    %swap3A_636 = tpu.vector_load %arg8[%swap3A_634, %swap3A_635] {strides = array<i32>} : memref<4x128xi32, #tpu.memory_space<vmem>>, vector<16xi32>,
    tpu.vector_store %arg8[%swap3A_634, %swap3A_635], %add3A_632 {strides = array<i32>} : memref<4x128xi32, #tpu.memory_space<vmem>>, vector<16xi32>,
    %add3A_637 = arith.constant 288 : i32
    %add3A_638 = vector.broadcast %add3A_637 : i32 to vector<16xi32>
    %add3A_639 = arith.addi %add3A_638, %iota3A : vector<16xi32>
    %gather3A_640 = tpu.vector_load_idx %arg6[%add3A_639, %broadcast_in_dim3A_3] : memref<512x2xi32, #tpu.memory_space<vmem>>[vector<16xi32>, vector<16xi32>], vector<16xi32>,
    %gather3A_641 = tpu.vector_load_idx %arg6[%add3A_639, %broadcast_in_dim3A_5] : memref<512x2xi32, #tpu.memory_space<vmem>>[vector<16xi32>, vector<16xi32>], vector<16xi32>,
    %and3A_642 = arith.andi %gather3A_640, %broadcast_in_dim3A_7 : vector<16xi32>
    %and3A_643 = arith.andi %gather3A_640, %broadcast_in_dim3A_9 : vector<16xi32>
    %shift_left3A_644 = arith.constant 3 : i32
    %shift_left3A_645 = vector.broadcast %shift_left3A_644 : i32 to vector<16xi32>
    %shift_left3A_646 = arith.shli %and3A_643, %shift_left3A_645 : vector<16xi32>
    %add3A_647 = arith.addi %and3A_642, %shift_left3A_646 : vector<16xi32>
    %shift_right_arithmetic3A_648 = arith.constant 12 : i32
    %shift_right_arithmetic3A_649 = vector.broadcast %shift_right_arithmetic3A_648 : i32 to vector<16xi32>
    %shift_right_arithmetic3A_650 = arith.shrsi %gather3A_640, %shift_right_arithmetic3A_649 : vector<16xi32>
    %and3A_651 = arith.andi %shift_right_arithmetic3A_650, %broadcast_in_dim3A_11 : vector<16xi32>
    %add3A_652 = arith.addi %add3A_647, %and3A_651 : vector<16xi32>
    %swap3A_653 = arith.constant 2 : i32
    %swap3A_654 = arith.index_cast %swap3A_653 : i32 to index
    %swap3A_655 = arith.constant 32 : index
    %swap3A_656 = tpu.vector_load %arg7[%swap3A_654, %swap3A_655] {strides = array<i32>} : memref<4x128xi32, #tpu.memory_space<vmem>>, vector<16xi32>,
    tpu.vector_store %arg7[%swap3A_654, %swap3A_655], %add3A_652 {strides = array<i32>} : memref<4x128xi32, #tpu.memory_space<vmem>>, vector<16xi32>,
    %and3A_657 = arith.andi %gather3A_641, %broadcast_in_dim3A_7 : vector<16xi32>
    %and3A_658 = arith.andi %gather3A_641, %broadcast_in_dim3A_9 : vector<16xi32>
    %shift_left3A_659 = arith.constant 3 : i32
    %shift_left3A_660 = vector.broadcast %shift_left3A_659 : i32 to vector<16xi32>
    %shift_left3A_661 = arith.shli %and3A_658, %shift_left3A_660 : vector<16xi32>
    %add3A_662 = arith.addi %and3A_657, %shift_left3A_661 : vector<16xi32>
    %shift_right_arithmetic3A_663 = arith.constant 12 : i32
    %shift_right_arithmetic3A_664 = vector.broadcast %shift_right_arithmetic3A_663 : i32 to vector<16xi32>
    %shift_right_arithmetic3A_665 = arith.shrsi %gather3A_641, %shift_right_arithmetic3A_664 : vector<16xi32>
    %and3A_666 = arith.andi %shift_right_arithmetic3A_665, %broadcast_in_dim3A_11 : vector<16xi32>
    %add3A_667 = arith.addi %add3A_662, %and3A_666 : vector<16xi32>
    %swap3A_668 = arith.constant 2 : i32
    %swap3A_669 = arith.index_cast %swap3A_668 : i32 to index
    %swap3A_670 = arith.constant 32 : index
    %swap3A_671 = tpu.vector_load %arg8[%swap3A_669, %swap3A_670] {strides = array<i32>} : memref<4x128xi32, #tpu.memory_space<vmem>>, vector<16xi32>,
    tpu.vector_store %arg8[%swap3A_669, %swap3A_670], %add3A_667 {strides = array<i32>} : memref<4x128xi32, #tpu.memory_space<vmem>>, vector<16xi32>,
    %add3A_672 = arith.constant 304 : i32
    %add3A_673 = vector.broadcast %add3A_672 : i32 to vector<16xi32>
    %add3A_674 = arith.addi %add3A_673, %iota3A : vector<16xi32>
    %gather3A_675 = tpu.vector_load_idx %arg6[%add3A_674, %broadcast_in_dim3A_3] : memref<512x2xi32, #tpu.memory_space<vmem>>[vector<16xi32>, vector<16xi32>], vector<16xi32>,
    %gather3A_676 = tpu.vector_load_idx %arg6[%add3A_674, %broadcast_in_dim3A_5] : memref<512x2xi32, #tpu.memory_space<vmem>>[vector<16xi32>, vector<16xi32>], vector<16xi32>,
    %and3A_677 = arith.andi %gather3A_675, %broadcast_in_dim3A_7 : vector<16xi32>
    %and3A_678 = arith.andi %gather3A_675, %broadcast_in_dim3A_9 : vector<16xi32>
    %shift_left3A_679 = arith.constant 3 : i32
    %shift_left3A_680 = vector.broadcast %shift_left3A_679 : i32 to vector<16xi32>
    %shift_left3A_681 = arith.shli %and3A_678, %shift_left3A_680 : vector<16xi32>
    %add3A_682 = arith.addi %and3A_677, %shift_left3A_681 : vector<16xi32>
    %shift_right_arithmetic3A_683 = arith.constant 12 : i32
    %shift_right_arithmetic3A_684 = vector.broadcast %shift_right_arithmetic3A_683 : i32 to vector<16xi32>
    %shift_right_arithmetic3A_685 = arith.shrsi %gather3A_675, %shift_right_arithmetic3A_684 : vector<16xi32>
    %and3A_686 = arith.andi %shift_right_arithmetic3A_685, %broadcast_in_dim3A_11 : vector<16xi32>
    %add3A_687 = arith.addi %add3A_682, %and3A_686 : vector<16xi32>
    %swap3A_688 = arith.constant 2 : i32
    %swap3A_689 = arith.index_cast %swap3A_688 : i32 to index
    %swap3A_690 = arith.constant 48 : index
    %swap3A_691 = tpu.vector_load %arg7[%swap3A_689, %swap3A_690] {strides = array<i32>} : memref<4x128xi32, #tpu.memory_space<vmem>>, vector<16xi32>,
    tpu.vector_store %arg7[%swap3A_689, %swap3A_690], %add3A_687 {strides = array<i32>} : memref<4x128xi32, #tpu.memory_space<vmem>>, vector<16xi32>,
    %and3A_692 = arith.andi %gather3A_676, %broadcast_in_dim3A_7 : vector<16xi32>
    %and3A_693 = arith.andi %gather3A_676, %broadcast_in_dim3A_9 : vector<16xi32>
    %shift_left3A_694 = arith.constant 3 : i32
    %shift_left3A_695 = vector.broadcast %shift_left3A_694 : i32 to vector<16xi32>
    %shift_left3A_696 = arith.shli %and3A_693, %shift_left3A_695 : vector<16xi32>
    %add3A_697 = arith.addi %and3A_692, %shift_left3A_696 : vector<16xi32>
    %shift_right_arithmetic3A_698 = arith.constant 12 : i32
    %shift_right_arithmetic3A_699 = vector.broadcast %shift_right_arithmetic3A_698 : i32 to vector<16xi32>
    %shift_right_arithmetic3A_700 = arith.shrsi %gather3A_676, %shift_right_arithmetic3A_699 : vector<16xi32>
    %and3A_701 = arith.andi %shift_right_arithmetic3A_700, %broadcast_in_dim3A_11 : vector<16xi32>
    %add3A_702 = arith.addi %add3A_697, %and3A_701 : vector<16xi32>
    %swap3A_703 = arith.constant 2 : i32
    %swap3A_704 = arith.index_cast %swap3A_703 : i32 to index
    %swap3A_705 = arith.constant 48 : index
    %swap3A_706 = tpu.vector_load %arg8[%swap3A_704, %swap3A_705] {strides = array<i32>} : memref<4x128xi32, #tpu.memory_space<vmem>>, vector<16xi32>,
    tpu.vector_store %arg8[%swap3A_704, %swap3A_705], %add3A_702 {strides = array<i32>} : memref<4x128xi32, #tpu.memory_space<vmem>>, vector<16xi32>,
    %add3A_707 = arith.constant 320 : i32
    %add3A_708 = vector.broadcast %add3A_707 : i32 to vector<16xi32>
    %add3A_709 = arith.addi %add3A_708, %iota3A : vector<16xi32>
    %gather3A_710 = tpu.vector_load_idx %arg6[%add3A_709, %broadcast_in_dim3A_3] : memref<512x2xi32, #tpu.memory_space<vmem>>[vector<16xi32>, vector<16xi32>], vector<16xi32>,
    %gather3A_711 = tpu.vector_load_idx %arg6[%add3A_709, %broadcast_in_dim3A_5] : memref<512x2xi32, #tpu.memory_space<vmem>>[vector<16xi32>, vector<16xi32>], vector<16xi32>,
    %and3A_712 = arith.andi %gather3A_710, %broadcast_in_dim3A_7 : vector<16xi32>
    %and3A_713 = arith.andi %gather3A_710, %broadcast_in_dim3A_9 : vector<16xi32>
    %shift_left3A_714 = arith.constant 3 : i32
    %shift_left3A_715 = vector.broadcast %shift_left3A_714 : i32 to vector<16xi32>
    %shift_left3A_716 = arith.shli %and3A_713, %shift_left3A_715 : vector<16xi32>
    %add3A_717 = arith.addi %and3A_712, %shift_left3A_716 : vector<16xi32>
    %shift_right_arithmetic3A_718 = arith.constant 12 : i32
    %shift_right_arithmetic3A_719 = vector.broadcast %shift_right_arithmetic3A_718 : i32 to vector<16xi32>
    %shift_right_arithmetic3A_720 = arith.shrsi %gather3A_710, %shift_right_arithmetic3A_719 : vector<16xi32>
    %and3A_721 = arith.andi %shift_right_arithmetic3A_720, %broadcast_in_dim3A_11 : vector<16xi32>
    %add3A_722 = arith.addi %add3A_717, %and3A_721 : vector<16xi32>
    %swap3A_723 = arith.constant 2 : i32
    %swap3A_724 = arith.index_cast %swap3A_723 : i32 to index
    %swap3A_725 = arith.constant 64 : index
    %swap3A_726 = tpu.vector_load %arg7[%swap3A_724, %swap3A_725] {strides = array<i32>} : memref<4x128xi32, #tpu.memory_space<vmem>>, vector<16xi32>,
    tpu.vector_store %arg7[%swap3A_724, %swap3A_725], %add3A_722 {strides = array<i32>} : memref<4x128xi32, #tpu.memory_space<vmem>>, vector<16xi32>,
    %and3A_727 = arith.andi %gather3A_711, %broadcast_in_dim3A_7 : vector<16xi32>
    %and3A_728 = arith.andi %gather3A_711, %broadcast_in_dim3A_9 : vector<16xi32>
    %shift_left3A_729 = arith.constant 3 : i32
    %shift_left3A_730 = vector.broadcast %shift_left3A_729 : i32 to vector<16xi32>
    %shift_left3A_731 = arith.shli %and3A_728, %shift_left3A_730 : vector<16xi32>
    %add3A_732 = arith.addi %and3A_727, %shift_left3A_731 : vector<16xi32>
    %shift_right_arithmetic3A_733 = arith.constant 12 : i32
    %shift_right_arithmetic3A_734 = vector.broadcast %shift_right_arithmetic3A_733 : i32 to vector<16xi32>
    %shift_right_arithmetic3A_735 = arith.shrsi %gather3A_711, %shift_right_arithmetic3A_734 : vector<16xi32>
    %and3A_736 = arith.andi %shift_right_arithmetic3A_735, %broadcast_in_dim3A_11 : vector<16xi32>
    %add3A_737 = arith.addi %add3A_732, %and3A_736 : vector<16xi32>
    %swap3A_738 = arith.constant 2 : i32
    %swap3A_739 = arith.index_cast %swap3A_738 : i32 to index
    %swap3A_740 = arith.constant 64 : index
    %swap3A_741 = tpu.vector_load %arg8[%swap3A_739, %swap3A_740] {strides = array<i32>} : memref<4x128xi32, #tpu.memory_space<vmem>>, vector<16xi32>,
    tpu.vector_store %arg8[%swap3A_739, %swap3A_740], %add3A_737 {strides = array<i32>} : memref<4x128xi32, #tpu.memory_space<vmem>>, vector<16xi32>,
    %add3A_742 = arith.constant 336 : i32
    %add3A_743 = vector.broadcast %add3A_742 : i32 to vector<16xi32>
    %add3A_744 = arith.addi %add3A_743, %iota3A : vector<16xi32>
    %gather3A_745 = tpu.vector_load_idx %arg6[%add3A_744, %broadcast_in_dim3A_3] : memref<512x2xi32, #tpu.memory_space<vmem>>[vector<16xi32>, vector<16xi32>], vector<16xi32>,
    %gather3A_746 = tpu.vector_load_idx %arg6[%add3A_744, %broadcast_in_dim3A_5] : memref<512x2xi32, #tpu.memory_space<vmem>>[vector<16xi32>, vector<16xi32>], vector<16xi32>,
    %and3A_747 = arith.andi %gather3A_745, %broadcast_in_dim3A_7 : vector<16xi32>
    %and3A_748 = arith.andi %gather3A_745, %broadcast_in_dim3A_9 : vector<16xi32>
    %shift_left3A_749 = arith.constant 3 : i32
    %shift_left3A_750 = vector.broadcast %shift_left3A_749 : i32 to vector<16xi32>
    %shift_left3A_751 = arith.shli %and3A_748, %shift_left3A_750 : vector<16xi32>
    %add3A_752 = arith.addi %and3A_747, %shift_left3A_751 : vector<16xi32>
    %shift_right_arithmetic3A_753 = arith.constant 12 : i32
    %shift_right_arithmetic3A_754 = vector.broadcast %shift_right_arithmetic3A_753 : i32 to vector<16xi32>
    %shift_right_arithmetic3A_755 = arith.shrsi %gather3A_745, %shift_right_arithmetic3A_754 : vector<16xi32>
    %and3A_756 = arith.andi %shift_right_arithmetic3A_755, %broadcast_in_dim3A_11 : vector<16xi32>
    %add3A_757 = arith.addi %add3A_752, %and3A_756 : vector<16xi32>
    %swap3A_758 = arith.constant 2 : i32
    %swap3A_759 = arith.index_cast %swap3A_758 : i32 to index
    %swap3A_760 = arith.constant 80 : index
    %swap3A_761 = tpu.vector_load %arg7[%swap3A_759, %swap3A_760] {strides = array<i32>} : memref<4x128xi32, #tpu.memory_space<vmem>>, vector<16xi32>,
    tpu.vector_store %arg7[%swap3A_759, %swap3A_760], %add3A_757 {strides = array<i32>} : memref<4x128xi32, #tpu.memory_space<vmem>>, vector<16xi32>,
    %and3A_762 = arith.andi %gather3A_746, %broadcast_in_dim3A_7 : vector<16xi32>
    %and3A_763 = arith.andi %gather3A_746, %broadcast_in_dim3A_9 : vector<16xi32>
    %shift_left3A_764 = arith.constant 3 : i32
    %shift_left3A_765 = vector.broadcast %shift_left3A_764 : i32 to vector<16xi32>
    %shift_left3A_766 = arith.shli %and3A_763, %shift_left3A_765 : vector<16xi32>
    %add3A_767 = arith.addi %and3A_762, %shift_left3A_766 : vector<16xi32>
    %shift_right_arithmetic3A_768 = arith.constant 12 : i32
    %shift_right_arithmetic3A_769 = vector.broadcast %shift_right_arithmetic3A_768 : i32 to vector<16xi32>
    %shift_right_arithmetic3A_770 = arith.shrsi %gather3A_746, %shift_right_arithmetic3A_769 : vector<16xi32>
    %and3A_771 = arith.andi %shift_right_arithmetic3A_770, %broadcast_in_dim3A_11 : vector<16xi32>
    %add3A_772 = arith.addi %add3A_767, %and3A_771 : vector<16xi32>
    %swap3A_773 = arith.constant 2 : i32
    %swap3A_774 = arith.index_cast %swap3A_773 : i32 to index
    %swap3A_775 = arith.constant 80 : index
    %swap3A_776 = tpu.vector_load %arg8[%swap3A_774, %swap3A_775] {strides = array<i32>} : memref<4x128xi32, #tpu.memory_space<vmem>>, vector<16xi32>,
    tpu.vector_store %arg8[%swap3A_774, %swap3A_775], %add3A_772 {strides = array<i32>} : memref<4x128xi32, #tpu.memory_space<vmem>>, vector<16xi32>,
    %add3A_777 = arith.constant 352 : i32
    %add3A_778 = vector.broadcast %add3A_777 : i32 to vector<16xi32>
    %add3A_779 = arith.addi %add3A_778, %iota3A : vector<16xi32>
    %gather3A_780 = tpu.vector_load_idx %arg6[%add3A_779, %broadcast_in_dim3A_3] : memref<512x2xi32, #tpu.memory_space<vmem>>[vector<16xi32>, vector<16xi32>], vector<16xi32>,
    %gather3A_781 = tpu.vector_load_idx %arg6[%add3A_779, %broadcast_in_dim3A_5] : memref<512x2xi32, #tpu.memory_space<vmem>>[vector<16xi32>, vector<16xi32>], vector<16xi32>,
    %and3A_782 = arith.andi %gather3A_780, %broadcast_in_dim3A_7 : vector<16xi32>
    %and3A_783 = arith.andi %gather3A_780, %broadcast_in_dim3A_9 : vector<16xi32>
    %shift_left3A_784 = arith.constant 3 : i32
    %shift_left3A_785 = vector.broadcast %shift_left3A_784 : i32 to vector<16xi32>
    %shift_left3A_786 = arith.shli %and3A_783, %shift_left3A_785 : vector<16xi32>
    %add3A_787 = arith.addi %and3A_782, %shift_left3A_786 : vector<16xi32>
    %shift_right_arithmetic3A_788 = arith.constant 12 : i32
    %shift_right_arithmetic3A_789 = vector.broadcast %shift_right_arithmetic3A_788 : i32 to vector<16xi32>
    %shift_right_arithmetic3A_790 = arith.shrsi %gather3A_780, %shift_right_arithmetic3A_789 : vector<16xi32>
    %and3A_791 = arith.andi %shift_right_arithmetic3A_790, %broadcast_in_dim3A_11 : vector<16xi32>
    %add3A_792 = arith.addi %add3A_787, %and3A_791 : vector<16xi32>
    %swap3A_793 = arith.constant 2 : i32
    %swap3A_794 = arith.index_cast %swap3A_793 : i32 to index
    %swap3A_795 = arith.constant 96 : index
    %swap3A_796 = tpu.vector_load %arg7[%swap3A_794, %swap3A_795] {strides = array<i32>} : memref<4x128xi32, #tpu.memory_space<vmem>>, vector<16xi32>,
    tpu.vector_store %arg7[%swap3A_794, %swap3A_795], %add3A_792 {strides = array<i32>} : memref<4x128xi32, #tpu.memory_space<vmem>>, vector<16xi32>,
    %and3A_797 = arith.andi %gather3A_781, %broadcast_in_dim3A_7 : vector<16xi32>
    %and3A_798 = arith.andi %gather3A_781, %broadcast_in_dim3A_9 : vector<16xi32>
    %shift_left3A_799 = arith.constant 3 : i32
    %shift_left3A_800 = vector.broadcast %shift_left3A_799 : i32 to vector<16xi32>
    %shift_left3A_801 = arith.shli %and3A_798, %shift_left3A_800 : vector<16xi32>
    %add3A_802 = arith.addi %and3A_797, %shift_left3A_801 : vector<16xi32>
    %shift_right_arithmetic3A_803 = arith.constant 12 : i32
    %shift_right_arithmetic3A_804 = vector.broadcast %shift_right_arithmetic3A_803 : i32 to vector<16xi32>
    %shift_right_arithmetic3A_805 = arith.shrsi %gather3A_781, %shift_right_arithmetic3A_804 : vector<16xi32>
    %and3A_806 = arith.andi %shift_right_arithmetic3A_805, %broadcast_in_dim3A_11 : vector<16xi32>
    %add3A_807 = arith.addi %add3A_802, %and3A_806 : vector<16xi32>
    %swap3A_808 = arith.constant 2 : i32
    %swap3A_809 = arith.index_cast %swap3A_808 : i32 to index
    %swap3A_810 = arith.constant 96 : index
    %swap3A_811 = tpu.vector_load %arg8[%swap3A_809, %swap3A_810] {strides = array<i32>} : memref<4x128xi32, #tpu.memory_space<vmem>>, vector<16xi32>,
    tpu.vector_store %arg8[%swap3A_809, %swap3A_810], %add3A_807 {strides = array<i32>} : memref<4x128xi32, #tpu.memory_space<vmem>>, vector<16xi32>,
    %add3A_812 = arith.constant 368 : i32
    %add3A_813 = vector.broadcast %add3A_812 : i32 to vector<16xi32>
    %add3A_814 = arith.addi %add3A_813, %iota3A : vector<16xi32>
    %gather3A_815 = tpu.vector_load_idx %arg6[%add3A_814, %broadcast_in_dim3A_3] : memref<512x2xi32, #tpu.memory_space<vmem>>[vector<16xi32>, vector<16xi32>], vector<16xi32>,
    %gather3A_816 = tpu.vector_load_idx %arg6[%add3A_814, %broadcast_in_dim3A_5] : memref<512x2xi32, #tpu.memory_space<vmem>>[vector<16xi32>, vector<16xi32>], vector<16xi32>,
    %and3A_817 = arith.andi %gather3A_815, %broadcast_in_dim3A_7 : vector<16xi32>
    %and3A_818 = arith.andi %gather3A_815, %broadcast_in_dim3A_9 : vector<16xi32>
    %shift_left3A_819 = arith.constant 3 : i32
    %shift_left3A_820 = vector.broadcast %shift_left3A_819 : i32 to vector<16xi32>
    %shift_left3A_821 = arith.shli %and3A_818, %shift_left3A_820 : vector<16xi32>
    %add3A_822 = arith.addi %and3A_817, %shift_left3A_821 : vector<16xi32>
    %shift_right_arithmetic3A_823 = arith.constant 12 : i32
    %shift_right_arithmetic3A_824 = vector.broadcast %shift_right_arithmetic3A_823 : i32 to vector<16xi32>
    %shift_right_arithmetic3A_825 = arith.shrsi %gather3A_815, %shift_right_arithmetic3A_824 : vector<16xi32>
    %and3A_826 = arith.andi %shift_right_arithmetic3A_825, %broadcast_in_dim3A_11 : vector<16xi32>
    %add3A_827 = arith.addi %add3A_822, %and3A_826 : vector<16xi32>
    %swap3A_828 = arith.constant 2 : i32
    %swap3A_829 = arith.index_cast %swap3A_828 : i32 to index
    %swap3A_830 = arith.constant 112 : index
    %swap3A_831 = tpu.vector_load %arg7[%swap3A_829, %swap3A_830] {strides = array<i32>} : memref<4x128xi32, #tpu.memory_space<vmem>>, vector<16xi32>,
    tpu.vector_store %arg7[%swap3A_829, %swap3A_830], %add3A_827 {strides = array<i32>} : memref<4x128xi32, #tpu.memory_space<vmem>>, vector<16xi32>,
    %and3A_832 = arith.andi %gather3A_816, %broadcast_in_dim3A_7 : vector<16xi32>
    %and3A_833 = arith.andi %gather3A_816, %broadcast_in_dim3A_9 : vector<16xi32>
    %shift_left3A_834 = arith.constant 3 : i32
    %shift_left3A_835 = vector.broadcast %shift_left3A_834 : i32 to vector<16xi32>
    %shift_left3A_836 = arith.shli %and3A_833, %shift_left3A_835 : vector<16xi32>
    %add3A_837 = arith.addi %and3A_832, %shift_left3A_836 : vector<16xi32>
    %shift_right_arithmetic3A_838 = arith.constant 12 : i32
    %shift_right_arithmetic3A_839 = vector.broadcast %shift_right_arithmetic3A_838 : i32 to vector<16xi32>
    %shift_right_arithmetic3A_840 = arith.shrsi %gather3A_816, %shift_right_arithmetic3A_839 : vector<16xi32>
    %and3A_841 = arith.andi %shift_right_arithmetic3A_840, %broadcast_in_dim3A_11 : vector<16xi32>
    %add3A_842 = arith.addi %add3A_837, %and3A_841 : vector<16xi32>
    %swap3A_843 = arith.constant 2 : i32
    %swap3A_844 = arith.index_cast %swap3A_843 : i32 to index
    %swap3A_845 = arith.constant 112 : index
    %swap3A_846 = tpu.vector_load %arg8[%swap3A_844, %swap3A_845] {strides = array<i32>} : memref<4x128xi32, #tpu.memory_space<vmem>>, vector<16xi32>,
    tpu.vector_store %arg8[%swap3A_844, %swap3A_845], %add3A_842 {strides = array<i32>} : memref<4x128xi32, #tpu.memory_space<vmem>>, vector<16xi32>,
    %add3A_847 = arith.constant 384 : i32
    %add3A_848 = vector.broadcast %add3A_847 : i32 to vector<16xi32>
    %add3A_849 = arith.addi %add3A_848, %iota3A : vector<16xi32>
    %gather3A_850 = tpu.vector_load_idx %arg6[%add3A_849, %broadcast_in_dim3A_3] : memref<512x2xi32, #tpu.memory_space<vmem>>[vector<16xi32>, vector<16xi32>], vector<16xi32>,
    %gather3A_851 = tpu.vector_load_idx %arg6[%add3A_849, %broadcast_in_dim3A_5] : memref<512x2xi32, #tpu.memory_space<vmem>>[vector<16xi32>, vector<16xi32>], vector<16xi32>,
    %and3A_852 = arith.andi %gather3A_850, %broadcast_in_dim3A_7 : vector<16xi32>
    %and3A_853 = arith.andi %gather3A_850, %broadcast_in_dim3A_9 : vector<16xi32>
    %shift_left3A_854 = arith.constant 3 : i32
    %shift_left3A_855 = vector.broadcast %shift_left3A_854 : i32 to vector<16xi32>
    %shift_left3A_856 = arith.shli %and3A_853, %shift_left3A_855 : vector<16xi32>
    %add3A_857 = arith.addi %and3A_852, %shift_left3A_856 : vector<16xi32>
    %shift_right_arithmetic3A_858 = arith.constant 12 : i32
    %shift_right_arithmetic3A_859 = vector.broadcast %shift_right_arithmetic3A_858 : i32 to vector<16xi32>
    %shift_right_arithmetic3A_860 = arith.shrsi %gather3A_850, %shift_right_arithmetic3A_859 : vector<16xi32>
    %and3A_861 = arith.andi %shift_right_arithmetic3A_860, %broadcast_in_dim3A_11 : vector<16xi32>
    %add3A_862 = arith.addi %add3A_857, %and3A_861 : vector<16xi32>
    %swap3A_863 = arith.constant 3 : i32
    %swap3A_864 = arith.index_cast %swap3A_863 : i32 to index
    %swap3A_865 = arith.constant 0 : index
    %swap3A_866 = tpu.vector_load %arg7[%swap3A_864, %swap3A_865] {strides = array<i32>} : memref<4x128xi32, #tpu.memory_space<vmem>>, vector<16xi32>,
    tpu.vector_store %arg7[%swap3A_864, %swap3A_865], %add3A_862 {strides = array<i32>} : memref<4x128xi32, #tpu.memory_space<vmem>>, vector<16xi32>,
    %and3A_867 = arith.andi %gather3A_851, %broadcast_in_dim3A_7 : vector<16xi32>
    %and3A_868 = arith.andi %gather3A_851, %broadcast_in_dim3A_9 : vector<16xi32>
    %shift_left3A_869 = arith.constant 3 : i32
    %shift_left3A_870 = vector.broadcast %shift_left3A_869 : i32 to vector<16xi32>
    %shift_left3A_871 = arith.shli %and3A_868, %shift_left3A_870 : vector<16xi32>
    %add3A_872 = arith.addi %and3A_867, %shift_left3A_871 : vector<16xi32>
    %shift_right_arithmetic3A_873 = arith.constant 12 : i32
    %shift_right_arithmetic3A_874 = vector.broadcast %shift_right_arithmetic3A_873 : i32 to vector<16xi32>
    %shift_right_arithmetic3A_875 = arith.shrsi %gather3A_851, %shift_right_arithmetic3A_874 : vector<16xi32>
    %and3A_876 = arith.andi %shift_right_arithmetic3A_875, %broadcast_in_dim3A_11 : vector<16xi32>
    %add3A_877 = arith.addi %add3A_872, %and3A_876 : vector<16xi32>
    %swap3A_878 = arith.constant 3 : i32
    %swap3A_879 = arith.index_cast %swap3A_878 : i32 to index
    %swap3A_880 = arith.constant 0 : index
    %swap3A_881 = tpu.vector_load %arg8[%swap3A_879, %swap3A_880] {strides = array<i32>} : memref<4x128xi32, #tpu.memory_space<vmem>>, vector<16xi32>,
    tpu.vector_store %arg8[%swap3A_879, %swap3A_880], %add3A_877 {strides = array<i32>} : memref<4x128xi32, #tpu.memory_space<vmem>>, vector<16xi32>,
    %add3A_882 = arith.constant 400 : i32
    %add3A_883 = vector.broadcast %add3A_882 : i32 to vector<16xi32>
    %add3A_884 = arith.addi %add3A_883, %iota3A : vector<16xi32>
    %gather3A_885 = tpu.vector_load_idx %arg6[%add3A_884, %broadcast_in_dim3A_3] : memref<512x2xi32, #tpu.memory_space<vmem>>[vector<16xi32>, vector<16xi32>], vector<16xi32>,
    %gather3A_886 = tpu.vector_load_idx %arg6[%add3A_884, %broadcast_in_dim3A_5] : memref<512x2xi32, #tpu.memory_space<vmem>>[vector<16xi32>, vector<16xi32>], vector<16xi32>,
    %and3A_887 = arith.andi %gather3A_885, %broadcast_in_dim3A_7 : vector<16xi32>
    %and3A_888 = arith.andi %gather3A_885, %broadcast_in_dim3A_9 : vector<16xi32>
    %shift_left3A_889 = arith.constant 3 : i32
    %shift_left3A_890 = vector.broadcast %shift_left3A_889 : i32 to vector<16xi32>
    %shift_left3A_891 = arith.shli %and3A_888, %shift_left3A_890 : vector<16xi32>
    %add3A_892 = arith.addi %and3A_887, %shift_left3A_891 : vector<16xi32>
    %shift_right_arithmetic3A_893 = arith.constant 12 : i32
    %shift_right_arithmetic3A_894 = vector.broadcast %shift_right_arithmetic3A_893 : i32 to vector<16xi32>
    %shift_right_arithmetic3A_895 = arith.shrsi %gather3A_885, %shift_right_arithmetic3A_894 : vector<16xi32>
    %and3A_896 = arith.andi %shift_right_arithmetic3A_895, %broadcast_in_dim3A_11 : vector<16xi32>
    %add3A_897 = arith.addi %add3A_892, %and3A_896 : vector<16xi32>
    %swap3A_898 = arith.constant 3 : i32
    %swap3A_899 = arith.index_cast %swap3A_898 : i32 to index
    %swap3A_900 = arith.constant 16 : index
    %swap3A_901 = tpu.vector_load %arg7[%swap3A_899, %swap3A_900] {strides = array<i32>} : memref<4x128xi32, #tpu.memory_space<vmem>>, vector<16xi32>,
    tpu.vector_store %arg7[%swap3A_899, %swap3A_900], %add3A_897 {strides = array<i32>} : memref<4x128xi32, #tpu.memory_space<vmem>>, vector<16xi32>,
    %and3A_902 = arith.andi %gather3A_886, %broadcast_in_dim3A_7 : vector<16xi32>
    %and3A_903 = arith.andi %gather3A_886, %broadcast_in_dim3A_9 : vector<16xi32>
    %shift_left3A_904 = arith.constant 3 : i32
    %shift_left3A_905 = vector.broadcast %shift_left3A_904 : i32 to vector<16xi32>
    %shift_left3A_906 = arith.shli %and3A_903, %shift_left3A_905 : vector<16xi32>
    %add3A_907 = arith.addi %and3A_902, %shift_left3A_906 : vector<16xi32>
    %shift_right_arithmetic3A_908 = arith.constant 12 : i32
    %shift_right_arithmetic3A_909 = vector.broadcast %shift_right_arithmetic3A_908 : i32 to vector<16xi32>
    %shift_right_arithmetic3A_910 = arith.shrsi %gather3A_886, %shift_right_arithmetic3A_909 : vector<16xi32>
    %and3A_911 = arith.andi %shift_right_arithmetic3A_910, %broadcast_in_dim3A_11 : vector<16xi32>
    %add3A_912 = arith.addi %add3A_907, %and3A_911 : vector<16xi32>
    %swap3A_913 = arith.constant 3 : i32
    %swap3A_914 = arith.index_cast %swap3A_913 : i32 to index
    %swap3A_915 = arith.constant 16 : index
    %swap3A_916 = tpu.vector_load %arg8[%swap3A_914, %swap3A_915] {strides = array<i32>} : memref<4x128xi32, #tpu.memory_space<vmem>>, vector<16xi32>,
    tpu.vector_store %arg8[%swap3A_914, %swap3A_915], %add3A_912 {strides = array<i32>} : memref<4x128xi32, #tpu.memory_space<vmem>>, vector<16xi32>,
    %add3A_917 = arith.constant 416 : i32
    %add3A_918 = vector.broadcast %add3A_917 : i32 to vector<16xi32>
    %add3A_919 = arith.addi %add3A_918, %iota3A : vector<16xi32>
    %gather3A_920 = tpu.vector_load_idx %arg6[%add3A_919, %broadcast_in_dim3A_3] : memref<512x2xi32, #tpu.memory_space<vmem>>[vector<16xi32>, vector<16xi32>], vector<16xi32>,
    %gather3A_921 = tpu.vector_load_idx %arg6[%add3A_919, %broadcast_in_dim3A_5] : memref<512x2xi32, #tpu.memory_space<vmem>>[vector<16xi32>, vector<16xi32>], vector<16xi32>,
    %and3A_922 = arith.andi %gather3A_920, %broadcast_in_dim3A_7 : vector<16xi32>
    %and3A_923 = arith.andi %gather3A_920, %broadcast_in_dim3A_9 : vector<16xi32>
    %shift_left3A_924 = arith.constant 3 : i32
    %shift_left3A_925 = vector.broadcast %shift_left3A_924 : i32 to vector<16xi32>
    %shift_left3A_926 = arith.shli %and3A_923, %shift_left3A_925 : vector<16xi32>
    %add3A_927 = arith.addi %and3A_922, %shift_left3A_926 : vector<16xi32>
    %shift_right_arithmetic3A_928 = arith.constant 12 : i32
    %shift_right_arithmetic3A_929 = vector.broadcast %shift_right_arithmetic3A_928 : i32 to vector<16xi32>
    %shift_right_arithmetic3A_930 = arith.shrsi %gather3A_920, %shift_right_arithmetic3A_929 : vector<16xi32>
    %and3A_931 = arith.andi %shift_right_arithmetic3A_930, %broadcast_in_dim3A_11 : vector<16xi32>
    %add3A_932 = arith.addi %add3A_927, %and3A_931 : vector<16xi32>
    %swap3A_933 = arith.constant 3 : i32
    %swap3A_934 = arith.index_cast %swap3A_933 : i32 to index
    %swap3A_935 = arith.constant 32 : index
    %swap3A_936 = tpu.vector_load %arg7[%swap3A_934, %swap3A_935] {strides = array<i32>} : memref<4x128xi32, #tpu.memory_space<vmem>>, vector<16xi32>,
    tpu.vector_store %arg7[%swap3A_934, %swap3A_935], %add3A_932 {strides = array<i32>} : memref<4x128xi32, #tpu.memory_space<vmem>>, vector<16xi32>,
    %and3A_937 = arith.andi %gather3A_921, %broadcast_in_dim3A_7 : vector<16xi32>
    %and3A_938 = arith.andi %gather3A_921, %broadcast_in_dim3A_9 : vector<16xi32>
    %shift_left3A_939 = arith.constant 3 : i32
    %shift_left3A_940 = vector.broadcast %shift_left3A_939 : i32 to vector<16xi32>
    %shift_left3A_941 = arith.shli %and3A_938, %shift_left3A_940 : vector<16xi32>
    %add3A_942 = arith.addi %and3A_937, %shift_left3A_941 : vector<16xi32>
    %shift_right_arithmetic3A_943 = arith.constant 12 : i32
    %shift_right_arithmetic3A_944 = vector.broadcast %shift_right_arithmetic3A_943 : i32 to vector<16xi32>
    %shift_right_arithmetic3A_945 = arith.shrsi %gather3A_921, %shift_right_arithmetic3A_944 : vector<16xi32>
    %and3A_946 = arith.andi %shift_right_arithmetic3A_945, %broadcast_in_dim3A_11 : vector<16xi32>
    %add3A_947 = arith.addi %add3A_942, %and3A_946 : vector<16xi32>
    %swap3A_948 = arith.constant 3 : i32
    %swap3A_949 = arith.index_cast %swap3A_948 : i32 to index
    %swap3A_950 = arith.constant 32 : index
    %swap3A_951 = tpu.vector_load %arg8[%swap3A_949, %swap3A_950] {strides = array<i32>} : memref<4x128xi32, #tpu.memory_space<vmem>>, vector<16xi32>,
    tpu.vector_store %arg8[%swap3A_949, %swap3A_950], %add3A_947 {strides = array<i32>} : memref<4x128xi32, #tpu.memory_space<vmem>>, vector<16xi32>,
    %add3A_952 = arith.constant 432 : i32
    %add3A_953 = vector.broadcast %add3A_952 : i32 to vector<16xi32>
    %add3A_954 = arith.addi %add3A_953, %iota3A : vector<16xi32>
    %gather3A_955 = tpu.vector_load_idx %arg6[%add3A_954, %broadcast_in_dim3A_3] : memref<512x2xi32, #tpu.memory_space<vmem>>[vector<16xi32>, vector<16xi32>], vector<16xi32>,
    %gather3A_956 = tpu.vector_load_idx %arg6[%add3A_954, %broadcast_in_dim3A_5] : memref<512x2xi32, #tpu.memory_space<vmem>>[vector<16xi32>, vector<16xi32>], vector<16xi32>,
    %and3A_957 = arith.andi %gather3A_955, %broadcast_in_dim3A_7 : vector<16xi32>
    %and3A_958 = arith.andi %gather3A_955, %broadcast_in_dim3A_9 : vector<16xi32>
    %shift_left3A_959 = arith.constant 3 : i32
    %shift_left3A_960 = vector.broadcast %shift_left3A_959 : i32 to vector<16xi32>
    %shift_left3A_961 = arith.shli %and3A_958, %shift_left3A_960 : vector<16xi32>
    %add3A_962 = arith.addi %and3A_957, %shift_left3A_961 : vector<16xi32>
    %shift_right_arithmetic3A_963 = arith.constant 12 : i32
    %shift_right_arithmetic3A_964 = vector.broadcast %shift_right_arithmetic3A_963 : i32 to vector<16xi32>
    %shift_right_arithmetic3A_965 = arith.shrsi %gather3A_955, %shift_right_arithmetic3A_964 : vector<16xi32>
    %and3A_966 = arith.andi %shift_right_arithmetic3A_965, %broadcast_in_dim3A_11 : vector<16xi32>
    %add3A_967 = arith.addi %add3A_962, %and3A_966 : vector<16xi32>
    %swap3A_968 = arith.constant 3 : i32
    %swap3A_969 = arith.index_cast %swap3A_968 : i32 to index
    %swap3A_970 = arith.constant 48 : index
    %swap3A_971 = tpu.vector_load %arg7[%swap3A_969, %swap3A_970] {strides = array<i32>} : memref<4x128xi32, #tpu.memory_space<vmem>>, vector<16xi32>,
    tpu.vector_store %arg7[%swap3A_969, %swap3A_970], %add3A_967 {strides = array<i32>} : memref<4x128xi32, #tpu.memory_space<vmem>>, vector<16xi32>,
    %and3A_972 = arith.andi %gather3A_956, %broadcast_in_dim3A_7 : vector<16xi32>
    %and3A_973 = arith.andi %gather3A_956, %broadcast_in_dim3A_9 : vector<16xi32>
    %shift_left3A_974 = arith.constant 3 : i32
    %shift_left3A_975 = vector.broadcast %shift_left3A_974 : i32 to vector<16xi32>
    %shift_left3A_976 = arith.shli %and3A_973, %shift_left3A_975 : vector<16xi32>
    %add3A_977 = arith.addi %and3A_972, %shift_left3A_976 : vector<16xi32>
    %shift_right_arithmetic3A_978 = arith.constant 12 : i32
    %shift_right_arithmetic3A_979 = vector.broadcast %shift_right_arithmetic3A_978 : i32 to vector<16xi32>
    %shift_right_arithmetic3A_980 = arith.shrsi %gather3A_956, %shift_right_arithmetic3A_979 : vector<16xi32>
    %and3A_981 = arith.andi %shift_right_arithmetic3A_980, %broadcast_in_dim3A_11 : vector<16xi32>
    %add3A_982 = arith.addi %add3A_977, %and3A_981 : vector<16xi32>
    %swap3A_983 = arith.constant 3 : i32
    %swap3A_984 = arith.index_cast %swap3A_983 : i32 to index
    %swap3A_985 = arith.constant 48 : index
    %swap3A_986 = tpu.vector_load %arg8[%swap3A_984, %swap3A_985] {strides = array<i32>} : memref<4x128xi32, #tpu.memory_space<vmem>>, vector<16xi32>,
    tpu.vector_store %arg8[%swap3A_984, %swap3A_985], %add3A_982 {strides = array<i32>} : memref<4x128xi32, #tpu.memory_space<vmem>>, vector<16xi32>,
    %add3A_987 = arith.constant 448 : i32
    %add3A_988 = vector.broadcast %add3A_987 : i32 to vector<16xi32>
    %add3A_989 = arith.addi %add3A_988, %iota3A : vector<16xi32>
    %gather3A_990 = tpu.vector_load_idx %arg6[%add3A_989, %broadcast_in_dim3A_3] : memref<512x2xi32, #tpu.memory_space<vmem>>[vector<16xi32>, vector<16xi32>], vector<16xi32>,
    %gather3A_991 = tpu.vector_load_idx %arg6[%add3A_989, %broadcast_in_dim3A_5] : memref<512x2xi32, #tpu.memory_space<vmem>>[vector<16xi32>, vector<16xi32>], vector<16xi32>,
    %and3A_992 = arith.andi %gather3A_990, %broadcast_in_dim3A_7 : vector<16xi32>
    %and3A_993 = arith.andi %gather3A_990, %broadcast_in_dim3A_9 : vector<16xi32>
    %shift_left3A_994 = arith.constant 3 : i32
    %shift_left3A_995 = vector.broadcast %shift_left3A_994 : i32 to vector<16xi32>
    %shift_left3A_996 = arith.shli %and3A_993, %shift_left3A_995 : vector<16xi32>
    %add3A_997 = arith.addi %and3A_992, %shift_left3A_996 : vector<16xi32>
    %shift_right_arithmetic3A_998 = arith.constant 12 : i32
    %shift_right_arithmetic3A_999 = vector.broadcast %shift_right_arithmetic3A_998 : i32 to vector<16xi32>
    %shift_right_arithmetic3A_1000 = arith.shrsi %gather3A_990, %shift_right_arithmetic3A_999 : vector<16xi32>
    %and3A_1001 = arith.andi %shift_right_arithmetic3A_1000, %broadcast_in_dim3A_11 : vector<16xi32>
    %add3A_1002 = arith.addi %add3A_997, %and3A_1001 : vector<16xi32>
    %swap3A_1003 = arith.constant 3 : i32
    %swap3A_1004 = arith.index_cast %swap3A_1003 : i32 to index
    %swap3A_1005 = arith.constant 64 : index
    %swap3A_1006 = tpu.vector_load %arg7[%swap3A_1004, %swap3A_1005] {strides = array<i32>} : memref<4x128xi32, #tpu.memory_space<vmem>>, vector<16xi32>,
    tpu.vector_store %arg7[%swap3A_1004, %swap3A_1005], %add3A_1002 {strides = array<i32>} : memref<4x128xi32, #tpu.memory_space<vmem>>, vector<16xi32>,
    %and3A_1007 = arith.andi %gather3A_991, %broadcast_in_dim3A_7 : vector<16xi32>
    %and3A_1008 = arith.andi %gather3A_991, %broadcast_in_dim3A_9 : vector<16xi32>
    %shift_left3A_1009 = arith.constant 3 : i32
    %shift_left3A_1010 = vector.broadcast %shift_left3A_1009 : i32 to vector<16xi32>
    %shift_left3A_1011 = arith.shli %and3A_1008, %shift_left3A_1010 : vector<16xi32>
    %add3A_1012 = arith.addi %and3A_1007, %shift_left3A_1011 : vector<16xi32>
    %shift_right_arithmetic3A_1013 = arith.constant 12 : i32
    %shift_right_arithmetic3A_1014 = vector.broadcast %shift_right_arithmetic3A_1013 : i32 to vector<16xi32>
    %shift_right_arithmetic3A_1015 = arith.shrsi %gather3A_991, %shift_right_arithmetic3A_1014 : vector<16xi32>
    %and3A_1016 = arith.andi %shift_right_arithmetic3A_1015, %broadcast_in_dim3A_11 : vector<16xi32>
    %add3A_1017 = arith.addi %add3A_1012, %and3A_1016 : vector<16xi32>
    %swap3A_1018 = arith.constant 3 : i32
    %swap3A_1019 = arith.index_cast %swap3A_1018 : i32 to index
    %swap3A_1020 = arith.constant 64 : index
    %swap3A_1021 = tpu.vector_load %arg8[%swap3A_1019, %swap3A_1020] {strides = array<i32>} : memref<4x128xi32, #tpu.memory_space<vmem>>, vector<16xi32>,
    tpu.vector_store %arg8[%swap3A_1019, %swap3A_1020], %add3A_1017 {strides = array<i32>} : memref<4x128xi32, #tpu.memory_space<vmem>>, vector<16xi32>,
    %add3A_1022 = arith.constant 464 : i32
    %add3A_1023 = vector.broadcast %add3A_1022 : i32 to vector<16xi32>
    %add3A_1024 = arith.addi %add3A_1023, %iota3A : vector<16xi32>
    %gather3A_1025 = tpu.vector_load_idx %arg6[%add3A_1024, %broadcast_in_dim3A_3] : memref<512x2xi32, #tpu.memory_space<vmem>>[vector<16xi32>, vector<16xi32>], vector<16xi32>,
    %gather3A_1026 = tpu.vector_load_idx %arg6[%add3A_1024, %broadcast_in_dim3A_5] : memref<512x2xi32, #tpu.memory_space<vmem>>[vector<16xi32>, vector<16xi32>], vector<16xi32>,
    %and3A_1027 = arith.andi %gather3A_1025, %broadcast_in_dim3A_7 : vector<16xi32>
    %and3A_1028 = arith.andi %gather3A_1025, %broadcast_in_dim3A_9 : vector<16xi32>
    %shift_left3A_1029 = arith.constant 3 : i32
    %shift_left3A_1030 = vector.broadcast %shift_left3A_1029 : i32 to vector<16xi32>
    %shift_left3A_1031 = arith.shli %and3A_1028, %shift_left3A_1030 : vector<16xi32>
    %add3A_1032 = arith.addi %and3A_1027, %shift_left3A_1031 : vector<16xi32>
    %shift_right_arithmetic3A_1033 = arith.constant 12 : i32
    %shift_right_arithmetic3A_1034 = vector.broadcast %shift_right_arithmetic3A_1033 : i32 to vector<16xi32>
    %shift_right_arithmetic3A_1035 = arith.shrsi %gather3A_1025, %shift_right_arithmetic3A_1034 : vector<16xi32>
    %and3A_1036 = arith.andi %shift_right_arithmetic3A_1035, %broadcast_in_dim3A_11 : vector<16xi32>
    %add3A_1037 = arith.addi %add3A_1032, %and3A_1036 : vector<16xi32>
    %swap3A_1038 = arith.constant 3 : i32
    %swap3A_1039 = arith.index_cast %swap3A_1038 : i32 to index
    %swap3A_1040 = arith.constant 80 : index
    %swap3A_1041 = tpu.vector_load %arg7[%swap3A_1039, %swap3A_1040] {strides = array<i32>} : memref<4x128xi32, #tpu.memory_space<vmem>>, vector<16xi32>,
    tpu.vector_store %arg7[%swap3A_1039, %swap3A_1040], %add3A_1037 {strides = array<i32>} : memref<4x128xi32, #tpu.memory_space<vmem>>, vector<16xi32>,
    %and3A_1042 = arith.andi %gather3A_1026, %broadcast_in_dim3A_7 : vector<16xi32>
    %and3A_1043 = arith.andi %gather3A_1026, %broadcast_in_dim3A_9 : vector<16xi32>
    %shift_left3A_1044 = arith.constant 3 : i32
    %shift_left3A_1045 = vector.broadcast %shift_left3A_1044 : i32 to vector<16xi32>
    %shift_left3A_1046 = arith.shli %and3A_1043, %shift_left3A_1045 : vector<16xi32>
    %add3A_1047 = arith.addi %and3A_1042, %shift_left3A_1046 : vector<16xi32>
    %shift_right_arithmetic3A_1048 = arith.constant 12 : i32
    %shift_right_arithmetic3A_1049 = vector.broadcast %shift_right_arithmetic3A_1048 : i32 to vector<16xi32>
    %shift_right_arithmetic3A_1050 = arith.shrsi %gather3A_1026, %shift_right_arithmetic3A_1049 : vector<16xi32>
    %and3A_1051 = arith.andi %shift_right_arithmetic3A_1050, %broadcast_in_dim3A_11 : vector<16xi32>
    %add3A_1052 = arith.addi %add3A_1047, %and3A_1051 : vector<16xi32>
    %swap3A_1053 = arith.constant 3 : i32
    %swap3A_1054 = arith.index_cast %swap3A_1053 : i32 to index
    %swap3A_1055 = arith.constant 80 : index
    %swap3A_1056 = tpu.vector_load %arg8[%swap3A_1054, %swap3A_1055] {strides = array<i32>} : memref<4x128xi32, #tpu.memory_space<vmem>>, vector<16xi32>,
    tpu.vector_store %arg8[%swap3A_1054, %swap3A_1055], %add3A_1052 {strides = array<i32>} : memref<4x128xi32, #tpu.memory_space<vmem>>, vector<16xi32>,
    %add3A_1057 = arith.constant 480 : i32
    %add3A_1058 = vector.broadcast %add3A_1057 : i32 to vector<16xi32>
    %add3A_1059 = arith.addi %add3A_1058, %iota3A : vector<16xi32>
    %gather3A_1060 = tpu.vector_load_idx %arg6[%add3A_1059, %broadcast_in_dim3A_3] : memref<512x2xi32, #tpu.memory_space<vmem>>[vector<16xi32>, vector<16xi32>], vector<16xi32>,
    %gather3A_1061 = tpu.vector_load_idx %arg6[%add3A_1059, %broadcast_in_dim3A_5] : memref<512x2xi32, #tpu.memory_space<vmem>>[vector<16xi32>, vector<16xi32>], vector<16xi32>,
    %and3A_1062 = arith.andi %gather3A_1060, %broadcast_in_dim3A_7 : vector<16xi32>
    %and3A_1063 = arith.andi %gather3A_1060, %broadcast_in_dim3A_9 : vector<16xi32>
    %shift_left3A_1064 = arith.constant 3 : i32
    %shift_left3A_1065 = vector.broadcast %shift_left3A_1064 : i32 to vector<16xi32>
    %shift_left3A_1066 = arith.shli %and3A_1063, %shift_left3A_1065 : vector<16xi32>
    %add3A_1067 = arith.addi %and3A_1062, %shift_left3A_1066 : vector<16xi32>
    %shift_right_arithmetic3A_1068 = arith.constant 12 : i32
    %shift_right_arithmetic3A_1069 = vector.broadcast %shift_right_arithmetic3A_1068 : i32 to vector<16xi32>
    %shift_right_arithmetic3A_1070 = arith.shrsi %gather3A_1060, %shift_right_arithmetic3A_1069 : vector<16xi32>
    %and3A_1071 = arith.andi %shift_right_arithmetic3A_1070, %broadcast_in_dim3A_11 : vector<16xi32>
    %add3A_1072 = arith.addi %add3A_1067, %and3A_1071 : vector<16xi32>
    %swap3A_1073 = arith.constant 3 : i32
    %swap3A_1074 = arith.index_cast %swap3A_1073 : i32 to index
    %swap3A_1075 = arith.constant 96 : index
    %swap3A_1076 = tpu.vector_load %arg7[%swap3A_1074, %swap3A_1075] {strides = array<i32>} : memref<4x128xi32, #tpu.memory_space<vmem>>, vector<16xi32>,
    tpu.vector_store %arg7[%swap3A_1074, %swap3A_1075], %add3A_1072 {strides = array<i32>} : memref<4x128xi32, #tpu.memory_space<vmem>>, vector<16xi32>,
    %and3A_1077 = arith.andi %gather3A_1061, %broadcast_in_dim3A_7 : vector<16xi32>
    %and3A_1078 = arith.andi %gather3A_1061, %broadcast_in_dim3A_9 : vector<16xi32>
    %shift_left3A_1079 = arith.constant 3 : i32
    %shift_left3A_1080 = vector.broadcast %shift_left3A_1079 : i32 to vector<16xi32>
    %shift_left3A_1081 = arith.shli %and3A_1078, %shift_left3A_1080 : vector<16xi32>
    %add3A_1082 = arith.addi %and3A_1077, %shift_left3A_1081 : vector<16xi32>
    %shift_right_arithmetic3A_1083 = arith.constant 12 : i32
    %shift_right_arithmetic3A_1084 = vector.broadcast %shift_right_arithmetic3A_1083 : i32 to vector<16xi32>
    %shift_right_arithmetic3A_1085 = arith.shrsi %gather3A_1061, %shift_right_arithmetic3A_1084 : vector<16xi32>
    %and3A_1086 = arith.andi %shift_right_arithmetic3A_1085, %broadcast_in_dim3A_11 : vector<16xi32>
    %add3A_1087 = arith.addi %add3A_1082, %and3A_1086 : vector<16xi32>
    %swap3A_1088 = arith.constant 3 : i32
    %swap3A_1089 = arith.index_cast %swap3A_1088 : i32 to index
    %swap3A_1090 = arith.constant 96 : index
    %swap3A_1091 = tpu.vector_load %arg8[%swap3A_1089, %swap3A_1090] {strides = array<i32>} : memref<4x128xi32, #tpu.memory_space<vmem>>, vector<16xi32>,
    tpu.vector_store %arg8[%swap3A_1089, %swap3A_1090], %add3A_1087 {strides = array<i32>} : memref<4x128xi32, #tpu.memory_space<vmem>>, vector<16xi32>,
    %add3A_1092 = arith.constant 496 : i32
    %add3A_1093 = vector.broadcast %add3A_1092 : i32 to vector<16xi32>
    %add3A_1094 = arith.addi %add3A_1093, %iota3A : vector<16xi32>
    %gather3A_1095 = tpu.vector_load_idx %arg6[%add3A_1094, %broadcast_in_dim3A_3] : memref<512x2xi32, #tpu.memory_space<vmem>>[vector<16xi32>, vector<16xi32>], vector<16xi32>,
    %gather3A_1096 = tpu.vector_load_idx %arg6[%add3A_1094, %broadcast_in_dim3A_5] : memref<512x2xi32, #tpu.memory_space<vmem>>[vector<16xi32>, vector<16xi32>], vector<16xi32>,
    %and3A_1097 = arith.andi %gather3A_1095, %broadcast_in_dim3A_7 : vector<16xi32>
    %and3A_1098 = arith.andi %gather3A_1095, %broadcast_in_dim3A_9 : vector<16xi32>
    %shift_left3A_1099 = arith.constant 3 : i32
    %shift_left3A_1100 = vector.broadcast %shift_left3A_1099 : i32 to vector<16xi32>
    %shift_left3A_1101 = arith.shli %and3A_1098, %shift_left3A_1100 : vector<16xi32>
    %add3A_1102 = arith.addi %and3A_1097, %shift_left3A_1101 : vector<16xi32>
    %shift_right_arithmetic3A_1103 = arith.constant 12 : i32
    %shift_right_arithmetic3A_1104 = vector.broadcast %shift_right_arithmetic3A_1103 : i32 to vector<16xi32>
    %shift_right_arithmetic3A_1105 = arith.shrsi %gather3A_1095, %shift_right_arithmetic3A_1104 : vector<16xi32>
    %and3A_1106 = arith.andi %shift_right_arithmetic3A_1105, %broadcast_in_dim3A_11 : vector<16xi32>
    %add3A_1107 = arith.addi %add3A_1102, %and3A_1106 : vector<16xi32>
    %swap3A_1108 = arith.constant 3 : i32
    %swap3A_1109 = arith.index_cast %swap3A_1108 : i32 to index
    %swap3A_1110 = arith.constant 112 : index
    %swap3A_1111 = tpu.vector_load %arg7[%swap3A_1109, %swap3A_1110] {strides = array<i32>} : memref<4x128xi32, #tpu.memory_space<vmem>>, vector<16xi32>,
    tpu.vector_store %arg7[%swap3A_1109, %swap3A_1110], %add3A_1107 {strides = array<i32>} : memref<4x128xi32, #tpu.memory_space<vmem>>, vector<16xi32>,
    %and3A_1112 = arith.andi %gather3A_1096, %broadcast_in_dim3A_7 : vector<16xi32>
    %and3A_1113 = arith.andi %gather3A_1096, %broadcast_in_dim3A_9 : vector<16xi32>
    %shift_left3A_1114 = arith.constant 3 : i32
    %shift_left3A_1115 = vector.broadcast %shift_left3A_1114 : i32 to vector<16xi32>
    %shift_left3A_1116 = arith.shli %and3A_1113, %shift_left3A_1115 : vector<16xi32>
    %add3A_1117 = arith.addi %and3A_1112, %shift_left3A_1116 : vector<16xi32>
    %shift_right_arithmetic3A_1118 = arith.constant 12 : i32
    %shift_right_arithmetic3A_1119 = vector.broadcast %shift_right_arithmetic3A_1118 : i32 to vector<16xi32>
    %shift_right_arithmetic3A_1120 = arith.shrsi %gather3A_1096, %shift_right_arithmetic3A_1119 : vector<16xi32>
    %and3A_1121 = arith.andi %shift_right_arithmetic3A_1120, %broadcast_in_dim3A_11 : vector<16xi32>
    %add3A_1122 = arith.addi %add3A_1117, %and3A_1121 : vector<16xi32>
    %swap3A_1123 = arith.constant 3 : i32
    %swap3A_1124 = arith.index_cast %swap3A_1123 : i32 to index
    %swap3A_1125 = arith.constant 112 : index
    %swap3A_1126 = tpu.vector_load %arg8[%swap3A_1124, %swap3A_1125] {strides = array<i32>} : memref<4x128xi32, #tpu.memory_space<vmem>>, vector<16xi32>,
    tpu.vector_store %arg8[%swap3A_1124, %swap3A_1125], %add3A_1122 {strides = array<i32>} : memref<4x128xi32, #tpu.memory_space<vmem>>, vector<16xi32>,
    %dma_start3A = arith.constant 0 : i32
    %dma_start3A_1127 = arith.constant 0 : i32
    %dma_start3A_1128 = arith.constant 0 : i32
    %dma_start3A_1129 = tpu.memref_slice %arg9[%dma_start3A_1127, %dma_start3A_1128] : memref<512x16xf32, #tpu.memory_space<vmem>> -> memref<128x16xf32, #tpu.memory_space<vmem>>
    %dma_start3A_1130 = arith.constant 0 : i32
    %dma_start3A_1131 = tpu.memref_slice %arg7[%dma_start3A, %dma_start3A_1130] : memref<4x128xi32, #tpu.memory_space<vmem>> -> memref<1x128xi32, #tpu.memory_space<vmem>>
    %dma_start3A_1132 = tpu.memref_squeeze %dma_start3A_1131 : memref<1x128xi32, #tpu.memory_space<vmem>> -> memref<128xi32, #tpu.memory_space<vmem>>
    %dma_start3A_1133 = arith.constant 0 : i32
    %dma_start3A_1134 = arith.constant 0 : i32
    %dma_start3A_1135 = tpu.memref_slice %arg3[%dma_start3A_1133, %dma_start3A_1134] : memref<1015808x16xf32, #tpu.memory_space<hbm>> -> memref<1015808x16xf32, #tpu.memory_space<hbm>>
    tpu.enqueue_indirect_dma source(%dma_start3A_1135 : memref<1015808x16xf32, #tpu.memory_space<hbm>>) target(%dma_start3A_1129 : memref<128x16xf32, #tpu.memory_space<vmem>>) offsets(%dma_start3A_1132 : memref<128xi32, #tpu.memory_space<vmem>>) semaphore(%arg12 : memref<!tpu.dma_semaphore, #tpu.memory_space<semaphore_mem>>)
    %dma_start3A_1136 = arith.constant 0 : i32
    %dma_start3A_1137 = arith.constant 0 : i32
    %dma_start3A_1138 = arith.constant 0 : i32
    %dma_start3A_1139 = tpu.memref_slice %arg10[%dma_start3A_1137, %dma_start3A_1138] : memref<512x16xf32, #tpu.memory_space<vmem>> -> memref<128x16xf32, #tpu.memory_space<vmem>>
    %dma_start3A_1140 = arith.constant 0 : i32
    %dma_start3A_1141 = tpu.memref_slice %arg8[%dma_start3A_1136, %dma_start3A_1140] : memref<4x128xi32, #tpu.memory_space<vmem>> -> memref<1x128xi32, #tpu.memory_space<vmem>>
    %dma_start3A_1142 = tpu.memref_squeeze %dma_start3A_1141 : memref<1x128xi32, #tpu.memory_space<vmem>> -> memref<128xi32, #tpu.memory_space<vmem>>
    %dma_start3A_1143 = arith.constant 0 : i32
    %dma_start3A_1144 = arith.constant 0 : i32
    %dma_start3A_1145 = tpu.memref_slice %arg4[%dma_start3A_1143, %dma_start3A_1144] : memref<1015808x16xf32, #tpu.memory_space<hbm>> -> memref<1015808x16xf32, #tpu.memory_space<hbm>>
    tpu.enqueue_indirect_dma source(%dma_start3A_1145 : memref<1015808x16xf32, #tpu.memory_space<hbm>>) target(%dma_start3A_1139 : memref<128x16xf32, #tpu.memory_space<vmem>>) offsets(%dma_start3A_1142 : memref<128xi32, #tpu.memory_space<vmem>>) semaphore(%arg12 : memref<!tpu.dma_semaphore, #tpu.memory_space<semaphore_mem>>)
    %dma_start3A_1146 = arith.constant 1 : i32
    %dma_start3A_1147 = arith.constant 128 : i32
    %dma_start3A_1148 = arith.constant 0 : i32
    %dma_start3A_1149 = tpu.memref_slice %arg9[%dma_start3A_1147, %dma_start3A_1148] : memref<512x16xf32, #tpu.memory_space<vmem>> -> memref<128x16xf32, #tpu.memory_space<vmem>>
    %dma_start3A_1150 = arith.constant 0 : i32
    %dma_start3A_1151 = tpu.memref_slice %arg7[%dma_start3A_1146, %dma_start3A_1150] : memref<4x128xi32, #tpu.memory_space<vmem>> -> memref<1x128xi32, #tpu.memory_space<vmem>>
    %dma_start3A_1152 = tpu.memref_squeeze %dma_start3A_1151 : memref<1x128xi32, #tpu.memory_space<vmem>> -> memref<128xi32, #tpu.memory_space<vmem>>
    %dma_start3A_1153 = arith.constant 0 : i32
    %dma_start3A_1154 = arith.constant 0 : i32
    %dma_start3A_1155 = tpu.memref_slice %arg3[%dma_start3A_1153, %dma_start3A_1154] : memref<1015808x16xf32, #tpu.memory_space<hbm>> -> memref<1015808x16xf32, #tpu.memory_space<hbm>>
    tpu.enqueue_indirect_dma source(%dma_start3A_1155 : memref<1015808x16xf32, #tpu.memory_space<hbm>>) target(%dma_start3A_1149 : memref<128x16xf32, #tpu.memory_space<vmem>>) offsets(%dma_start3A_1152 : memref<128xi32, #tpu.memory_space<vmem>>) semaphore(%arg12 : memref<!tpu.dma_semaphore, #tpu.memory_space<semaphore_mem>>)
    %dma_start3A_1156 = arith.constant 1 : i32
    %dma_start3A_1157 = arith.constant 128 : i32
    %dma_start3A_1158 = arith.constant 0 : i32
    %dma_start3A_1159 = tpu.memref_slice %arg10[%dma_start3A_1157, %dma_start3A_1158] : memref<512x16xf32, #tpu.memory_space<vmem>> -> memref<128x16xf32, #tpu.memory_space<vmem>>
    %dma_start3A_1160 = arith.constant 0 : i32
    %dma_start3A_1161 = tpu.memref_slice %arg8[%dma_start3A_1156, %dma_start3A_1160] : memref<4x128xi32, #tpu.memory_space<vmem>> -> memref<1x128xi32, #tpu.memory_space<vmem>>
    %dma_start3A_1162 = tpu.memref_squeeze %dma_start3A_1161 : memref<1x128xi32, #tpu.memory_space<vmem>> -> memref<128xi32, #tpu.memory_space<vmem>>
    %dma_start3A_1163 = arith.constant 0 : i32
    %dma_start3A_1164 = arith.constant 0 : i32
    %dma_start3A_1165 = tpu.memref_slice %arg4[%dma_start3A_1163, %dma_start3A_1164] : memref<1015808x16xf32, #tpu.memory_space<hbm>> -> memref<1015808x16xf32, #tpu.memory_space<hbm>>
    tpu.enqueue_indirect_dma source(%dma_start3A_1165 : memref<1015808x16xf32, #tpu.memory_space<hbm>>) target(%dma_start3A_1159 : memref<128x16xf32, #tpu.memory_space<vmem>>) offsets(%dma_start3A_1162 : memref<128xi32, #tpu.memory_space<vmem>>) semaphore(%arg12 : memref<!tpu.dma_semaphore, #tpu.memory_space<semaphore_mem>>)
    %dma_start3A_1166 = arith.constant 2 : i32
    %dma_start3A_1167 = arith.constant 256 : i32
    %dma_start3A_1168 = arith.constant 0 : i32
    %dma_start3A_1169 = tpu.memref_slice %arg9[%dma_start3A_1167, %dma_start3A_1168] : memref<512x16xf32, #tpu.memory_space<vmem>> -> memref<128x16xf32, #tpu.memory_space<vmem>>
    %dma_start3A_1170 = arith.constant 0 : i32
    %dma_start3A_1171 = tpu.memref_slice %arg7[%dma_start3A_1166, %dma_start3A_1170] : memref<4x128xi32, #tpu.memory_space<vmem>> -> memref<1x128xi32, #tpu.memory_space<vmem>>
    %dma_start3A_1172 = tpu.memref_squeeze %dma_start3A_1171 : memref<1x128xi32, #tpu.memory_space<vmem>> -> memref<128xi32, #tpu.memory_space<vmem>>
    %dma_start3A_1173 = arith.constant 0 : i32
    %dma_start3A_1174 = arith.constant 0 : i32
    %dma_start3A_1175 = tpu.memref_slice %arg3[%dma_start3A_1173, %dma_start3A_1174] : memref<1015808x16xf32, #tpu.memory_space<hbm>> -> memref<1015808x16xf32, #tpu.memory_space<hbm>>
    tpu.enqueue_indirect_dma source(%dma_start3A_1175 : memref<1015808x16xf32, #tpu.memory_space<hbm>>) target(%dma_start3A_1169 : memref<128x16xf32, #tpu.memory_space<vmem>>) offsets(%dma_start3A_1172 : memref<128xi32, #tpu.memory_space<vmem>>) semaphore(%arg12 : memref<!tpu.dma_semaphore, #tpu.memory_space<semaphore_mem>>)
    %dma_start3A_1176 = arith.constant 2 : i32
    %dma_start3A_1177 = arith.constant 256 : i32
    %dma_start3A_1178 = arith.constant 0 : i32
    %dma_start3A_1179 = tpu.memref_slice %arg10[%dma_start3A_1177, %dma_start3A_1178] : memref<512x16xf32, #tpu.memory_space<vmem>> -> memref<128x16xf32, #tpu.memory_space<vmem>>
    %dma_start3A_1180 = arith.constant 0 : i32
    %dma_start3A_1181 = tpu.memref_slice %arg8[%dma_start3A_1176, %dma_start3A_1180] : memref<4x128xi32, #tpu.memory_space<vmem>> -> memref<1x128xi32, #tpu.memory_space<vmem>>
    %dma_start3A_1182 = tpu.memref_squeeze %dma_start3A_1181 : memref<1x128xi32, #tpu.memory_space<vmem>> -> memref<128xi32, #tpu.memory_space<vmem>>
    %dma_start3A_1183 = arith.constant 0 : i32
    %dma_start3A_1184 = arith.constant 0 : i32
    %dma_start3A_1185 = tpu.memref_slice %arg4[%dma_start3A_1183, %dma_start3A_1184] : memref<1015808x16xf32, #tpu.memory_space<hbm>> -> memref<1015808x16xf32, #tpu.memory_space<hbm>>
    tpu.enqueue_indirect_dma source(%dma_start3A_1185 : memref<1015808x16xf32, #tpu.memory_space<hbm>>) target(%dma_start3A_1179 : memref<128x16xf32, #tpu.memory_space<vmem>>) offsets(%dma_start3A_1182 : memref<128xi32, #tpu.memory_space<vmem>>) semaphore(%arg12 : memref<!tpu.dma_semaphore, #tpu.memory_space<semaphore_mem>>)
    %dma_start3A_1186 = arith.constant 3 : i32
    %dma_start3A_1187 = arith.constant 384 : i32
    %dma_start3A_1188 = arith.constant 0 : i32
    %dma_start3A_1189 = tpu.memref_slice %arg9[%dma_start3A_1187, %dma_start3A_1188] : memref<512x16xf32, #tpu.memory_space<vmem>> -> memref<128x16xf32, #tpu.memory_space<vmem>>
    %dma_start3A_1190 = arith.constant 0 : i32
    %dma_start3A_1191 = tpu.memref_slice %arg7[%dma_start3A_1186, %dma_start3A_1190] : memref<4x128xi32, #tpu.memory_space<vmem>> -> memref<1x128xi32, #tpu.memory_space<vmem>>
    %dma_start3A_1192 = tpu.memref_squeeze %dma_start3A_1191 : memref<1x128xi32, #tpu.memory_space<vmem>> -> memref<128xi32, #tpu.memory_space<vmem>>
    %dma_start3A_1193 = arith.constant 0 : i32
    %dma_start3A_1194 = arith.constant 0 : i32
    %dma_start3A_1195 = tpu.memref_slice %arg3[%dma_start3A_1193, %dma_start3A_1194] : memref<1015808x16xf32, #tpu.memory_space<hbm>> -> memref<1015808x16xf32, #tpu.memory_space<hbm>>
    tpu.enqueue_indirect_dma source(%dma_start3A_1195 : memref<1015808x16xf32, #tpu.memory_space<hbm>>) target(%dma_start3A_1189 : memref<128x16xf32, #tpu.memory_space<vmem>>) offsets(%dma_start3A_1192 : memref<128xi32, #tpu.memory_space<vmem>>) semaphore(%arg12 : memref<!tpu.dma_semaphore, #tpu.memory_space<semaphore_mem>>)
    %dma_start3A_1196 = arith.constant 3 : i32
    %dma_start3A_1197 = arith.constant 384 : i32
    %dma_start3A_1198 = arith.constant 0 : i32
    %dma_start3A_1199 = tpu.memref_slice %arg10[%dma_start3A_1197, %dma_start3A_1198] : memref<512x16xf32, #tpu.memory_space<vmem>> -> memref<128x16xf32, #tpu.memory_space<vmem>>
    %dma_start3A_1200 = arith.constant 0 : i32
    %dma_start3A_1201 = tpu.memref_slice %arg8[%dma_start3A_1196, %dma_start3A_1200] : memref<4x128xi32, #tpu.memory_space<vmem>> -> memref<1x128xi32, #tpu.memory_space<vmem>>
    %dma_start3A_1202 = tpu.memref_squeeze %dma_start3A_1201 : memref<1x128xi32, #tpu.memory_space<vmem>> -> memref<128xi32, #tpu.memory_space<vmem>>
    %dma_start3A_1203 = arith.constant 0 : i32
    %dma_start3A_1204 = arith.constant 0 : i32
    %dma_start3A_1205 = tpu.memref_slice %arg4[%dma_start3A_1203, %dma_start3A_1204] : memref<1015808x16xf32, #tpu.memory_space<hbm>> -> memref<1015808x16xf32, #tpu.memory_space<hbm>>
    tpu.enqueue_indirect_dma source(%dma_start3A_1205 : memref<1015808x16xf32, #tpu.memory_space<hbm>>) target(%dma_start3A_1199 : memref<128x16xf32, #tpu.memory_space<vmem>>) offsets(%dma_start3A_1202 : memref<128xi32, #tpu.memory_space<vmem>>) semaphore(%arg12 : memref<!tpu.dma_semaphore, #tpu.memory_space<semaphore_mem>>)
    %dma_wait3A = arith.constant 0 : i32
    %dma_wait3A_1206 = arith.constant 0 : i32
    %dma_wait3A_1207 = arith.constant 0 : i32
    %dma_wait3A_1208 = tpu.memref_slice %arg9[%dma_wait3A_1206, %dma_wait3A_1207] : memref<512x16xf32, #tpu.memory_space<vmem>> -> memref<128x16xf32, #tpu.memory_space<vmem>>
    %dma_wait3A_1209 = arith.constant 0 : i32
    %dma_wait3A_1210 = tpu.memref_slice %arg7[%dma_wait3A, %dma_wait3A_1209] : memref<4x128xi32, #tpu.memory_space<vmem>> -> memref<1x128xi32, #tpu.memory_space<vmem>>
    %dma_wait3A_1211 = tpu.memref_squeeze %dma_wait3A_1210 : memref<1x128xi32, #tpu.memory_space<vmem>> -> memref<128xi32, #tpu.memory_space<vmem>>
    %dma_wait3A_1212 = arith.constant 0 : i32
    %dma_wait3A_1213 = arith.constant 0 : i32
    %dma_wait3A_1214 = tpu.memref_slice %arg3[%dma_wait3A_1212, %dma_wait3A_1213] : memref<1015808x16xf32, #tpu.memory_space<hbm>> -> memref<1015808x16xf32, #tpu.memory_space<hbm>>
    tpu.wait_indirect_dma semaphore(%arg12 : memref<!tpu.dma_semaphore, #tpu.memory_space<semaphore_mem>>) src(%dma_wait3A_1214 : memref<1015808x16xf32, #tpu.memory_space<hbm>>) dst(%dma_wait3A_1208 : memref<128x16xf32, #tpu.memory_space<vmem>>)
    %dma_wait3A_1215 = arith.constant 0 : i32
    %dma_wait3A_1216 = arith.constant 0 : i32
    %dma_wait3A_1217 = arith.constant 0 : i32
    %dma_wait3A_1218 = tpu.memref_slice %arg10[%dma_wait3A_1216, %dma_wait3A_1217] : memref<512x16xf32, #tpu.memory_space<vmem>> -> memref<128x16xf32, #tpu.memory_space<vmem>>
    %dma_wait3A_1219 = arith.constant 0 : i32
    %dma_wait3A_1220 = tpu.memref_slice %arg8[%dma_wait3A_1215, %dma_wait3A_1219] : memref<4x128xi32, #tpu.memory_space<vmem>> -> memref<1x128xi32, #tpu.memory_space<vmem>>
    %dma_wait3A_1221 = tpu.memref_squeeze %dma_wait3A_1220 : memref<1x128xi32, #tpu.memory_space<vmem>> -> memref<128xi32, #tpu.memory_space<vmem>>
    %dma_wait3A_1222 = arith.constant 0 : i32
    %dma_wait3A_1223 = arith.constant 0 : i32
    %dma_wait3A_1224 = tpu.memref_slice %arg4[%dma_wait3A_1222, %dma_wait3A_1223] : memref<1015808x16xf32, #tpu.memory_space<hbm>> -> memref<1015808x16xf32, #tpu.memory_space<hbm>>
    tpu.wait_indirect_dma semaphore(%arg12 : memref<!tpu.dma_semaphore, #tpu.memory_space<semaphore_mem>>) src(%dma_wait3A_1224 : memref<1015808x16xf32, #tpu.memory_space<hbm>>) dst(%dma_wait3A_1218 : memref<128x16xf32, #tpu.memory_space<vmem>>)
    %dma_wait3A_1225 = arith.constant 1 : i32
    %dma_wait3A_1226 = arith.constant 128 : i32
    %dma_wait3A_1227 = arith.constant 0 : i32
    %dma_wait3A_1228 = tpu.memref_slice %arg9[%dma_wait3A_1226, %dma_wait3A_1227] : memref<512x16xf32, #tpu.memory_space<vmem>> -> memref<128x16xf32, #tpu.memory_space<vmem>>
    %dma_wait3A_1229 = arith.constant 0 : i32
    %dma_wait3A_1230 = tpu.memref_slice %arg7[%dma_wait3A_1225, %dma_wait3A_1229] : memref<4x128xi32, #tpu.memory_space<vmem>> -> memref<1x128xi32, #tpu.memory_space<vmem>>
    %dma_wait3A_1231 = tpu.memref_squeeze %dma_wait3A_1230 : memref<1x128xi32, #tpu.memory_space<vmem>> -> memref<128xi32, #tpu.memory_space<vmem>>
    %dma_wait3A_1232 = arith.constant 0 : i32
    %dma_wait3A_1233 = arith.constant 0 : i32
    %dma_wait3A_1234 = tpu.memref_slice %arg3[%dma_wait3A_1232, %dma_wait3A_1233] : memref<1015808x16xf32, #tpu.memory_space<hbm>> -> memref<1015808x16xf32, #tpu.memory_space<hbm>>
    tpu.wait_indirect_dma semaphore(%arg12 : memref<!tpu.dma_semaphore, #tpu.memory_space<semaphore_mem>>) src(%dma_wait3A_1234 : memref<1015808x16xf32, #tpu.memory_space<hbm>>) dst(%dma_wait3A_1228 : memref<128x16xf32, #tpu.memory_space<vmem>>)
    %dma_wait3A_1235 = arith.constant 1 : i32
    %dma_wait3A_1236 = arith.constant 128 : i32
    %dma_wait3A_1237 = arith.constant 0 : i32
    %dma_wait3A_1238 = tpu.memref_slice %arg10[%dma_wait3A_1236, %dma_wait3A_1237] : memref<512x16xf32, #tpu.memory_space<vmem>> -> memref<128x16xf32, #tpu.memory_space<vmem>>
    %dma_wait3A_1239 = arith.constant 0 : i32
    %dma_wait3A_1240 = tpu.memref_slice %arg8[%dma_wait3A_1235, %dma_wait3A_1239] : memref<4x128xi32, #tpu.memory_space<vmem>> -> memref<1x128xi32, #tpu.memory_space<vmem>>
    %dma_wait3A_1241 = tpu.memref_squeeze %dma_wait3A_1240 : memref<1x128xi32, #tpu.memory_space<vmem>> -> memref<128xi32, #tpu.memory_space<vmem>>
    %dma_wait3A_1242 = arith.constant 0 : i32
    %dma_wait3A_1243 = arith.constant 0 : i32
    %dma_wait3A_1244 = tpu.memref_slice %arg4[%dma_wait3A_1242, %dma_wait3A_1243] : memref<1015808x16xf32, #tpu.memory_space<hbm>> -> memref<1015808x16xf32, #tpu.memory_space<hbm>>
    tpu.wait_indirect_dma semaphore(%arg12 : memref<!tpu.dma_semaphore, #tpu.memory_space<semaphore_mem>>) src(%dma_wait3A_1244 : memref<1015808x16xf32, #tpu.memory_space<hbm>>) dst(%dma_wait3A_1238 : memref<128x16xf32, #tpu.memory_space<vmem>>)
    %dma_wait3A_1245 = arith.constant 2 : i32
    %dma_wait3A_1246 = arith.constant 256 : i32
    %dma_wait3A_1247 = arith.constant 0 : i32
    %dma_wait3A_1248 = tpu.memref_slice %arg9[%dma_wait3A_1246, %dma_wait3A_1247] : memref<512x16xf32, #tpu.memory_space<vmem>> -> memref<128x16xf32, #tpu.memory_space<vmem>>
    %dma_wait3A_1249 = arith.constant 0 : i32
    %dma_wait3A_1250 = tpu.memref_slice %arg7[%dma_wait3A_1245, %dma_wait3A_1249] : memref<4x128xi32, #tpu.memory_space<vmem>> -> memref<1x128xi32, #tpu.memory_space<vmem>>
    %dma_wait3A_1251 = tpu.memref_squeeze %dma_wait3A_1250 : memref<1x128xi32, #tpu.memory_space<vmem>> -> memref<128xi32, #tpu.memory_space<vmem>>
    %dma_wait3A_1252 = arith.constant 0 : i32
    %dma_wait3A_1253 = arith.constant 0 : i32
    %dma_wait3A_1254 = tpu.memref_slice %arg3[%dma_wait3A_1252, %dma_wait3A_1253] : memref<1015808x16xf32, #tpu.memory_space<hbm>> -> memref<1015808x16xf32, #tpu.memory_space<hbm>>
    tpu.wait_indirect_dma semaphore(%arg12 : memref<!tpu.dma_semaphore, #tpu.memory_space<semaphore_mem>>) src(%dma_wait3A_1254 : memref<1015808x16xf32, #tpu.memory_space<hbm>>) dst(%dma_wait3A_1248 : memref<128x16xf32, #tpu.memory_space<vmem>>)
    %dma_wait3A_1255 = arith.constant 2 : i32
    %dma_wait3A_1256 = arith.constant 256 : i32
    %dma_wait3A_1257 = arith.constant 0 : i32
    %dma_wait3A_1258 = tpu.memref_slice %arg10[%dma_wait3A_1256, %dma_wait3A_1257] : memref<512x16xf32, #tpu.memory_space<vmem>> -> memref<128x16xf32, #tpu.memory_space<vmem>>
    %dma_wait3A_1259 = arith.constant 0 : i32
    %dma_wait3A_1260 = tpu.memref_slice %arg8[%dma_wait3A_1255, %dma_wait3A_1259] : memref<4x128xi32, #tpu.memory_space<vmem>> -> memref<1x128xi32, #tpu.memory_space<vmem>>
    %dma_wait3A_1261 = tpu.memref_squeeze %dma_wait3A_1260 : memref<1x128xi32, #tpu.memory_space<vmem>> -> memref<128xi32, #tpu.memory_space<vmem>>
    %dma_wait3A_1262 = arith.constant 0 : i32
    %dma_wait3A_1263 = arith.constant 0 : i32
    %dma_wait3A_1264 = tpu.memref_slice %arg4[%dma_wait3A_1262, %dma_wait3A_1263] : memref<1015808x16xf32, #tpu.memory_space<hbm>> -> memref<1015808x16xf32, #tpu.memory_space<hbm>>
    tpu.wait_indirect_dma semaphore(%arg12 : memref<!tpu.dma_semaphore, #tpu.memory_space<semaphore_mem>>) src(%dma_wait3A_1264 : memref<1015808x16xf32, #tpu.memory_space<hbm>>) dst(%dma_wait3A_1258 : memref<128x16xf32, #tpu.memory_space<vmem>>)
    %dma_wait3A_1265 = arith.constant 3 : i32
    %dma_wait3A_1266 = arith.constant 384 : i32
    %dma_wait3A_1267 = arith.constant 0 : i32
    %dma_wait3A_1268 = tpu.memref_slice %arg9[%dma_wait3A_1266, %dma_wait3A_1267] : memref<512x16xf32, #tpu.memory_space<vmem>> -> memref<128x16xf32, #tpu.memory_space<vmem>>
    %dma_wait3A_1269 = arith.constant 0 : i32
    %dma_wait3A_1270 = tpu.memref_slice %arg7[%dma_wait3A_1265, %dma_wait3A_1269] : memref<4x128xi32, #tpu.memory_space<vmem>> -> memref<1x128xi32, #tpu.memory_space<vmem>>
    %dma_wait3A_1271 = tpu.memref_squeeze %dma_wait3A_1270 : memref<1x128xi32, #tpu.memory_space<vmem>> -> memref<128xi32, #tpu.memory_space<vmem>>
    %dma_wait3A_1272 = arith.constant 0 : i32
    %dma_wait3A_1273 = arith.constant 0 : i32
    %dma_wait3A_1274 = tpu.memref_slice %arg3[%dma_wait3A_1272, %dma_wait3A_1273] : memref<1015808x16xf32, #tpu.memory_space<hbm>> -> memref<1015808x16xf32, #tpu.memory_space<hbm>>
    tpu.wait_indirect_dma semaphore(%arg12 : memref<!tpu.dma_semaphore, #tpu.memory_space<semaphore_mem>>) src(%dma_wait3A_1274 : memref<1015808x16xf32, #tpu.memory_space<hbm>>) dst(%dma_wait3A_1268 : memref<128x16xf32, #tpu.memory_space<vmem>>)
    %dma_wait3A_1275 = arith.constant 3 : i32
    %dma_wait3A_1276 = arith.constant 384 : i32
    %dma_wait3A_1277 = arith.constant 0 : i32
    %dma_wait3A_1278 = tpu.memref_slice %arg10[%dma_wait3A_1276, %dma_wait3A_1277] : memref<512x16xf32, #tpu.memory_space<vmem>> -> memref<128x16xf32, #tpu.memory_space<vmem>>
    %dma_wait3A_1279 = arith.constant 0 : i32
    %dma_wait3A_1280 = tpu.memref_slice %arg8[%dma_wait3A_1275, %dma_wait3A_1279] : memref<4x128xi32, #tpu.memory_space<vmem>> -> memref<1x128xi32, #tpu.memory_space<vmem>>
    %dma_wait3A_1281 = tpu.memref_squeeze %dma_wait3A_1280 : memref<1x128xi32, #tpu.memory_space<vmem>> -> memref<128xi32, #tpu.memory_space<vmem>>
    %dma_wait3A_1282 = arith.constant 0 : i32
    %dma_wait3A_1283 = arith.constant 0 : i32
    %dma_wait3A_1284 = tpu.memref_slice %arg4[%dma_wait3A_1282, %dma_wait3A_1283] : memref<1015808x16xf32, #tpu.memory_space<hbm>> -> memref<1015808x16xf32, #tpu.memory_space<hbm>>
    tpu.wait_indirect_dma semaphore(%arg12 : memref<!tpu.dma_semaphore, #tpu.memory_space<semaphore_mem>>) src(%dma_wait3A_1284 : memref<1015808x16xf32, #tpu.memory_space<hbm>>) dst(%dma_wait3A_1278 : memref<128x16xf32, #tpu.memory_space<vmem>>)
    %scan3A = arith.constant 0 : i32
    %scan3A_1285 = arith.constant 0 : i32
    %scan3A_1286 = arith.constant 8 : i32
    %scan3A_1287 = arith.addi %scan3A_1285, %scan3A_1286 : i32
    %scan3A_1288 = arith.constant 1 : i32
    scf.for %scan3A_1290 = %scan3A_1285 to %scan3A_1287 step %scan3A_1288  : i32 {
      %mul3A_1291 = arith.constant 64 : i32
      %mul3A_1292 = arith.muli %scan3A_1290, %mul3A_1291 : i32
      %add3A_1293 = arith.constant 0 : i32
      %add3A_1294 = arith.addi %mul3A_1292, %add3A_1293 : i32
      %add3A_1295 = vector.broadcast %add3A_1294 : i32 to vector<16xi32>
      %add3A_1296 = arith.addi %add3A_1295, %iota3A : vector<16xi32>
      %broadcast_in_dim3A_1297 = arith.constant 0 : i32
      %broadcast_in_dim3A_1298 = vector.broadcast %broadcast_in_dim3A_1297 : i32 to vector<16xi32>
      %gather3A_1299 = tpu.vector_load_idx %arg9[%add3A_1296, %broadcast_in_dim3A_1298] : memref<512x16xf32, #tpu.memory_space<vmem>>[vector<16xi32>, vector<16xi32>], vector<16xf32>,
      %gather3A_1300 = tpu.vector_load_idx %arg10[%add3A_1296, %broadcast_in_dim3A_1298] : memref<512x16xf32, #tpu.memory_space<vmem>>[vector<16xi32>, vector<16xi32>], vector<16xf32>,
      %add3A_1301 = arith.addf %gather3A_1299, %gather3A_1300 : vector<16xf32>
      %broadcast_in_dim3A_1302 = arith.constant 1 : i32
      %broadcast_in_dim3A_1303 = vector.broadcast %broadcast_in_dim3A_1302 : i32 to vector<16xi32>
      %gather3A_1304 = tpu.vector_load_idx %arg9[%add3A_1296, %broadcast_in_dim3A_1303] : memref<512x16xf32, #tpu.memory_space<vmem>>[vector<16xi32>, vector<16xi32>], vector<16xf32>,
      %gather3A_1305 = tpu.vector_load_idx %arg10[%add3A_1296, %broadcast_in_dim3A_1303] : memref<512x16xf32, #tpu.memory_space<vmem>>[vector<16xi32>, vector<16xi32>], vector<16xf32>,
      %add3A_1306 = arith.addf %gather3A_1304, %gather3A_1305 : vector<16xf32>
      %broadcast_in_dim3A_1307 = arith.constant 2 : i32
      %broadcast_in_dim3A_1308 = vector.broadcast %broadcast_in_dim3A_1307 : i32 to vector<16xi32>
      %gather3A_1309 = tpu.vector_load_idx %arg9[%add3A_1296, %broadcast_in_dim3A_1308] : memref<512x16xf32, #tpu.memory_space<vmem>>[vector<16xi32>, vector<16xi32>], vector<16xf32>,
      %gather3A_1310 = tpu.vector_load_idx %arg10[%add3A_1296, %broadcast_in_dim3A_1308] : memref<512x16xf32, #tpu.memory_space<vmem>>[vector<16xi32>, vector<16xi32>], vector<16xf32>,
      %add3A_1311 = arith.addf %gather3A_1309, %gather3A_1310 : vector<16xf32>
      %broadcast_in_dim3A_1312 = arith.constant 3 : i32
      %broadcast_in_dim3A_1313 = vector.broadcast %broadcast_in_dim3A_1312 : i32 to vector<16xi32>
      %gather3A_1314 = tpu.vector_load_idx %arg9[%add3A_1296, %broadcast_in_dim3A_1313] : memref<512x16xf32, #tpu.memory_space<vmem>>[vector<16xi32>, vector<16xi32>], vector<16xf32>,
      %gather3A_1315 = tpu.vector_load_idx %arg10[%add3A_1296, %broadcast_in_dim3A_1313] : memref<512x16xf32, #tpu.memory_space<vmem>>[vector<16xi32>, vector<16xi32>], vector<16xf32>,
      %add3A_1316 = arith.addf %gather3A_1314, %gather3A_1315 : vector<16xf32>
      %broadcast_in_dim3A_1317 = arith.constant 4 : i32
      %broadcast_in_dim3A_1318 = vector.broadcast %broadcast_in_dim3A_1317 : i32 to vector<16xi32>
      %gather3A_1319 = tpu.vector_load_idx %arg9[%add3A_1296, %broadcast_in_dim3A_1318] : memref<512x16xf32, #tpu.memory_space<vmem>>[vector<16xi32>, vector<16xi32>], vector<16xf32>,
      %gather3A_1320 = tpu.vector_load_idx %arg10[%add3A_1296, %broadcast_in_dim3A_1318] : memref<512x16xf32, #tpu.memory_space<vmem>>[vector<16xi32>, vector<16xi32>], vector<16xf32>,
      %add3A_1321 = arith.addf %gather3A_1319, %gather3A_1320 : vector<16xf32>
      %max3A = arith.maximumf %add3A_1301, %add3A_1306 : vector<16xf32>
      %max3A_1322 = arith.maximumf %max3A, %add3A_1311 : vector<16xf32>
      %max3A_1323 = arith.maximumf %max3A_1322, %add3A_1316 : vector<16xf32>
      %max3A_1324 = arith.maximumf %max3A_1323, %add3A_1321 : vector<16xf32>
      %sub3A = arith.subf %add3A_1301, %max3A_1324 : vector<16xf32>
      %exp3A = math.exp %sub3A : vector<16xf32>
      %sub3A_1325 = arith.subf %add3A_1306, %max3A_1324 : vector<16xf32>
      %exp3A_1326 = math.exp %sub3A_1325 : vector<16xf32>
      %sub3A_1327 = arith.subf %add3A_1311, %max3A_1324 : vector<16xf32>
      %exp3A_1328 = math.exp %sub3A_1327 : vector<16xf32>
      %sub3A_1329 = arith.subf %add3A_1316, %max3A_1324 : vector<16xf32>
      %exp3A_1330 = math.exp %sub3A_1329 : vector<16xf32>
      %sub3A_1331 = arith.subf %add3A_1321, %max3A_1324 : vector<16xf32>
      %exp3A_1332 = math.exp %sub3A_1331 : vector<16xf32>
      %add3A_1333 = arith.addf %exp3A, %exp3A_1326 : vector<16xf32>
      %add3A_1334 = arith.addf %add3A_1333, %exp3A_1328 : vector<16xf32>
      %add3A_1335 = arith.addf %add3A_1334, %exp3A_1330 : vector<16xf32>
      %add3A_1336 = arith.addf %add3A_1335, %exp3A_1332 : vector<16xf32>
      %broadcast_in_dim3A_1337 = arith.constant 1.000000e+00 : f32
      %broadcast_in_dim3A_1338 = vector.broadcast %broadcast_in_dim3A_1337 : f32 to vector<16xf32>
      %div3A = arith.divf %broadcast_in_dim3A_1338, %add3A_1336 : vector<16xf32>
      %broadcast_in_dim3A_1339 = arith.constant 0 : i32
      %broadcast_in_dim3A_1340 = vector.broadcast %broadcast_in_dim3A_1339 : i32 to vector<16xi32>
      %mul3A_1341 = arith.mulf %exp3A, %div3A : vector<16xf32>
      tpu.vector_store_idx %arg11[%add3A_1296, %broadcast_in_dim3A_1340], %mul3A_1341 : memref<512x5xf32, #tpu.memory_space<vmem>>[vector<16xi32>, vector<16xi32>], vector<16xf32>,
      %broadcast_in_dim3A_1342 = arith.constant 1 : i32
      %broadcast_in_dim3A_1343 = vector.broadcast %broadcast_in_dim3A_1342 : i32 to vector<16xi32>
      %mul3A_1344 = arith.mulf %exp3A_1326, %div3A : vector<16xf32>
      tpu.vector_store_idx %arg11[%add3A_1296, %broadcast_in_dim3A_1343], %mul3A_1344 : memref<512x5xf32, #tpu.memory_space<vmem>>[vector<16xi32>, vector<16xi32>], vector<16xf32>,
      %broadcast_in_dim3A_1345 = arith.constant 2 : i32
      %broadcast_in_dim3A_1346 = vector.broadcast %broadcast_in_dim3A_1345 : i32 to vector<16xi32>
      %mul3A_1347 = arith.mulf %exp3A_1328, %div3A : vector<16xf32>
      tpu.vector_store_idx %arg11[%add3A_1296, %broadcast_in_dim3A_1346], %mul3A_1347 : memref<512x5xf32, #tpu.memory_space<vmem>>[vector<16xi32>, vector<16xi32>], vector<16xf32>,
      %broadcast_in_dim3A_1348 = arith.constant 3 : i32
      %broadcast_in_dim3A_1349 = vector.broadcast %broadcast_in_dim3A_1348 : i32 to vector<16xi32>
      %mul3A_1350 = arith.mulf %exp3A_1330, %div3A : vector<16xf32>
      tpu.vector_store_idx %arg11[%add3A_1296, %broadcast_in_dim3A_1349], %mul3A_1350 : memref<512x5xf32, #tpu.memory_space<vmem>>[vector<16xi32>, vector<16xi32>], vector<16xf32>,
      %broadcast_in_dim3A_1351 = arith.constant 4 : i32
      %broadcast_in_dim3A_1352 = vector.broadcast %broadcast_in_dim3A_1351 : i32 to vector<16xi32>
      %mul3A_1353 = arith.mulf %exp3A_1332, %div3A : vector<16xf32>
      tpu.vector_store_idx %arg11[%add3A_1296, %broadcast_in_dim3A_1352], %mul3A_1353 : memref<512x5xf32, #tpu.memory_space<vmem>>[vector<16xi32>, vector<16xi32>], vector<16xf32>,
      %add3A_1354 = arith.constant 16 : i32
      %add3A_1355 = arith.addi %mul3A_1292, %add3A_1354 : i32
      %add3A_1356 = vector.broadcast %add3A_1355 : i32 to vector<16xi32>
      %add3A_1357 = arith.addi %add3A_1356, %iota3A : vector<16xi32>
      %broadcast_in_dim3A_1358 = arith.constant 0 : i32
      %broadcast_in_dim3A_1359 = vector.broadcast %broadcast_in_dim3A_1358 : i32 to vector<16xi32>
      %gather3A_1360 = tpu.vector_load_idx %arg9[%add3A_1357, %broadcast_in_dim3A_1359] : memref<512x16xf32, #tpu.memory_space<vmem>>[vector<16xi32>, vector<16xi32>], vector<16xf32>,
      %gather3A_1361 = tpu.vector_load_idx %arg10[%add3A_1357, %broadcast_in_dim3A_1359] : memref<512x16xf32, #tpu.memory_space<vmem>>[vector<16xi32>, vector<16xi32>], vector<16xf32>,
      %add3A_1362 = arith.addf %gather3A_1360, %gather3A_1361 : vector<16xf32>
      %broadcast_in_dim3A_1363 = arith.constant 1 : i32
      %broadcast_in_dim3A_1364 = vector.broadcast %broadcast_in_dim3A_1363 : i32 to vector<16xi32>
      %gather3A_1365 = tpu.vector_load_idx %arg9[%add3A_1357, %broadcast_in_dim3A_1364] : memref<512x16xf32, #tpu.memory_space<vmem>>[vector<16xi32>, vector<16xi32>], vector<16xf32>,
      %gather3A_1366 = tpu.vector_load_idx %arg10[%add3A_1357, %broadcast_in_dim3A_1364] : memref<512x16xf32, #tpu.memory_space<vmem>>[vector<16xi32>, vector<16xi32>], vector<16xf32>,
      %add3A_1367 = arith.addf %gather3A_1365, %gather3A_1366 : vector<16xf32>
      %broadcast_in_dim3A_1368 = arith.constant 2 : i32
      %broadcast_in_dim3A_1369 = vector.broadcast %broadcast_in_dim3A_1368 : i32 to vector<16xi32>
      %gather3A_1370 = tpu.vector_load_idx %arg9[%add3A_1357, %broadcast_in_dim3A_1369] : memref<512x16xf32, #tpu.memory_space<vmem>>[vector<16xi32>, vector<16xi32>], vector<16xf32>,
      %gather3A_1371 = tpu.vector_load_idx %arg10[%add3A_1357, %broadcast_in_dim3A_1369] : memref<512x16xf32, #tpu.memory_space<vmem>>[vector<16xi32>, vector<16xi32>], vector<16xf32>,
      %add3A_1372 = arith.addf %gather3A_1370, %gather3A_1371 : vector<16xf32>
      %broadcast_in_dim3A_1373 = arith.constant 3 : i32
      %broadcast_in_dim3A_1374 = vector.broadcast %broadcast_in_dim3A_1373 : i32 to vector<16xi32>
      %gather3A_1375 = tpu.vector_load_idx %arg9[%add3A_1357, %broadcast_in_dim3A_1374] : memref<512x16xf32, #tpu.memory_space<vmem>>[vector<16xi32>, vector<16xi32>], vector<16xf32>,
      %gather3A_1376 = tpu.vector_load_idx %arg10[%add3A_1357, %broadcast_in_dim3A_1374] : memref<512x16xf32, #tpu.memory_space<vmem>>[vector<16xi32>, vector<16xi32>], vector<16xf32>,
      %add3A_1377 = arith.addf %gather3A_1375, %gather3A_1376 : vector<16xf32>
      %broadcast_in_dim3A_1378 = arith.constant 4 : i32
      %broadcast_in_dim3A_1379 = vector.broadcast %broadcast_in_dim3A_1378 : i32 to vector<16xi32>
      %gather3A_1380 = tpu.vector_load_idx %arg9[%add3A_1357, %broadcast_in_dim3A_1379] : memref<512x16xf32, #tpu.memory_space<vmem>>[vector<16xi32>, vector<16xi32>], vector<16xf32>,
      %gather3A_1381 = tpu.vector_load_idx %arg10[%add3A_1357, %broadcast_in_dim3A_1379] : memref<512x16xf32, #tpu.memory_space<vmem>>[vector<16xi32>, vector<16xi32>], vector<16xf32>,
      %add3A_1382 = arith.addf %gather3A_1380, %gather3A_1381 : vector<16xf32>
      %max3A_1383 = arith.maximumf %add3A_1362, %add3A_1367 : vector<16xf32>
      %max3A_1384 = arith.maximumf %max3A_1383, %add3A_1372 : vector<16xf32>
      %max3A_1385 = arith.maximumf %max3A_1384, %add3A_1377 : vector<16xf32>
      %max3A_1386 = arith.maximumf %max3A_1385, %add3A_1382 : vector<16xf32>
      %sub3A_1387 = arith.subf %add3A_1362, %max3A_1386 : vector<16xf32>
      %exp3A_1388 = math.exp %sub3A_1387 : vector<16xf32>
      %sub3A_1389 = arith.subf %add3A_1367, %max3A_1386 : vector<16xf32>
      %exp3A_1390 = math.exp %sub3A_1389 : vector<16xf32>
      %sub3A_1391 = arith.subf %add3A_1372, %max3A_1386 : vector<16xf32>
      %exp3A_1392 = math.exp %sub3A_1391 : vector<16xf32>
      %sub3A_1393 = arith.subf %add3A_1377, %max3A_1386 : vector<16xf32>
      %exp3A_1394 = math.exp %sub3A_1393 : vector<16xf32>
      %sub3A_1395 = arith.subf %add3A_1382, %max3A_1386 : vector<16xf32>
      %exp3A_1396 = math.exp %sub3A_1395 : vector<16xf32>
      %add3A_1397 = arith.addf %exp3A_1388, %exp3A_1390 : vector<16xf32>
      %add3A_1398 = arith.addf %add3A_1397, %exp3A_1392 : vector<16xf32>
      %add3A_1399 = arith.addf %add3A_1398, %exp3A_1394 : vector<16xf32>
      %add3A_1400 = arith.addf %add3A_1399, %exp3A_1396 : vector<16xf32>
      %broadcast_in_dim3A_1401 = arith.constant 1.000000e+00 : f32
      %broadcast_in_dim3A_1402 = vector.broadcast %broadcast_in_dim3A_1401 : f32 to vector<16xf32>
      %div3A_1403 = arith.divf %broadcast_in_dim3A_1402, %add3A_1400 : vector<16xf32>
      %broadcast_in_dim3A_1404 = arith.constant 0 : i32
      %broadcast_in_dim3A_1405 = vector.broadcast %broadcast_in_dim3A_1404 : i32 to vector<16xi32>
      %mul3A_1406 = arith.mulf %exp3A_1388, %div3A_1403 : vector<16xf32>
      tpu.vector_store_idx %arg11[%add3A_1357, %broadcast_in_dim3A_1405], %mul3A_1406 : memref<512x5xf32, #tpu.memory_space<vmem>>[vector<16xi32>, vector<16xi32>], vector<16xf32>,
      %broadcast_in_dim3A_1407 = arith.constant 1 : i32
      %broadcast_in_dim3A_1408 = vector.broadcast %broadcast_in_dim3A_1407 : i32 to vector<16xi32>
      %mul3A_1409 = arith.mulf %exp3A_1390, %div3A_1403 : vector<16xf32>
      tpu.vector_store_idx %arg11[%add3A_1357, %broadcast_in_dim3A_1408], %mul3A_1409 : memref<512x5xf32, #tpu.memory_space<vmem>>[vector<16xi32>, vector<16xi32>], vector<16xf32>,
      %broadcast_in_dim3A_1410 = arith.constant 2 : i32
      %broadcast_in_dim3A_1411 = vector.broadcast %broadcast_in_dim3A_1410 : i32 to vector<16xi32>
      %mul3A_1412 = arith.mulf %exp3A_1392, %div3A_1403 : vector<16xf32>
      tpu.vector_store_idx %arg11[%add3A_1357, %broadcast_in_dim3A_1411], %mul3A_1412 : memref<512x5xf32, #tpu.memory_space<vmem>>[vector<16xi32>, vector<16xi32>], vector<16xf32>,
      %broadcast_in_dim3A_1413 = arith.constant 3 : i32
      %broadcast_in_dim3A_1414 = vector.broadcast %broadcast_in_dim3A_1413 : i32 to vector<16xi32>
      %mul3A_1415 = arith.mulf %exp3A_1394, %div3A_1403 : vector<16xf32>
      tpu.vector_store_idx %arg11[%add3A_1357, %broadcast_in_dim3A_1414], %mul3A_1415 : memref<512x5xf32, #tpu.memory_space<vmem>>[vector<16xi32>, vector<16xi32>], vector<16xf32>,
      %broadcast_in_dim3A_1416 = arith.constant 4 : i32
      %broadcast_in_dim3A_1417 = vector.broadcast %broadcast_in_dim3A_1416 : i32 to vector<16xi32>
      %mul3A_1418 = arith.mulf %exp3A_1396, %div3A_1403 : vector<16xf32>
      tpu.vector_store_idx %arg11[%add3A_1357, %broadcast_in_dim3A_1417], %mul3A_1418 : memref<512x5xf32, #tpu.memory_space<vmem>>[vector<16xi32>, vector<16xi32>], vector<16xf32>,
      %add3A_1419 = arith.constant 32 : i32
      %add3A_1420 = arith.addi %mul3A_1292, %add3A_1419 : i32
      %add3A_1421 = vector.broadcast %add3A_1420 : i32 to vector<16xi32>
      %add3A_1422 = arith.addi %add3A_1421, %iota3A : vector<16xi32>
      %broadcast_in_dim3A_1423 = arith.constant 0 : i32
      %broadcast_in_dim3A_1424 = vector.broadcast %broadcast_in_dim3A_1423 : i32 to vector<16xi32>
      %gather3A_1425 = tpu.vector_load_idx %arg9[%add3A_1422, %broadcast_in_dim3A_1424] : memref<512x16xf32, #tpu.memory_space<vmem>>[vector<16xi32>, vector<16xi32>], vector<16xf32>,
      %gather3A_1426 = tpu.vector_load_idx %arg10[%add3A_1422, %broadcast_in_dim3A_1424] : memref<512x16xf32, #tpu.memory_space<vmem>>[vector<16xi32>, vector<16xi32>], vector<16xf32>,
      %add3A_1427 = arith.addf %gather3A_1425, %gather3A_1426 : vector<16xf32>
      %broadcast_in_dim3A_1428 = arith.constant 1 : i32
      %broadcast_in_dim3A_1429 = vector.broadcast %broadcast_in_dim3A_1428 : i32 to vector<16xi32>
      %gather3A_1430 = tpu.vector_load_idx %arg9[%add3A_1422, %broadcast_in_dim3A_1429] : memref<512x16xf32, #tpu.memory_space<vmem>>[vector<16xi32>, vector<16xi32>], vector<16xf32>,
      %gather3A_1431 = tpu.vector_load_idx %arg10[%add3A_1422, %broadcast_in_dim3A_1429] : memref<512x16xf32, #tpu.memory_space<vmem>>[vector<16xi32>, vector<16xi32>], vector<16xf32>,
      %add3A_1432 = arith.addf %gather3A_1430, %gather3A_1431 : vector<16xf32>
      %broadcast_in_dim3A_1433 = arith.constant 2 : i32
      %broadcast_in_dim3A_1434 = vector.broadcast %broadcast_in_dim3A_1433 : i32 to vector<16xi32>
      %gather3A_1435 = tpu.vector_load_idx %arg9[%add3A_1422, %broadcast_in_dim3A_1434] : memref<512x16xf32, #tpu.memory_space<vmem>>[vector<16xi32>, vector<16xi32>], vector<16xf32>,
      %gather3A_1436 = tpu.vector_load_idx %arg10[%add3A_1422, %broadcast_in_dim3A_1434] : memref<512x16xf32, #tpu.memory_space<vmem>>[vector<16xi32>, vector<16xi32>], vector<16xf32>,
      %add3A_1437 = arith.addf %gather3A_1435, %gather3A_1436 : vector<16xf32>
      %broadcast_in_dim3A_1438 = arith.constant 3 : i32
      %broadcast_in_dim3A_1439 = vector.broadcast %broadcast_in_dim3A_1438 : i32 to vector<16xi32>
      %gather3A_1440 = tpu.vector_load_idx %arg9[%add3A_1422, %broadcast_in_dim3A_1439] : memref<512x16xf32, #tpu.memory_space<vmem>>[vector<16xi32>, vector<16xi32>], vector<16xf32>,
      %gather3A_1441 = tpu.vector_load_idx %arg10[%add3A_1422, %broadcast_in_dim3A_1439] : memref<512x16xf32, #tpu.memory_space<vmem>>[vector<16xi32>, vector<16xi32>], vector<16xf32>,
      %add3A_1442 = arith.addf %gather3A_1440, %gather3A_1441 : vector<16xf32>
      %broadcast_in_dim3A_1443 = arith.constant 4 : i32
      %broadcast_in_dim3A_1444 = vector.broadcast %broadcast_in_dim3A_1443 : i32 to vector<16xi32>
      %gather3A_1445 = tpu.vector_load_idx %arg9[%add3A_1422, %broadcast_in_dim3A_1444] : memref<512x16xf32, #tpu.memory_space<vmem>>[vector<16xi32>, vector<16xi32>], vector<16xf32>,
      %gather3A_1446 = tpu.vector_load_idx %arg10[%add3A_1422, %broadcast_in_dim3A_1444] : memref<512x16xf32, #tpu.memory_space<vmem>>[vector<16xi32>, vector<16xi32>], vector<16xf32>,
      %add3A_1447 = arith.addf %gather3A_1445, %gather3A_1446 : vector<16xf32>
      %max3A_1448 = arith.maximumf %add3A_1427, %add3A_1432 : vector<16xf32>
      %max3A_1449 = arith.maximumf %max3A_1448, %add3A_1437 : vector<16xf32>
      %max3A_1450 = arith.maximumf %max3A_1449, %add3A_1442 : vector<16xf32>
      %max3A_1451 = arith.maximumf %max3A_1450, %add3A_1447 : vector<16xf32>
      %sub3A_1452 = arith.subf %add3A_1427, %max3A_1451 : vector<16xf32>
      %exp3A_1453 = math.exp %sub3A_1452 : vector<16xf32>
      %sub3A_1454 = arith.subf %add3A_1432, %max3A_1451 : vector<16xf32>
      %exp3A_1455 = math.exp %sub3A_1454 : vector<16xf32>
      %sub3A_1456 = arith.subf %add3A_1437, %max3A_1451 : vector<16xf32>
      %exp3A_1457 = math.exp %sub3A_1456 : vector<16xf32>
      %sub3A_1458 = arith.subf %add3A_1442, %max3A_1451 : vector<16xf32>
      %exp3A_1459 = math.exp %sub3A_1458 : vector<16xf32>
      %sub3A_1460 = arith.subf %add3A_1447, %max3A_1451 : vector<16xf32>
      %exp3A_1461 = math.exp %sub3A_1460 : vector<16xf32>
      %add3A_1462 = arith.addf %exp3A_1453, %exp3A_1455 : vector<16xf32>
      %add3A_1463 = arith.addf %add3A_1462, %exp3A_1457 : vector<16xf32>
      %add3A_1464 = arith.addf %add3A_1463, %exp3A_1459 : vector<16xf32>
      %add3A_1465 = arith.addf %add3A_1464, %exp3A_1461 : vector<16xf32>
      %broadcast_in_dim3A_1466 = arith.constant 1.000000e+00 : f32
      %broadcast_in_dim3A_1467 = vector.broadcast %broadcast_in_dim3A_1466 : f32 to vector<16xf32>
      %div3A_1468 = arith.divf %broadcast_in_dim3A_1467, %add3A_1465 : vector<16xf32>
      %broadcast_in_dim3A_1469 = arith.constant 0 : i32
      %broadcast_in_dim3A_1470 = vector.broadcast %broadcast_in_dim3A_1469 : i32 to vector<16xi32>
      %mul3A_1471 = arith.mulf %exp3A_1453, %div3A_1468 : vector<16xf32>
      tpu.vector_store_idx %arg11[%add3A_1422, %broadcast_in_dim3A_1470], %mul3A_1471 : memref<512x5xf32, #tpu.memory_space<vmem>>[vector<16xi32>, vector<16xi32>], vector<16xf32>,
      %broadcast_in_dim3A_1472 = arith.constant 1 : i32
      %broadcast_in_dim3A_1473 = vector.broadcast %broadcast_in_dim3A_1472 : i32 to vector<16xi32>
      %mul3A_1474 = arith.mulf %exp3A_1455, %div3A_1468 : vector<16xf32>
      tpu.vector_store_idx %arg11[%add3A_1422, %broadcast_in_dim3A_1473], %mul3A_1474 : memref<512x5xf32, #tpu.memory_space<vmem>>[vector<16xi32>, vector<16xi32>], vector<16xf32>,
      %broadcast_in_dim3A_1475 = arith.constant 2 : i32
      %broadcast_in_dim3A_1476 = vector.broadcast %broadcast_in_dim3A_1475 : i32 to vector<16xi32>
      %mul3A_1477 = arith.mulf %exp3A_1457, %div3A_1468 : vector<16xf32>
      tpu.vector_store_idx %arg11[%add3A_1422, %broadcast_in_dim3A_1476], %mul3A_1477 : memref<512x5xf32, #tpu.memory_space<vmem>>[vector<16xi32>, vector<16xi32>], vector<16xf32>,
      %broadcast_in_dim3A_1478 = arith.constant 3 : i32
      %broadcast_in_dim3A_1479 = vector.broadcast %broadcast_in_dim3A_1478 : i32 to vector<16xi32>
      %mul3A_1480 = arith.mulf %exp3A_1459, %div3A_1468 : vector<16xf32>
      tpu.vector_store_idx %arg11[%add3A_1422, %broadcast_in_dim3A_1479], %mul3A_1480 : memref<512x5xf32, #tpu.memory_space<vmem>>[vector<16xi32>, vector<16xi32>], vector<16xf32>,
      %broadcast_in_dim3A_1481 = arith.constant 4 : i32
      %broadcast_in_dim3A_1482 = vector.broadcast %broadcast_in_dim3A_1481 : i32 to vector<16xi32>
      %mul3A_1483 = arith.mulf %exp3A_1461, %div3A_1468 : vector<16xf32>
      tpu.vector_store_idx %arg11[%add3A_1422, %broadcast_in_dim3A_1482], %mul3A_1483 : memref<512x5xf32, #tpu.memory_space<vmem>>[vector<16xi32>, vector<16xi32>], vector<16xf32>,
      %add3A_1484 = arith.constant 48 : i32
      %add3A_1485 = arith.addi %mul3A_1292, %add3A_1484 : i32
      %add3A_1486 = vector.broadcast %add3A_1485 : i32 to vector<16xi32>
      %add3A_1487 = arith.addi %add3A_1486, %iota3A : vector<16xi32>
      %broadcast_in_dim3A_1488 = arith.constant 0 : i32
      %broadcast_in_dim3A_1489 = vector.broadcast %broadcast_in_dim3A_1488 : i32 to vector<16xi32>
      %gather3A_1490 = tpu.vector_load_idx %arg9[%add3A_1487, %broadcast_in_dim3A_1489] : memref<512x16xf32, #tpu.memory_space<vmem>>[vector<16xi32>, vector<16xi32>], vector<16xf32>,
      %gather3A_1491 = tpu.vector_load_idx %arg10[%add3A_1487, %broadcast_in_dim3A_1489] : memref<512x16xf32, #tpu.memory_space<vmem>>[vector<16xi32>, vector<16xi32>], vector<16xf32>,
      %add3A_1492 = arith.addf %gather3A_1490, %gather3A_1491 : vector<16xf32>
      %broadcast_in_dim3A_1493 = arith.constant 1 : i32
      %broadcast_in_dim3A_1494 = vector.broadcast %broadcast_in_dim3A_1493 : i32 to vector<16xi32>
      %gather3A_1495 = tpu.vector_load_idx %arg9[%add3A_1487, %broadcast_in_dim3A_1494] : memref<512x16xf32, #tpu.memory_space<vmem>>[vector<16xi32>, vector<16xi32>], vector<16xf32>,
      %gather3A_1496 = tpu.vector_load_idx %arg10[%add3A_1487, %broadcast_in_dim3A_1494] : memref<512x16xf32, #tpu.memory_space<vmem>>[vector<16xi32>, vector<16xi32>], vector<16xf32>,
      %add3A_1497 = arith.addf %gather3A_1495, %gather3A_1496 : vector<16xf32>
      %broadcast_in_dim3A_1498 = arith.constant 2 : i32
      %broadcast_in_dim3A_1499 = vector.broadcast %broadcast_in_dim3A_1498 : i32 to vector<16xi32>
      %gather3A_1500 = tpu.vector_load_idx %arg9[%add3A_1487, %broadcast_in_dim3A_1499] : memref<512x16xf32, #tpu.memory_space<vmem>>[vector<16xi32>, vector<16xi32>], vector<16xf32>,
      %gather3A_1501 = tpu.vector_load_idx %arg10[%add3A_1487, %broadcast_in_dim3A_1499] : memref<512x16xf32, #tpu.memory_space<vmem>>[vector<16xi32>, vector<16xi32>], vector<16xf32>,
      %add3A_1502 = arith.addf %gather3A_1500, %gather3A_1501 : vector<16xf32>
      %broadcast_in_dim3A_1503 = arith.constant 3 : i32
      %broadcast_in_dim3A_1504 = vector.broadcast %broadcast_in_dim3A_1503 : i32 to vector<16xi32>
      %gather3A_1505 = tpu.vector_load_idx %arg9[%add3A_1487, %broadcast_in_dim3A_1504] : memref<512x16xf32, #tpu.memory_space<vmem>>[vector<16xi32>, vector<16xi32>], vector<16xf32>,
      %gather3A_1506 = tpu.vector_load_idx %arg10[%add3A_1487, %broadcast_in_dim3A_1504] : memref<512x16xf32, #tpu.memory_space<vmem>>[vector<16xi32>, vector<16xi32>], vector<16xf32>,
      %add3A_1507 = arith.addf %gather3A_1505, %gather3A_1506 : vector<16xf32>
      %broadcast_in_dim3A_1508 = arith.constant 4 : i32
      %broadcast_in_dim3A_1509 = vector.broadcast %broadcast_in_dim3A_1508 : i32 to vector<16xi32>
      %gather3A_1510 = tpu.vector_load_idx %arg9[%add3A_1487, %broadcast_in_dim3A_1509] : memref<512x16xf32, #tpu.memory_space<vmem>>[vector<16xi32>, vector<16xi32>], vector<16xf32>,
      %gather3A_1511 = tpu.vector_load_idx %arg10[%add3A_1487, %broadcast_in_dim3A_1509] : memref<512x16xf32, #tpu.memory_space<vmem>>[vector<16xi32>, vector<16xi32>], vector<16xf32>,
      %add3A_1512 = arith.addf %gather3A_1510, %gather3A_1511 : vector<16xf32>
      %max3A_1513 = arith.maximumf %add3A_1492, %add3A_1497 : vector<16xf32>
      %max3A_1514 = arith.maximumf %max3A_1513, %add3A_1502 : vector<16xf32>
      %max3A_1515 = arith.maximumf %max3A_1514, %add3A_1507 : vector<16xf32>
      %max3A_1516 = arith.maximumf %max3A_1515, %add3A_1512 : vector<16xf32>
      %sub3A_1517 = arith.subf %add3A_1492, %max3A_1516 : vector<16xf32>
      %exp3A_1518 = math.exp %sub3A_1517 : vector<16xf32>
      %sub3A_1519 = arith.subf %add3A_1497, %max3A_1516 : vector<16xf32>
      %exp3A_1520 = math.exp %sub3A_1519 : vector<16xf32>
      %sub3A_1521 = arith.subf %add3A_1502, %max3A_1516 : vector<16xf32>
      %exp3A_1522 = math.exp %sub3A_1521 : vector<16xf32>
      %sub3A_1523 = arith.subf %add3A_1507, %max3A_1516 : vector<16xf32>
      %exp3A_1524 = math.exp %sub3A_1523 : vector<16xf32>
      %sub3A_1525 = arith.subf %add3A_1512, %max3A_1516 : vector<16xf32>
      %exp3A_1526 = math.exp %sub3A_1525 : vector<16xf32>
      %add3A_1527 = arith.addf %exp3A_1518, %exp3A_1520 : vector<16xf32>
      %add3A_1528 = arith.addf %add3A_1527, %exp3A_1522 : vector<16xf32>
      %add3A_1529 = arith.addf %add3A_1528, %exp3A_1524 : vector<16xf32>
      %add3A_1530 = arith.addf %add3A_1529, %exp3A_1526 : vector<16xf32>
      %broadcast_in_dim3A_1531 = arith.constant 1.000000e+00 : f32
      %broadcast_in_dim3A_1532 = vector.broadcast %broadcast_in_dim3A_1531 : f32 to vector<16xf32>
      %div3A_1533 = arith.divf %broadcast_in_dim3A_1532, %add3A_1530 : vector<16xf32>
      %broadcast_in_dim3A_1534 = arith.constant 0 : i32
      %broadcast_in_dim3A_1535 = vector.broadcast %broadcast_in_dim3A_1534 : i32 to vector<16xi32>
      %mul3A_1536 = arith.mulf %exp3A_1518, %div3A_1533 : vector<16xf32>
      tpu.vector_store_idx %arg11[%add3A_1487, %broadcast_in_dim3A_1535], %mul3A_1536 : memref<512x5xf32, #tpu.memory_space<vmem>>[vector<16xi32>, vector<16xi32>], vector<16xf32>,
      %broadcast_in_dim3A_1537 = arith.constant 1 : i32
      %broadcast_in_dim3A_1538 = vector.broadcast %broadcast_in_dim3A_1537 : i32 to vector<16xi32>
      %mul3A_1539 = arith.mulf %exp3A_1520, %div3A_1533 : vector<16xf32>
      tpu.vector_store_idx %arg11[%add3A_1487, %broadcast_in_dim3A_1538], %mul3A_1539 : memref<512x5xf32, #tpu.memory_space<vmem>>[vector<16xi32>, vector<16xi32>], vector<16xf32>,
      %broadcast_in_dim3A_1540 = arith.constant 2 : i32
      %broadcast_in_dim3A_1541 = vector.broadcast %broadcast_in_dim3A_1540 : i32 to vector<16xi32>
      %mul3A_1542 = arith.mulf %exp3A_1522, %div3A_1533 : vector<16xf32>
      tpu.vector_store_idx %arg11[%add3A_1487, %broadcast_in_dim3A_1541], %mul3A_1542 : memref<512x5xf32, #tpu.memory_space<vmem>>[vector<16xi32>, vector<16xi32>], vector<16xf32>,
      %broadcast_in_dim3A_1543 = arith.constant 3 : i32
      %broadcast_in_dim3A_1544 = vector.broadcast %broadcast_in_dim3A_1543 : i32 to vector<16xi32>
      %mul3A_1545 = arith.mulf %exp3A_1524, %div3A_1533 : vector<16xf32>
      tpu.vector_store_idx %arg11[%add3A_1487, %broadcast_in_dim3A_1544], %mul3A_1545 : memref<512x5xf32, #tpu.memory_space<vmem>>[vector<16xi32>, vector<16xi32>], vector<16xf32>,
      %broadcast_in_dim3A_1546 = arith.constant 4 : i32
      %broadcast_in_dim3A_1547 = vector.broadcast %broadcast_in_dim3A_1546 : i32 to vector<16xi32>
      %mul3A_1548 = arith.mulf %exp3A_1526, %div3A_1533 : vector<16xf32>
      tpu.vector_store_idx %arg11[%add3A_1487, %broadcast_in_dim3A_1547], %mul3A_1548 : memref<512x5xf32, #tpu.memory_space<vmem>>[vector<16xi32>, vector<16xi32>], vector<16xf32>,
    }
    %scan3A_1289 = arith.constant 8 : i32
    "tpu.region"() ({
      %run_scoped3A = tpu.sem_alloc : memref<!tpu.dma_semaphore, #tpu.memory_space<semaphore_mem>>
      %dma_start3A_1290 = arith.constant 0 : i32
      %dma_start3A_1291 = tpu.memref_slice %arg5[%mul3A_2, %dma_start3A_1290] : memref<16384x5xf32, #tpu.memory_space<hbm>> -> memref<512x5xf32, #tpu.memory_space<hbm>>
      %dma_start3A_1292 = arith.constant 0 : i32
      %dma_start3A_1293 = tpu.memref_slice %arg5[%mul3A_2, %dma_start3A_1292] : memref<16384x5xf32, #tpu.memory_space<hbm>> -> memref<512x5xf32, #tpu.memory_space<hbm>>
      tpu.enqueue_dma source(%arg11 : memref<512x5xf32, #tpu.memory_space<vmem>>) target(%dma_start3A_1293 : memref<512x5xf32, #tpu.memory_space<hbm>>) target_semaphore(%run_scoped3A : memref<!tpu.dma_semaphore, #tpu.memory_space<semaphore_mem>>)
      %dma_wait3A_1294 = arith.constant 0 : i32
      %dma_wait3A_1295 = tpu.memref_slice %arg5[%mul3A_2, %dma_wait3A_1294] : memref<16384x5xf32, #tpu.memory_space<hbm>> -> memref<512x5xf32, #tpu.memory_space<hbm>>
      %dma_wait3A_1296 = arith.constant 0 : i32
      %dma_wait3A_1297 = tpu.memref_slice %arg5[%mul3A_2, %dma_wait3A_1296] : memref<16384x5xf32, #tpu.memory_space<hbm>> -> memref<512x5xf32, #tpu.memory_space<hbm>>
      tpu.wait_dma2 semaphore(%run_scoped3A : memref<!tpu.dma_semaphore, #tpu.memory_space<semaphore_mem>>) src(%arg11 : memref<512x5xf32, #tpu.memory_space<vmem>>) dst(%dma_wait3A_1297 : memref<512x5xf32, #tpu.memory_space<hbm>>)
      tpu.yield
    }) : () -> ()
    return
  }
}

module attributes {stable_mosaic.version = 14 : i64} {
  func.func @_tc_body(%arg0: i32, %arg1: memref<16x32768xf32, #tpu.memory_space<vmem>>, %arg2: memref<16x32768xf32, #tpu.memory_space<vmem>>, %arg3: memref<128x128xf32, #tpu.memory_space<vmem>>, %arg4: memref<128x128xf32, #tpu.memory_space<vmem>>, %arg5: memref<1x128xf32, #tpu.memory_space<vmem>>, %arg6: memref<4096x128xf32, #tpu.memory_space<vmem>>, %arg7: memref<4096x128xf32, #tpu.memory_space<vmem>>) attributes {dimension_semantics = [#tpu.dimension_semantics<arbitrary>], iteration_bounds = array<i64: 31>, scalar_prefetch = 0 : i64, scratch_operands = 0 : i64, tpu.core_type = #tpu.core_type<tc>, window_params = [{transform_indices = @transform_0, window_bounds = array<i64: 16, 32768>}, {transform_indices = @transform_1, window_bounds = array<i64: 16, 32768>}, {pipeline_mode = #tpu.pipeline_mode<synchronous>, transform_indices = @transform_2, window_bounds = array<i64: 128, 128>}, {pipeline_mode = #tpu.pipeline_mode<synchronous>, transform_indices = @transform_3, window_bounds = array<i64: 128, 128>}, {pipeline_mode = #tpu.pipeline_mode<synchronous>, transform_indices = @transform_4, window_bounds = array<i64: 1, 128>}, {transform_indices = @transform_5, window_bounds = array<i64: 4096, 128>}, {transform_indices = @transform_6, window_bounds = array<i64: 4096, 128>}]} {
    %get3A = arith.constant 0 : index
    %get3A_0 = arith.constant 0 : index
    %get3A_1 = vector.load %arg5[%get3A, %get3A_0] : memref<1x128xf32, #tpu.memory_space<vmem>>, vector<1x128xf32>
    %mul3A = arith.constant 32768 : i32
    %mul3A_2 = arith.muli %arg0, %mul3A : i32
    %iota3A = tpu.iota {dimensions = array<i32: 1>} : vector<16x4096xi32>
    %add3A = arith.constant 0 : i32
    %add3A_3 = arith.addi %mul3A_2, %add3A : i32
    %add3A_4 = vector.broadcast %add3A_3 : i32 to vector<16x4096xi32>
    %add3A_5 = arith.addi %add3A_4, %iota3A : vector<16x4096xi32>
    %lt3A = arith.constant 1000000 : i32
    %lt3A_6 = vector.broadcast %lt3A : i32 to vector<16x4096xi32>
    %lt3A_7 = arith.cmpi slt, %add3A_5, %lt3A_6 : vector<16x4096xi32>
    %get3A_8 = arith.constant 0 : index
    %get3A_9 = arith.constant 0 : index
    %get3A_10 = vector.load %arg1[%get3A_8, %get3A_9] : memref<16x32768xf32, #tpu.memory_space<vmem>>, vector<16x4096xf32>
    %jit3A = arith.constant 0.000000e+00 : f32
    %broadcast_in_dim3A = vector.broadcast %jit3A : f32 to vector<16x4096xf32>
    %select_n3A = arith.select %lt3A_7, %get3A_10, %broadcast_in_dim3A : vector<16x4096xi1>, vector<16x4096xf32>
    %add3A_11 = arith.constant 4096 : i32
    %add3A_12 = arith.addi %mul3A_2, %add3A_11 : i32
    %add3A_13 = vector.broadcast %add3A_12 : i32 to vector<16x4096xi32>
    %add3A_14 = arith.addi %add3A_13, %iota3A : vector<16x4096xi32>
    %lt3A_15 = arith.constant 1000000 : i32
    %lt3A_16 = vector.broadcast %lt3A_15 : i32 to vector<16x4096xi32>
    %lt3A_17 = arith.cmpi slt, %add3A_14, %lt3A_16 : vector<16x4096xi32>
    %get3A_18 = arith.constant 0 : index
    %get3A_19 = arith.constant 4096 : index
    %get3A_20 = vector.load %arg1[%get3A_18, %get3A_19] : memref<16x32768xf32, #tpu.memory_space<vmem>>, vector<16x4096xf32>
    %jit3A_21 = arith.constant 0.000000e+00 : f32
    %broadcast_in_dim3A_22 = vector.broadcast %jit3A_21 : f32 to vector<16x4096xf32>
    %select_n3A_23 = arith.select %lt3A_17, %get3A_20, %broadcast_in_dim3A_22 : vector<16x4096xi1>, vector<16x4096xf32>
    %add3A_24 = arith.constant 8192 : i32
    %add3A_25 = arith.addi %mul3A_2, %add3A_24 : i32
    %add3A_26 = vector.broadcast %add3A_25 : i32 to vector<16x4096xi32>
    %add3A_27 = arith.addi %add3A_26, %iota3A : vector<16x4096xi32>
    %lt3A_28 = arith.constant 1000000 : i32
    %lt3A_29 = vector.broadcast %lt3A_28 : i32 to vector<16x4096xi32>
    %lt3A_30 = arith.cmpi slt, %add3A_27, %lt3A_29 : vector<16x4096xi32>
    %get3A_31 = arith.constant 0 : index
    %get3A_32 = arith.constant 8192 : index
    %get3A_33 = vector.load %arg1[%get3A_31, %get3A_32] : memref<16x32768xf32, #tpu.memory_space<vmem>>, vector<16x4096xf32>
    %jit3A_34 = arith.constant 0.000000e+00 : f32
    %broadcast_in_dim3A_35 = vector.broadcast %jit3A_34 : f32 to vector<16x4096xf32>
    %select_n3A_36 = arith.select %lt3A_30, %get3A_33, %broadcast_in_dim3A_35 : vector<16x4096xi1>, vector<16x4096xf32>
    %add3A_37 = arith.constant 12288 : i32
    %add3A_38 = arith.addi %mul3A_2, %add3A_37 : i32
    %add3A_39 = vector.broadcast %add3A_38 : i32 to vector<16x4096xi32>
    %add3A_40 = arith.addi %add3A_39, %iota3A : vector<16x4096xi32>
    %lt3A_41 = arith.constant 1000000 : i32
    %lt3A_42 = vector.broadcast %lt3A_41 : i32 to vector<16x4096xi32>
    %lt3A_43 = arith.cmpi slt, %add3A_40, %lt3A_42 : vector<16x4096xi32>
    %get3A_44 = arith.constant 0 : index
    %get3A_45 = arith.constant 12288 : index
    %get3A_46 = vector.load %arg1[%get3A_44, %get3A_45] : memref<16x32768xf32, #tpu.memory_space<vmem>>, vector<16x4096xf32>
    %jit3A_47 = arith.constant 0.000000e+00 : f32
    %broadcast_in_dim3A_48 = vector.broadcast %jit3A_47 : f32 to vector<16x4096xf32>
    %select_n3A_49 = arith.select %lt3A_43, %get3A_46, %broadcast_in_dim3A_48 : vector<16x4096xi1>, vector<16x4096xf32>
    %add3A_50 = arith.constant 16384 : i32
    %add3A_51 = arith.addi %mul3A_2, %add3A_50 : i32
    %add3A_52 = vector.broadcast %add3A_51 : i32 to vector<16x4096xi32>
    %add3A_53 = arith.addi %add3A_52, %iota3A : vector<16x4096xi32>
    %lt3A_54 = arith.constant 1000000 : i32
    %lt3A_55 = vector.broadcast %lt3A_54 : i32 to vector<16x4096xi32>
    %lt3A_56 = arith.cmpi slt, %add3A_53, %lt3A_55 : vector<16x4096xi32>
    %get3A_57 = arith.constant 0 : index
    %get3A_58 = arith.constant 16384 : index
    %get3A_59 = vector.load %arg1[%get3A_57, %get3A_58] : memref<16x32768xf32, #tpu.memory_space<vmem>>, vector<16x4096xf32>
    %jit3A_60 = arith.constant 0.000000e+00 : f32
    %broadcast_in_dim3A_61 = vector.broadcast %jit3A_60 : f32 to vector<16x4096xf32>
    %select_n3A_62 = arith.select %lt3A_56, %get3A_59, %broadcast_in_dim3A_61 : vector<16x4096xi1>, vector<16x4096xf32>
    %add3A_63 = arith.constant 20480 : i32
    %add3A_64 = arith.addi %mul3A_2, %add3A_63 : i32
    %add3A_65 = vector.broadcast %add3A_64 : i32 to vector<16x4096xi32>
    %add3A_66 = arith.addi %add3A_65, %iota3A : vector<16x4096xi32>
    %lt3A_67 = arith.constant 1000000 : i32
    %lt3A_68 = vector.broadcast %lt3A_67 : i32 to vector<16x4096xi32>
    %lt3A_69 = arith.cmpi slt, %add3A_66, %lt3A_68 : vector<16x4096xi32>
    %get3A_70 = arith.constant 0 : index
    %get3A_71 = arith.constant 20480 : index
    %get3A_72 = vector.load %arg1[%get3A_70, %get3A_71] : memref<16x32768xf32, #tpu.memory_space<vmem>>, vector<16x4096xf32>
    %jit3A_73 = arith.constant 0.000000e+00 : f32
    %broadcast_in_dim3A_74 = vector.broadcast %jit3A_73 : f32 to vector<16x4096xf32>
    %select_n3A_75 = arith.select %lt3A_69, %get3A_72, %broadcast_in_dim3A_74 : vector<16x4096xi1>, vector<16x4096xf32>
    %add3A_76 = arith.constant 24576 : i32
    %add3A_77 = arith.addi %mul3A_2, %add3A_76 : i32
    %add3A_78 = vector.broadcast %add3A_77 : i32 to vector<16x4096xi32>
    %add3A_79 = arith.addi %add3A_78, %iota3A : vector<16x4096xi32>
    %lt3A_80 = arith.constant 1000000 : i32
    %lt3A_81 = vector.broadcast %lt3A_80 : i32 to vector<16x4096xi32>
    %lt3A_82 = arith.cmpi slt, %add3A_79, %lt3A_81 : vector<16x4096xi32>
    %get3A_83 = arith.constant 0 : index
    %get3A_84 = arith.constant 24576 : index
    %get3A_85 = vector.load %arg1[%get3A_83, %get3A_84] : memref<16x32768xf32, #tpu.memory_space<vmem>>, vector<16x4096xf32>
    %jit3A_86 = arith.constant 0.000000e+00 : f32
    %broadcast_in_dim3A_87 = vector.broadcast %jit3A_86 : f32 to vector<16x4096xf32>
    %select_n3A_88 = arith.select %lt3A_82, %get3A_85, %broadcast_in_dim3A_87 : vector<16x4096xi1>, vector<16x4096xf32>
    %add3A_89 = arith.constant 28672 : i32
    %add3A_90 = arith.addi %mul3A_2, %add3A_89 : i32
    %add3A_91 = vector.broadcast %add3A_90 : i32 to vector<16x4096xi32>
    %add3A_92 = arith.addi %add3A_91, %iota3A : vector<16x4096xi32>
    %lt3A_93 = arith.constant 1000000 : i32
    %lt3A_94 = vector.broadcast %lt3A_93 : i32 to vector<16x4096xi32>
    %lt3A_95 = arith.cmpi slt, %add3A_92, %lt3A_94 : vector<16x4096xi32>
    %get3A_96 = arith.constant 0 : index
    %get3A_97 = arith.constant 28672 : index
    %get3A_98 = vector.load %arg1[%get3A_96, %get3A_97] : memref<16x32768xf32, #tpu.memory_space<vmem>>, vector<16x4096xf32>
    %jit3A_99 = arith.constant 0.000000e+00 : f32
    %broadcast_in_dim3A_100 = vector.broadcast %jit3A_99 : f32 to vector<16x4096xf32>
    %select_n3A_101 = arith.select %lt3A_95, %get3A_98, %broadcast_in_dim3A_100 : vector<16x4096xi1>, vector<16x4096xf32>
    %concatenate3A = tpu.concatenate %select_n3A, %select_n3A_23, %select_n3A_36, %select_n3A_49, %select_n3A_62, %select_n3A_75, %select_n3A_88, %select_n3A_101 in 0 : vector<16x4096xf32>, vector<16x4096xf32>, vector<16x4096xf32>, vector<16x4096xf32>, vector<16x4096xf32>, vector<16x4096xf32>, vector<16x4096xf32>, vector<16x4096xf32> -> vector<128x4096xf32>
    %get3A_102 = arith.constant 0 : index
    %get3A_103 = arith.constant 0 : index
    %get3A_104 = vector.load %arg3[%get3A_102, %get3A_103] : memref<128x128xf32, #tpu.memory_space<vmem>>, vector<128x128xf32>
    %dot_general3A = arith.constant dense<0.000000e+00> : vector<4096x128xf32>
    %dot_general3A_105 = tpu.matmul %concatenate3A, %get3A_104, %dot_general3A {dimension_numbers = #tpu.dot_dimension_numbers<[0], [0], [1], [1], [0, 1, 1, 1], [], []>, transpose_lhs_hint = false} : vector<128x4096xf32>, vector<128x128xf32>, vector<4096x128xf32> -> vector<4096x128xf32>
    %add3A_106 = vector.broadcast %get3A_1 : vector<1x128xf32> to vector<4096x128xf32>
    %add3A_107 = arith.addf %dot_general3A_105, %add3A_106 : vector<4096x128xf32>
    %swap3A = arith.constant 0 : index
    %swap3A_108 = arith.constant 0 : index
    %swap3A_109 = vector.load %arg6[%swap3A, %swap3A_108] : memref<4096x128xf32, #tpu.memory_space<vmem>>, vector<4096x128xf32>
    tpu.vector_store %arg6[%swap3A, %swap3A_108], %add3A_107 {strides = array<i32>} : memref<4096x128xf32, #tpu.memory_space<vmem>>, vector<4096x128xf32>,
    %add3A_110 = arith.constant 0 : i32
    %add3A_111 = arith.addi %mul3A_2, %add3A_110 : i32
    %add3A_112 = vector.broadcast %add3A_111 : i32 to vector<16x4096xi32>
    %add3A_113 = arith.addi %add3A_112, %iota3A : vector<16x4096xi32>
    %lt3A_114 = arith.constant 1000000 : i32
    %lt3A_115 = vector.broadcast %lt3A_114 : i32 to vector<16x4096xi32>
    %lt3A_116 = arith.cmpi slt, %add3A_113, %lt3A_115 : vector<16x4096xi32>
    %get3A_117 = arith.constant 0 : index
    %get3A_118 = arith.constant 0 : index
    %get3A_119 = vector.load %arg2[%get3A_117, %get3A_118] : memref<16x32768xf32, #tpu.memory_space<vmem>>, vector<16x4096xf32>
    %jit3A_120 = arith.constant 0.000000e+00 : f32
    %broadcast_in_dim3A_121 = vector.broadcast %jit3A_120 : f32 to vector<16x4096xf32>
    %select_n3A_122 = arith.select %lt3A_116, %get3A_119, %broadcast_in_dim3A_121 : vector<16x4096xi1>, vector<16x4096xf32>
    %add3A_123 = arith.constant 4096 : i32
    %add3A_124 = arith.addi %mul3A_2, %add3A_123 : i32
    %add3A_125 = vector.broadcast %add3A_124 : i32 to vector<16x4096xi32>
    %add3A_126 = arith.addi %add3A_125, %iota3A : vector<16x4096xi32>
    %lt3A_127 = arith.constant 1000000 : i32
    %lt3A_128 = vector.broadcast %lt3A_127 : i32 to vector<16x4096xi32>
    %lt3A_129 = arith.cmpi slt, %add3A_126, %lt3A_128 : vector<16x4096xi32>
    %get3A_130 = arith.constant 0 : index
    %get3A_131 = arith.constant 4096 : index
    %get3A_132 = vector.load %arg2[%get3A_130, %get3A_131] : memref<16x32768xf32, #tpu.memory_space<vmem>>, vector<16x4096xf32>
    %jit3A_133 = arith.constant 0.000000e+00 : f32
    %broadcast_in_dim3A_134 = vector.broadcast %jit3A_133 : f32 to vector<16x4096xf32>
    %select_n3A_135 = arith.select %lt3A_129, %get3A_132, %broadcast_in_dim3A_134 : vector<16x4096xi1>, vector<16x4096xf32>
    %add3A_136 = arith.constant 8192 : i32
    %add3A_137 = arith.addi %mul3A_2, %add3A_136 : i32
    %add3A_138 = vector.broadcast %add3A_137 : i32 to vector<16x4096xi32>
    %add3A_139 = arith.addi %add3A_138, %iota3A : vector<16x4096xi32>
    %lt3A_140 = arith.constant 1000000 : i32
    %lt3A_141 = vector.broadcast %lt3A_140 : i32 to vector<16x4096xi32>
    %lt3A_142 = arith.cmpi slt, %add3A_139, %lt3A_141 : vector<16x4096xi32>
    %get3A_143 = arith.constant 0 : index
    %get3A_144 = arith.constant 8192 : index
    %get3A_145 = vector.load %arg2[%get3A_143, %get3A_144] : memref<16x32768xf32, #tpu.memory_space<vmem>>, vector<16x4096xf32>
    %jit3A_146 = arith.constant 0.000000e+00 : f32
    %broadcast_in_dim3A_147 = vector.broadcast %jit3A_146 : f32 to vector<16x4096xf32>
    %select_n3A_148 = arith.select %lt3A_142, %get3A_145, %broadcast_in_dim3A_147 : vector<16x4096xi1>, vector<16x4096xf32>
    %add3A_149 = arith.constant 12288 : i32
    %add3A_150 = arith.addi %mul3A_2, %add3A_149 : i32
    %add3A_151 = vector.broadcast %add3A_150 : i32 to vector<16x4096xi32>
    %add3A_152 = arith.addi %add3A_151, %iota3A : vector<16x4096xi32>
    %lt3A_153 = arith.constant 1000000 : i32
    %lt3A_154 = vector.broadcast %lt3A_153 : i32 to vector<16x4096xi32>
    %lt3A_155 = arith.cmpi slt, %add3A_152, %lt3A_154 : vector<16x4096xi32>
    %get3A_156 = arith.constant 0 : index
    %get3A_157 = arith.constant 12288 : index
    %get3A_158 = vector.load %arg2[%get3A_156, %get3A_157] : memref<16x32768xf32, #tpu.memory_space<vmem>>, vector<16x4096xf32>
    %jit3A_159 = arith.constant 0.000000e+00 : f32
    %broadcast_in_dim3A_160 = vector.broadcast %jit3A_159 : f32 to vector<16x4096xf32>
    %select_n3A_161 = arith.select %lt3A_155, %get3A_158, %broadcast_in_dim3A_160 : vector<16x4096xi1>, vector<16x4096xf32>
    %add3A_162 = arith.constant 16384 : i32
    %add3A_163 = arith.addi %mul3A_2, %add3A_162 : i32
    %add3A_164 = vector.broadcast %add3A_163 : i32 to vector<16x4096xi32>
    %add3A_165 = arith.addi %add3A_164, %iota3A : vector<16x4096xi32>
    %lt3A_166 = arith.constant 1000000 : i32
    %lt3A_167 = vector.broadcast %lt3A_166 : i32 to vector<16x4096xi32>
    %lt3A_168 = arith.cmpi slt, %add3A_165, %lt3A_167 : vector<16x4096xi32>
    %get3A_169 = arith.constant 0 : index
    %get3A_170 = arith.constant 16384 : index
    %get3A_171 = vector.load %arg2[%get3A_169, %get3A_170] : memref<16x32768xf32, #tpu.memory_space<vmem>>, vector<16x4096xf32>
    %jit3A_172 = arith.constant 0.000000e+00 : f32
    %broadcast_in_dim3A_173 = vector.broadcast %jit3A_172 : f32 to vector<16x4096xf32>
    %select_n3A_174 = arith.select %lt3A_168, %get3A_171, %broadcast_in_dim3A_173 : vector<16x4096xi1>, vector<16x4096xf32>
    %add3A_175 = arith.constant 20480 : i32
    %add3A_176 = arith.addi %mul3A_2, %add3A_175 : i32
    %add3A_177 = vector.broadcast %add3A_176 : i32 to vector<16x4096xi32>
    %add3A_178 = arith.addi %add3A_177, %iota3A : vector<16x4096xi32>
    %lt3A_179 = arith.constant 1000000 : i32
    %lt3A_180 = vector.broadcast %lt3A_179 : i32 to vector<16x4096xi32>
    %lt3A_181 = arith.cmpi slt, %add3A_178, %lt3A_180 : vector<16x4096xi32>
    %get3A_182 = arith.constant 0 : index
    %get3A_183 = arith.constant 20480 : index
    %get3A_184 = vector.load %arg2[%get3A_182, %get3A_183] : memref<16x32768xf32, #tpu.memory_space<vmem>>, vector<16x4096xf32>
    %jit3A_185 = arith.constant 0.000000e+00 : f32
    %broadcast_in_dim3A_186 = vector.broadcast %jit3A_185 : f32 to vector<16x4096xf32>
    %select_n3A_187 = arith.select %lt3A_181, %get3A_184, %broadcast_in_dim3A_186 : vector<16x4096xi1>, vector<16x4096xf32>
    %add3A_188 = arith.constant 24576 : i32
    %add3A_189 = arith.addi %mul3A_2, %add3A_188 : i32
    %add3A_190 = vector.broadcast %add3A_189 : i32 to vector<16x4096xi32>
    %add3A_191 = arith.addi %add3A_190, %iota3A : vector<16x4096xi32>
    %lt3A_192 = arith.constant 1000000 : i32
    %lt3A_193 = vector.broadcast %lt3A_192 : i32 to vector<16x4096xi32>
    %lt3A_194 = arith.cmpi slt, %add3A_191, %lt3A_193 : vector<16x4096xi32>
    %get3A_195 = arith.constant 0 : index
    %get3A_196 = arith.constant 24576 : index
    %get3A_197 = vector.load %arg2[%get3A_195, %get3A_196] : memref<16x32768xf32, #tpu.memory_space<vmem>>, vector<16x4096xf32>
    %jit3A_198 = arith.constant 0.000000e+00 : f32
    %broadcast_in_dim3A_199 = vector.broadcast %jit3A_198 : f32 to vector<16x4096xf32>
    %select_n3A_200 = arith.select %lt3A_194, %get3A_197, %broadcast_in_dim3A_199 : vector<16x4096xi1>, vector<16x4096xf32>
    %add3A_201 = arith.constant 28672 : i32
    %add3A_202 = arith.addi %mul3A_2, %add3A_201 : i32
    %add3A_203 = vector.broadcast %add3A_202 : i32 to vector<16x4096xi32>
    %add3A_204 = arith.addi %add3A_203, %iota3A : vector<16x4096xi32>
    %lt3A_205 = arith.constant 1000000 : i32
    %lt3A_206 = vector.broadcast %lt3A_205 : i32 to vector<16x4096xi32>
    %lt3A_207 = arith.cmpi slt, %add3A_204, %lt3A_206 : vector<16x4096xi32>
    %get3A_208 = arith.constant 0 : index
    %get3A_209 = arith.constant 28672 : index
    %get3A_210 = vector.load %arg2[%get3A_208, %get3A_209] : memref<16x32768xf32, #tpu.memory_space<vmem>>, vector<16x4096xf32>
    %jit3A_211 = arith.constant 0.000000e+00 : f32
    %broadcast_in_dim3A_212 = vector.broadcast %jit3A_211 : f32 to vector<16x4096xf32>
    %select_n3A_213 = arith.select %lt3A_207, %get3A_210, %broadcast_in_dim3A_212 : vector<16x4096xi1>, vector<16x4096xf32>
    %concatenate3A_214 = tpu.concatenate %select_n3A_122, %select_n3A_135, %select_n3A_148, %select_n3A_161, %select_n3A_174, %select_n3A_187, %select_n3A_200, %select_n3A_213 in 0 : vector<16x4096xf32>, vector<16x4096xf32>, vector<16x4096xf32>, vector<16x4096xf32>, vector<16x4096xf32>, vector<16x4096xf32>, vector<16x4096xf32>, vector<16x4096xf32> -> vector<128x4096xf32>
    %get3A_215 = arith.constant 0 : index
    %get3A_216 = arith.constant 0 : index
    %get3A_217 = vector.load %arg4[%get3A_215, %get3A_216] : memref<128x128xf32, #tpu.memory_space<vmem>>, vector<128x128xf32>
    %dot_general3A_218 = arith.constant dense<0.000000e+00> : vector<4096x128xf32>
    %dot_general3A_219 = tpu.matmul %concatenate3A_214, %get3A_217, %dot_general3A_218 {dimension_numbers = #tpu.dot_dimension_numbers<[0], [0], [1], [1], [0, 1, 1, 1], [], []>, transpose_lhs_hint = false} : vector<128x4096xf32>, vector<128x128xf32>, vector<4096x128xf32> -> vector<4096x128xf32>
    %add3A_220 = vector.broadcast %get3A_1 : vector<1x128xf32> to vector<4096x128xf32>
    %add3A_221 = arith.addf %dot_general3A_219, %add3A_220 : vector<4096x128xf32>
    %swap3A_222 = arith.constant 0 : index
    %swap3A_223 = arith.constant 0 : index
    %swap3A_224 = vector.load %arg7[%swap3A_222, %swap3A_223] : memref<4096x128xf32, #tpu.memory_space<vmem>>, vector<4096x128xf32>
    tpu.vector_store %arg7[%swap3A_222, %swap3A_223], %add3A_221 {strides = array<i32>} : memref<4096x128xf32, #tpu.memory_space<vmem>>, vector<4096x128xf32>,
    return
  }
  func.func @transform_0(%arg0: i32) -> (i32, i32) {
    %c0_i32 = arith.constant 0 : i32
    %c0_i32_0 = arith.constant 0 : i32
    return %c0_i32, %arg0 : i32, i32
  }
  func.func @transform_1(%arg0: i32) -> (i32, i32) {
    %c0_i32 = arith.constant 0 : i32
    %c0_i32_0 = arith.constant 0 : i32
    return %c0_i32, %arg0 : i32, i32
  }
  func.func @transform_2(%arg0: i32) -> (i32, i32) {
    %c0_i32 = arith.constant 0 : i32
    %c0_i32_0 = arith.constant 0 : i32
    %c0_i32_1 = arith.constant 0 : i32
    return %c0_i32, %c0_i32_0 : i32, i32
  }
  func.func @transform_3(%arg0: i32) -> (i32, i32) {
    %c0_i32 = arith.constant 0 : i32
    %c0_i32_0 = arith.constant 0 : i32
    %c0_i32_1 = arith.constant 0 : i32
    return %c0_i32, %c0_i32_0 : i32, i32
  }
  func.func @transform_4(%arg0: i32) -> (i32, i32) {
    %c0_i32 = arith.constant 0 : i32
    %c0_i32_0 = arith.constant 0 : i32
    %c0_i32_1 = arith.constant 0 : i32
    return %c0_i32, %c0_i32_0 : i32, i32
  }
  func.func @transform_5(%arg0: i32) -> (i32, i32) {
    %c0_i32 = arith.constant 0 : i32
    %c0_i32_0 = arith.constant 0 : i32
    return %arg0, %c0_i32 : i32, i32
  }
  func.func @transform_6(%arg0: i32) -> (i32, i32) {
    %c0_i32 = arith.constant 0 : i32
    %c0_i32_0 = arith.constant 0 : i32
    return %arg0, %c0_i32 : i32, i32
  }
}

</mosaic_0001>

<sc_bundles>
// kernel: _run.4.cloned.1.call-start
scs
__scs_entry_jumppad:
0x0: {  	(pc) =	sbr.rel $0x88, $3  }
0x1: {  	(tag) =	ssettag $0x0;
	lr =	simm.s32 $0x1  }
0x2: {  	[smem:$0x3F9C] =	sst lr;
	_ =	strace $0xD0000000  }
0x3: {  	_ = 	snop  }
0x4: {  	_ = 	snop  }
0x5: {  	_ = 	snop  }
0x6: {  	_ = 	snop  }
0x7: {  	_ = 	snop  }
__scs_overlays_trampoline_lowered:
0x8: {  	[smem:$0x3FAB] =	sst s0  }
0x9: {  	[smem:$0x3FAC] =	sst s1  }
0xa: {  	[smem:$0x3FAD] =	sst s2  }
0xb: {  	[smem:$0x3FAE] =	sst s3  }
0xc: {  	[smem:$0x3FAF] =	sst s4  }
0xd: {  	[smem:$0x3FB0] =	sst s5  }
0xe: {  	[smem:$0x3FB1] =	sst s6  }
0xf: {  	[smem:$0x3FB2] =	sst s7  }
0x10: {  	[smem:$0x3FB3] =	sst s8  }
0x11: {  	[smem:$0x3FB4] =	sst s9;
	s0 =	simm.s32 @!p0 $0x0  }
0x12: {  	s1 =	sld [smem:$0x3F9A];
	s0 =	simm.s32 @p0 $0x1  }
0x13: {  	[smem:$0x3FB5] =	sst s0;
	s0 =	simm.s32 @!p1 $0x0  }
0x14: {  	s2 =	sld [smem:$0x3F99];
	s0 =	simm.s32 @p1 $0x1  }
0x15: {  	[smem:$0x3FB6] =	sst s0;
	s0 =	simm.s32 @!p2 $0x0  }
0x16: {  	s3 =	sld [smem:$0x3FDB];
	s0 =	simm.s32 @p2 $0x1  }
0x17: {  	s4 =	simm.s32 $0x1BF5;
	[smem:$0x3FB8] =	sst s0  }
0x18: {  	s0 =	sld [smem:$0x3F9B];
	_ =	swait.ge [sflag:s4], $0x0  }
0x19: {  	s7 =	sld [smem:$0x3F9C]  }
0x1a: {  	s8 =	sadd.s32 $0xFFFFE003, lr  }
0x1b: {  	s9 =	sadd.s32 $0xFFFFFEF7, lr;
	s5 =	simm.s32 $0xFFFFFFFF;
	p2 =	slt.u32 s8, $0xFFFFF086  }
0x1c: {  	p1 =	slt.u32 s9, $0xF7A;
	s5 =	simm.s32 @!p2 $0x0  }
0x1d: {  	s5 =	simm.s32 @p1 $0x1;
	p0 =	seq.s32 s7, s2  }
0x1e: {  	s7 =	smul.u32 @!p0 $0xF7A, s2;
	p2 =	seq.s32 @!p0 s5, $0x0  }
0x1f: {  	s9 =	smul.u32 $0xF7A, s1;
	s8 =	simm.s32 @!p0 $0x1BF5;
	p2 =	por !p2, p0  }
0x20: {  	[sflag:s8] =	ssyncset.s32 @!p0 $0xFFFFF086;
	s6 =	sadd.s32 @!p0 s3, s7;
	s7 =	simm.s32 @!p0 $0x108  }
0x21: {  	s3 =	sadd.s32 s3, s9;
	s6 =	sadd.s32 @!p0 $0x88, s6;
	s7 =	simm.s32 @p2 $0x1082  }
0x22: {  	[simem:s7], [sflag:s8] =	dma.local @!p0 [hbm:s6], $0xF7A  }
0x23: {  	s9 =	sor.u32 $0xD0000000, s2;
	s6 =	simm.s32 $0x108;
	_ =	swait.ge @!p0 [sflag:s8], $0x0  }
0x24: {  	s3 =	sadd.s32 $0x88, s3;
	s6 =	simm.s32 @!p1 $0x1082;
	[sflag:s4] =	ssyncset.s32 $0xFFFFF086  }
0x25: {  	[simem:s6], [sflag:s4] =	dma.local [hbm:s3], $0xF7A  }
0x26: {  	[smem:$0x3F9C] =	sst s1;
	(tag) =	ssettag s2;
	_ =	strace s9  }
0x27: {  	s1 =	sld [smem:$0x3FAC]  }
0x28: {  	s2 =	sld [smem:$0x3FAD]  }
0x29: {  	s4 =	sld [smem:$0x3FAF]  }
0x2a: {  	p0 =	seq.s32 s5, $0x0;
	s5 =	sld [smem:$0x3FB0]  }
0x2b: {  	s6 =	sld [smem:$0x3FB1]  }
0x2c: {  	s7 =	sld [smem:$0x3FB2]  }
0x2d: {  	s3 =	simm.s32 $0x108;
	s8 =	sld [smem:$0x3FB3]  }
0x2e: {  	s3 =	simm.s32 @!p0 $0x1082;
	s9 =	sld [smem:$0x3FB4]  }
0x2f: {  	lr =	sadd.s32 s0, s3;
	s0 =	sld [smem:$0x3FAB]  }
0x30: {  	s3 =	sld [smem:$0x3FAE]  }
0x31: {  	[smem:$0x3FB7] =	sst s10  }
0x32: {  	s10 =	sld [smem:$0x3FB5];
	_ =	sdelay $0x3  }
0x33: {  	p0 =	seq.s32 s10, $0x1;
	s10 =	sld [smem:$0x3FB7];
	_ =	sdelay $0x3  }
0x34: {  	[smem:$0x3FB7] =	sst s10  }
0x35: {  	s10 =	sld [smem:$0x3FB6];
	_ =	sdelay $0x3  }
0x36: {  	p1 =	seq.s32 s10, $0x1;
	s10 =	sld [smem:$0x3FB7];
	_ =	sdelay $0x3  }
0x37: {  	[smem:$0x3FB7] =	sst s10  }
0x38: {  	s10 =	sld [smem:$0x3FB8]  }
0x39: {  	_ = 	snop;
	(pc) =	sbr.ind lr, $3  }
0x3a: {  	_ = 	snop  }
0x3b: {  	_ = 	snop  }
0x3c: {  	p2 =	seq.s32 s10, $0x1;
	s10 =	sld [smem:$0x3FB7]  }
0x3d: {  	_ =	shalt  }
0x3e: {  	_ =	shalt  }
0x3f: {  	_ =	shalt  }
0x40: {  	_ =	shalt  }
0x41: {  	_ =	shalt  }
0x42: {  	_ =	shalt  }
0x43: {  	_ =	shalt  }
0x44: {  	_ =	shalt  }
0x45: {  	_ =	shalt  }
0x46: {  	_ =	shalt  }
0x47: {  	_ =	shalt  }
0x48: {  	_ =	shalt  }
0x49: {  	_ =	shalt  }
0x4a: {  	_ =	shalt  }
0x4b: {  	_ =	shalt  }
0x4c: {  	_ =	shalt  }
0x4d: {  	_ =	shalt  }
0x4e: {  	_ =	shalt  }
0x4f: {  	_ =	shalt  }
0x50: {  	_ =	shalt  }
0x51: {  	_ =	shalt  }
0x52: {  	_ =	shalt  }
0x53: {  	_ =	shalt  }
0x54: {  	_ =	shalt  }
0x55: {  	_ =	shalt  }
0x56: {  	_ =	shalt  }
0x57: {  	_ =	shalt  }
0x58: {  	_ =	shalt  }
0x59: {  	_ =	shalt  }
0x5a: {  	_ =	shalt  }
0x5b: {  	_ =	shalt  }
0x5c: {  	_ =	shalt  }
0x5d: {  	_ =	shalt  }
0x5e: {  	_ =	shalt  }
0x5f: {  	_ =	shalt  }
0x60: {  	_ =	shalt  }
0x61: {  	_ =	shalt  }
0x62: {  	_ =	shalt  }
0x63: {  	_ =	shalt  }
0x64: {  	_ =	shalt  }
0x65: {  	_ =	shalt  }
0x66: {  	_ =	shalt  }
0x67: {  	_ =	shalt  }
0x68: {  	_ =	shalt  }
0x69: {  	_ =	shalt  }
0x6a: {  	_ =	shalt  }
0x6b: {  	_ =	shalt  }
0x6c: {  	_ =	shalt  }
0x6d: {  	_ =	shalt  }
0x6e: {  	_ =	shalt  }
0x6f: {  	_ =	shalt  }
0x70: {  	_ =	shalt  }
0x71: {  	_ =	shalt  }
0x72: {  	_ =	shalt  }
0x73: {  	_ =	shalt  }
0x74: {  	_ =	shalt  }
0x75: {  	_ =	shalt  }
0x76: {  	_ =	shalt  }
0x77: {  	_ =	shalt  }
0x78: {  	_ =	shalt  }
0x79: {  	_ =	shalt  }
0x7a: {  	_ =	shalt  }
0x7b: {  	_ =	shalt  }
0x7c: {  	_ =	shalt  }
0x7d: {  	_ =	shalt  }
0x7e: {  	_ =	shalt  }
0x7f: {  	_ =	shalt  }
0x80: {  	_ =	shalt  }
0x81: {  	_ =	shalt  }
0x82: {  	_ =	shalt  }
0x83: {  	_ =	shalt  }
0x84: {  	_ =	shalt  }
0x85: {  	_ =	shalt  }
0x86: {  	_ =	shalt  }
0x87: {  	_ =	shalt  }
.Lfunc_end0:
.L_simem_size_0:
called_computation_lowered:
.L_overlay_start_0:
0x88: {  	s2 =	sld [smem:$0x3FD9]  }
0x89: {  	s3 =	sld [smem:$0x3FFE];
	_ =	sdelay $0x1  }
0x8a: {  	s1 =	srdreg.scid  }
0x8b: {  	s0 =	sand.u32 $0x1, s1  }
0x8c: {  	s17 =	sshll.u32 s0, $0xA;
	s2 =	sadd.s32 s3, s2  }
0x8d: {  	s2 =	sadd.s32 s2, s17  }
0x8e: {  	[smem:$0x3FC3] =	sst s2  }
0x8f: {  	_ = 	snop  }
0x90: {  	s2 =	sld [smem:$0x3FD0];
	(tm) =	ssettm $0x1  }
0x91: {  	s18 =	sld [smem:$0x3FFB];
	_ =	sdelay $0x3  }
0x92: {  	_ =	strace s18  }
0x93: {  	s3 =	sld [smem:$0x3FFC];
	_ =	sdelay $0x3  }
0x94: {  	_ =	strace s3  }
0x95: {  	s3 =	sld [smem:$0x3FFD];
	_ =	sdelay $0x3  }
0x96: {  	_ =	strace s3  }
0x97: {  	_ =	strace $0x8FFFFFFF  }
0x98: {  	s19 =	sld [smem:$0x3FDB];
	_ =	sdelay $0x1  }
0x99: {  	s4 =	simm.s32 $_scs_section_size  }
0x9a: {  	s5 =	simm.s32 $_size__tile_overlayer_lowered;
	s6 =	simm.s32 $_tile_overlayer_lowered  }
0x9b: {  	s22 =	simm.s32 $0x1BFF;
	s21 =	sshll.u32 s6, $0x1;
	s3 =	sadd.s32 s4, s19  }
0x9c: {  	s7 =	simm.s32 $0x0;
	s20 =	sshll.u32 s5, $0x1;
	s5 =	sadd.s32 s21, s3  }
0x9d: {  	[timem:s7], [sflag:s22] =	dma.local [hbm:s5], s20  }
0x9e: {  	_ =	swait.ge [sflag:s22], s20  }
0x9f: {  	s4 =	ssub.s32 $0x0, s20;
	[sflag:s22] =	ssyncset.done $0x0  }
0xa0: {  	[sflag:s22] =	ssyncadd.s32 s4;
	_ =	sdelay $0x1  }
0xa1: {  	s23 =	simm.s32 $0x1B8B  }
0xa2: {  	_ =	swait.ge [sflag:s23], $0x1  }
0xa3: {  	[sflag:s23] =	ssyncset.done $0x0  }
0xa4: {  	s25 =	simm.s32 $0x1B8E;
	s24 =	sld [smem:$0x3FFE];
	[sflag:s23] =	ssyncadd.s32 $0xFFFFFFFF  }
0xa5: {  	s26 =	simm.s32 $execute0_lowered;
	[smem:$0x3FD2] =	sst s25  }
0xa6: {  	s5 =	sshll.u32 s26, $0x1;
	_ =	strace $0x80000046;
	[dreg:$0x1] =	wrdreg $0xFFFFFFFF  }
0xa7: {  	s28 =	simm.s32 $_size_execute0_lowered;
	s3 =	sadd.s32 s3, s5;
	[dreg:$0x0] =	wrdreg $0x0  }
0xa8: {  	s5 =	sshll.u32 s28, $0x1;
	[dreg:$0x2] =	wrdreg s3  }
0xa9: {  	[dreg:$0x3] =	wrdreg s5  }
0xaa: {  	[dreg:$0x4] =	wrdreg $0xC0  }
0xab: {  	_ =	task [dreg:s7], $0x5FFFF  }
0xac: {  	[dreg:$0x1] =	wrdreg $0xFFFFFFFF  }
0xad: {  	[dreg:$0x0] =	wrdreg $0x60  }
0xae: {  	[dreg:$0x2] =	wrdreg s2  }
0xaf: {  	[dreg:$0x3] =	wrdreg s24  }
0xb0: {  	[dreg:$0x4] =	wrdreg $0x9  }
0xb1: {  	_ =	task.clear_ibuf [dreg:s7], $0x5FFFF;
	_ =	strace $0x90000046  }
0xb2: {  	s29 =	simm.s32 $0x9;
	_ =	strace $0x80000048  }
0xb3: {  	_ =	swait.ge [sflag:s29], $0x1  }
0xb4: {  	[sflag:s29] =	ssyncadd.s32 $0xFFFFFFFF  }
0xb5: {  	_ =	strace $0x90000048  }
0xb6: {  	_ =	sfence  }
0xb7: {  	s30 =	sld [smem:$0x0];
	_ =	sdelay $0x2  }
0xb8: {  	s31 =	sshll.u32 s1, $0xD;
	s1 =	sshrl.u32 s1, $0x2  }
0xb9: {  	s3 =	sand.u32 $0x4000, s31;
	s1 =	sadd.s32 s1, s30  }
0xba: {  	s0 =	sor.u32 s3, s0;
	s1 =	sshll.u32 s1, $0x11  }
0xbb: {  	s0 =	sor.u32 s1, s0  }
0xbc: {  	s0 =	sadd.s32 $0x8F2B, s0  }
0xbd: {  	[sflag:s0] =	ssyncadd.remote.s32 $0x1  }
0xbe: {  	_ =	sfence.sel $0xFFFF  }
0xbf: {  	[dreg:$0x0] =	wrdreg $0xFFFFFFFF;
	(pc) =	sbr.abs _section_cstart, $3  }
0xc0: {  	[dreg:$0x1] =	wrdreg $0xFFFFFFFF  }
0xc1: {  	_ =	task.clear_ibuf [dreg:s7], $0x2FFFF;
	_ =	strace $0x9FFFFFFF  }
0xc2: {  	(tm) =	ssettm $0x7FFFFFFF  }
0xc3: {  	_ =	shalt  }
tec
execute0_lowered:
.L_overlay_start_1:
0x0: {  	(tag) =	ssettag $0x1  }
0x1: {  	v0 =	vlaneseq.u32  }
0x2: {  	v1 =	vmul.u32 $0x8, v0;
	_ =	sdelay $0x1  }
0x3: {  	v2 =	vor.u32 $0x1, v1;
	v16 =	vor.u32 $0x381, v1;
	v17 =	vor.u32 $0x400, v1  }
0x4: {  	v18 =	vor.u32 $0x401, v1;
	v19 =	vor.u32 $0x480, v1;
	v20 =	vor.u32 $0x481, v1  }
0x5: {  	v21 =	vor.u32 $0x500, v1;
	v22 =	vor.u32 $0x501, v1;
	v23 =	vor.u32 $0x580, v1  }
0x6: {  	v24 =	vor.u32 $0x581, v1;
	v25 =	vor.u32 $0x600, v1;
	v26 =	vor.u32 $0x601, v1  }
0x7: {  	v27 =	vor.u32 $0x680, v1;
	v28 =	vor.u32 $0x681, v1;
	v29 =	vor.u32 $0x700, v1  }
0x8: {  	v30 =	vor.u32 $0x701, v1;
	v31 =	vor.u32 $0x780, v1;
	v32 =	vor.u32 $0x781, v1  }
0x9: {  	s10 =	simm.s32 $0x1000;
	v33 =	vor.u32 $0x800, v1;
	v34 =	vor.u32 $0x801, v1;
	[tilespmem:$0x1FF20] =	vst v2;
	v2 =	vor.u32 $0x80, v1  }
0xa: {  	s11 =	simm.s32 $0x1400;
	s12 =	simm.s32 $0x1200;
	v35 =	vor.u32 $0x880, v1;
	v36 =	vor.u32 $0x881, v1;
	[tilespmem:$0x1FF30] =	vst v2;
	v2 =	vor.u32 $0x81, v1  }
0xb: {  	s13 =	simm.s32 $0x3400;
	s14 =	simm.s32 $0x1080;
	v37 =	vor.u32 $0x900, v1;
	v38 =	vor.u32 $0x901, v1;
	[tilespmem:$0x1FF40] =	vst v2;
	v2 =	vor.u32 $0x100, v1  }
0xc: {  	s5 =	rddreg [dreg:$0x0];
	s15 =	simm.s32 $0x1C00;
	s16 =	simm.s32 $0x1280;
	v39 =	vor.u32 $0x980, v1;
	v40 =	vor.u32 $0x981, v1;
	[tilespmem:$0x1FF50] =	vst v2;
	v2 =	vor.u32 $0x101, v1  }
0xd: {  	s6 =	rddreg [dreg:$0x1];
	s17 =	simm.s32 $0x3C00;
	s18 =	simm.s32 $0x1100;
	v41 =	vor.u32 $0xA00, v1;
	v42 =	vor.u32 $0xA01, v1;
	[tilespmem:$0x1FF60] =	vst v2;
	v2 =	vor.u32 $0x180, v1  }
0xe: {  	s1 =	simm.s32 $0x0;
	s19 =	simm.s32 $0x2400;
	s20 =	simm.s32 $0x1300;
	v43 =	vor.u32 $0xA80, v1;
	v44 =	vor.u32 $0xA81, v1;
	[tilespmem:$0x1FF70] =	vst v2;
	v2 =	vor.u32 $0x181, v1  }
0xf: {  	s3 =	srdreg.scid;
	s21 =	simm.s32 $0x4400;
	s22 =	simm.s32 $0x1180;
	v45 =	vor.u32 $0xB00, v1;
	v46 =	vor.u32 $0xB01, v1;
	[tilespmem:$0x1FF80] =	vst v2;
	v2 =	vor.u32 $0x200, v1  }
0x10: {  	s2 =	stileid.u32;
	s23 =	simm.s32 $0x2C00;
	s24 =	simm.s32 $0x1380;
	v47 =	vor.u32 $0xB80, v1;
	v48 =	vor.u32 $0xB81, v1;
	[tilespmem:$0x1FF90] =	vst v2;
	v2 =	vor.u32 $0x201, v1  }
0x11: {  	s25 =	simm.s32 $0x4C00;
	s26 =	simm.s32 $0x1;
	s28 =	simm.s32 $0x5400;
	v49 =	vor.u32 $0xC00, v1;
	v50 =	vor.u32 $0xC01, v1;
	[tilespmem:$0x1FFA0] =	vst v2;
	v2 =	vor.u32 $0x280, v1  }
0x12: {  	s29 =	simm.s32 $0x0;
	[smem:$0x7FF] =	sst s1;
	s3 =	sand.u32 $0x1, s3;
	v51 =	vor.u32 $0xC80, v1;
	v52 =	vor.u32 $0xC81, v1;
	[tilespmem:$0x1FFB0] =	vst v2;
	v2 =	vor.u32 $0x281, v1  }
0x13: {  	s4 =	sshll.u32 s2, $0xA;
	s7 =	sshll.u32 s3, $0x9;
	s8 =	ssub.s32 $0x2, s3;
	v53 =	vor.u32 $0xD00, v1;
	v54 =	vor.u32 $0xD01, v1;
	[tilespmem:$0x1FFC0] =	vst v2;
	v2 =	vor.u32 $0x300, v1  }
0x14: {  	s3 =	sadd.s32 $0x600, s6;
	s7 =	sor.u32 s7, s4;
	s9 =	sshrl.u32 s8, $0x1;
	v55 =	vor.u32 $0xD80, v1;
	v56 =	vor.u32 $0xD81, v1;
	[tilespmem:$0x1FFD0] =	vst v2;
	v2 =	vor.u32 $0x301, v1  }
0x15: {  	s4 =	sadd.s32 $0x1F0600, s6;
	v57 =	vor.u32 $0xE00, v1;
	v58 =	vor.u32 $0xE01, v1;
	s6 =	sadd.s32 s7, s6;
	s8 =	ssub.s32 s8, s9;
	[tilespmem:$0x1FFE0] =	vst v2;
	v2 =	vor.u32 $0x380, v1  }
0x16: {  	v59 =	vor.u32 $0xE80, v1;
	v60 =	vor.u32 $0xE81, v1;
	v61 =	vor.u32 $0xF00, v1;
	s5 =	sadd.s32 s5, s7;
	s9 =	simm.s32 $0x80;
	s6 =	sadd.s32 $0x3E0600, s6;
	[tilespmem:$0x1FFF0] =	vst v2  }
0x17: {  	v62 =	vor.u32 $0xF01, v1;
	v63 =	vor.u32 $0xF80, v1;
	s7 =	smax.u32 s8, $0x1;
	s8 =	simm.s32 $0x2;
	v2 =	vor.u32 $0xF81, v1;
	_ =	strace $0x80000047  }
.LBB2_1:
0x18: {  	[tilespmem:s1], [sflag:$0x2] =	stream.linear.gather [hbm4b:s5+s1], $0x1000, $0x38;
	[tilespmem:$0x6400] =	vst v63  }
0x19: {  	_ =	swait.ge [sflag:s8], $0x1000  }
0x1a: {  	v4 =	vld [tilespmem:$0x1FF20];
	_ =	sdelay $0x3  }
0x1b: {  	[sflag:s8] =	ssyncset.done $0x0  }
0x1c: {  	[sflag:s8] =	ssyncadd.s32 $0xFFFFF000  }
0x1d: {  	v3 =	vld.idx.msk [tilespmem:v1+s1+$0x0], $0xffff;
	_ =	sdelay $0x1  }
0x1e: {  	v4 =	vld.idx.msk [tilespmem:v4+s1+$0x0], $0xffff;
	_ =	sdelay $0x2  }
0x1f: {  	v5 =	vshll.u32 v3, $0x3  }
0x20: {  	v6 =	vand.u32 $0xFFFF8000, v3;
	v3 =	vshrl.u32 v3, $0xC;
	v5 =	vand.u32 $0x7FF8, v5  }
0x21: {  	v3 =	vand.u32 $0x7, v3;
	v5 =	vor.u32 v6, v5;
	v6 =	vshll.u32 v4, $0x3  }
0x22: {  	v7 =	vand.u32 $0xFFFF8000, v4;
	v4 =	vshrl.u32 v4, $0xC;
	v6 =	vand.u32 $0x7FF8, v6  }
0x23: {  	v3 =	vor.u32 v3, v5;
	v4 =	vand.u32 $0x7, v4;
	v5 =	vor.u32 v7, v6  }
0x24: {  	[tilespmem:$0x1000] =	vst v3;
	v3 =	vor.u32 v4, v5  }
0x25: {  	[tilespmem:$0x1200] =	vst v3;
	v3 =	vld [tilespmem:$0x1FF30]  }
0x26: {  	v4 =	vld [tilespmem:$0x1FF40];
	_ =	sdelay $0x6  }
0x27: {  	v3 =	vld.idx.msk [tilespmem:v3+s1+$0x0], $0xffff  }
0x28: {  	v4 =	vld.idx.msk [tilespmem:v4+s1+$0x0], $0xffff;
	_ =	sdelay $0x3  }
0x29: {  	v5 =	vshll.u32 v3, $0x3  }
0x2a: {  	v7 =	vand.u32 $0xFFFF8000, v4;
	v6 =	vand.u32 $0xFFFF8000, v3;
	v5 =	vand.u32 $0x7FF8, v5  }
0x2b: {  	v3 =	vshrl.u32 v3, $0xC;
	v5 =	vor.u32 v6, v5;
	v6 =	vshll.u32 v4, $0x3  }
0x2c: {  	v3 =	vand.u32 $0x7, v3;
	v4 =	vshrl.u32 v4, $0xC;
	v6 =	vand.u32 $0x7FF8, v6  }
0x2d: {  	v3 =	vor.u32 v3, v5;
	v4 =	vand.u32 $0x7, v4;
	v5 =	vor.u32 v7, v6  }
0x2e: {  	[tilespmem:$0x1010] =	vst v3;
	v3 =	vor.u32 v4, v5  }
0x2f: {  	[tilespmem:$0x1210] =	vst v3;
	v3 =	vld [tilespmem:$0x1FF50]  }
0x30: {  	v4 =	vld [tilespmem:$0x1FF60];
	_ =	sdelay $0x6  }
0x31: {  	v3 =	vld.idx.msk [tilespmem:v3+s1+$0x0], $0xffff  }
0x32: {  	v4 =	vld.idx.msk [tilespmem:v4+s1+$0x0], $0xffff;
	_ =	sdelay $0x3  }
0x33: {  	v5 =	vshll.u32 v3, $0x3  }
0x34: {  	v7 =	vand.u32 $0xFFFF8000, v4;
	v6 =	vand.u32 $0xFFFF8000, v3;
	v5 =	vand.u32 $0x7FF8, v5  }
0x35: {  	v3 =	vshrl.u32 v3, $0xC;
	v5 =	vor.u32 v6, v5;
	v6 =	vshll.u32 v4, $0x3  }
0x36: {  	v3 =	vand.u32 $0x7, v3;
	v4 =	vshrl.u32 v4, $0xC;
	v6 =	vand.u32 $0x7FF8, v6  }
0x37: {  	v3 =	vor.u32 v3, v5;
	v4 =	vand.u32 $0x7, v4;
	v5 =	vor.u32 v7, v6  }
0x38: {  	[tilespmem:$0x1020] =	vst v3;
	v3 =	vor.u32 v4, v5  }
0x39: {  	[tilespmem:$0x1220] =	vst v3;
	v3 =	vld [tilespmem:$0x1FF70]  }
0x3a: {  	v4 =	vld [tilespmem:$0x1FF80];
	_ =	sdelay $0x6  }
0x3b: {  	v3 =	vld.idx.msk [tilespmem:v3+s1+$0x0], $0xffff  }
0x3c: {  	v4 =	vld.idx.msk [tilespmem:v4+s1+$0x0], $0xffff;
	_ =	sdelay $0x3  }
0x3d: {  	v5 =	vshll.u32 v3, $0x3  }
0x3e: {  	v7 =	vand.u32 $0xFFFF8000, v4;
	v6 =	vand.u32 $0xFFFF8000, v3;
	v5 =	vand.u32 $0x7FF8, v5  }
0x3f: {  	v3 =	vshrl.u32 v3, $0xC;
	v5 =	vor.u32 v6, v5;
	v6 =	vshll.u32 v4, $0x3  }
0x40: {  	v3 =	vand.u32 $0x7, v3;
	v4 =	vshrl.u32 v4, $0xC;
	v6 =	vand.u32 $0x7FF8, v6  }
0x41: {  	v3 =	vor.u32 v3, v5;
	v4 =	vand.u32 $0x7, v4;
	v5 =	vor.u32 v7, v6  }
0x42: {  	[tilespmem:$0x1030] =	vst v3;
	v3 =	vor.u32 v4, v5  }
0x43: {  	[tilespmem:$0x1230] =	vst v3;
	v3 =	vld [tilespmem:$0x1FF90]  }
0x44: {  	v4 =	vld [tilespmem:$0x1FFA0];
	_ =	sdelay $0x6  }
0x45: {  	v3 =	vld.idx.msk [tilespmem:v3+s1+$0x0], $0xffff  }
0x46: {  	v4 =	vld.idx.msk [tilespmem:v4+s1+$0x0], $0xffff;
	_ =	sdelay $0x3  }
0x47: {  	v5 =	vshll.u32 v3, $0x3  }
0x48: {  	v7 =	vand.u32 $0xFFFF8000, v4;
	v6 =	vand.u32 $0xFFFF8000, v3;
	v5 =	vand.u32 $0x7FF8, v5  }
0x49: {  	v3 =	vshrl.u32 v3, $0xC;
	v5 =	vor.u32 v6, v5;
	v6 =	vshll.u32 v4, $0x3  }
0x4a: {  	v3 =	vand.u32 $0x7, v3;
	v4 =	vshrl.u32 v4, $0xC;
	v6 =	vand.u32 $0x7FF8, v6  }
0x4b: {  	v3 =	vor.u32 v3, v5;
	v4 =	vand.u32 $0x7, v4;
	v5 =	vor.u32 v7, v6  }
0x4c: {  	[tilespmem:$0x1040] =	vst v3;
	v3 =	vor.u32 v4, v5  }
0x4d: {  	[tilespmem:$0x1240] =	vst v3;
	v3 =	vld [tilespmem:$0x1FFB0]  }
0x4e: {  	v4 =	vld [tilespmem:$0x1FFC0];
	_ =	sdelay $0x6  }
0x4f: {  	v3 =	vld.idx.msk [tilespmem:v3+s1+$0x0], $0xffff  }
0x50: {  	v4 =	vld.idx.msk [tilespmem:v4+s1+$0x0], $0xffff;
	_ =	sdelay $0x3  }
0x51: {  	v5 =	vshll.u32 v3, $0x3  }
0x52: {  	v7 =	vand.u32 $0xFFFF8000, v4;
	v6 =	vand.u32 $0xFFFF8000, v3;
	v5 =	vand.u32 $0x7FF8, v5  }
0x53: {  	v3 =	vshrl.u32 v3, $0xC;
	v5 =	vor.u32 v6, v5;
	v6 =	vshll.u32 v4, $0x3  }
0x54: {  	v3 =	vand.u32 $0x7, v3;
	v4 =	vshrl.u32 v4, $0xC;
	v6 =	vand.u32 $0x7FF8, v6  }
0x55: {  	v3 =	vor.u32 v3, v5;
	v4 =	vand.u32 $0x7, v4;
	v5 =	vor.u32 v7, v6  }
0x56: {  	[tilespmem:$0x1050] =	vst v3;
	v3 =	vor.u32 v4, v5  }
0x57: {  	[tilespmem:$0x1250] =	vst v3;
	v3 =	vld [tilespmem:$0x1FFD0]  }
0x58: {  	v4 =	vld [tilespmem:$0x1FFE0];
	_ =	sdelay $0x6  }
0x59: {  	v3 =	vld.idx.msk [tilespmem:v3+s1+$0x0], $0xffff  }
0x5a: {  	v4 =	vld.idx.msk [tilespmem:v4+s1+$0x0], $0xffff;
	_ =	sdelay $0x3  }
0x5b: {  	v5 =	vshll.u32 v3, $0x3  }
0x5c: {  	v7 =	vand.u32 $0xFFFF8000, v4;
	v6 =	vand.u32 $0xFFFF8000, v3;
	v5 =	vand.u32 $0x7FF8, v5  }
0x5d: {  	v3 =	vshrl.u32 v3, $0xC;
	v5 =	vor.u32 v6, v5;
	v6 =	vshll.u32 v4, $0x3  }
0x5e: {  	v3 =	vand.u32 $0x7, v3;
	v4 =	vshrl.u32 v4, $0xC;
	v6 =	vand.u32 $0x7FF8, v6  }
0x5f: {  	v3 =	vor.u32 v3, v5;
	v4 =	vand.u32 $0x7, v4;
	v5 =	vor.u32 v7, v6  }
0x60: {  	[tilespmem:$0x1060] =	vst v3;
	v3 =	vor.u32 v4, v5  }
0x61: {  	[tilespmem:$0x1260] =	vst v3;
	v3 =	vld [tilespmem:$0x1FFF0];
	_ =	sdelay $0x7  }
0x62: {  	v3 =	vld.idx.msk [tilespmem:v3+s1+$0x0], $0xffff  }
0x63: {  	v4 =	vld.idx.msk [tilespmem:v16+s1+$0x0], $0xffff;
	_ =	sdelay $0x3  }
0x64: {  	v5 =	vshll.u32 v3, $0x3  }
0x65: {  	v7 =	vand.u32 $0xFFFF8000, v4;
	v6 =	vand.u32 $0xFFFF8000, v3;
	v5 =	vand.u32 $0x7FF8, v5  }
0x66: {  	v3 =	vshrl.u32 v3, $0xC;
	v5 =	vor.u32 v6, v5;
	v6 =	vshll.u32 v4, $0x3  }
0x67: {  	v3 =	vand.u32 $0x7, v3;
	v4 =	vshrl.u32 v4, $0xC;
	v6 =	vand.u32 $0x7FF8, v6  }
0x68: {  	v3 =	vor.u32 v3, v5;
	v4 =	vand.u32 $0x7, v4;
	v5 =	vor.u32 v7, v6  }
0x69: {  	[tilespmem:$0x1070] =	vst v3;
	v3 =	vor.u32 v4, v5  }
0x6a: {  	[tilespmem:$0x1270] =	vst v3  }
0x6b: {  	v3 =	vld.idx.msk [tilespmem:v17+s1+$0x0], $0xffff;
	_ =	sdelay $0x1  }
0x6c: {  	v4 =	vld.idx.msk [tilespmem:v18+s1+$0x0], $0xffff;
	_ =	sdelay $0x2  }
0x6d: {  	v5 =	vshll.u32 v3, $0x3  }
0x6e: {  	v6 =	vand.u32 $0xFFFF8000, v3;
	v3 =	vshrl.u32 v3, $0xC;
	v5 =	vand.u32 $0x7FF8, v5  }
0x6f: {  	v7 =	vand.u32 $0xFFFF8000, v4;
	v5 =	vor.u32 v6, v5;
	v6 =	vshll.u32 v4, $0x3  }
0x70: {  	v3 =	vand.u32 $0x7, v3;
	v4 =	vshrl.u32 v4, $0xC;
	v6 =	vand.u32 $0x7FF8, v6  }
0x71: {  	v3 =	vor.u32 v3, v5;
	v4 =	vand.u32 $0x7, v4;
	v5 =	vor.u32 v7, v6  }
0x72: {  	[tilespmem:$0x1080] =	vst v3;
	v3 =	vor.u32 v4, v5  }
0x73: {  	[tilespmem:$0x1280] =	vst v3  }
0x74: {  	v3 =	vld.idx.msk [tilespmem:v19+s1+$0x0], $0xffff;
	_ =	sdelay $0x1  }
0x75: {  	v4 =	vld.idx.msk [tilespmem:v20+s1+$0x0], $0xffff;
	_ =	sdelay $0x2  }
0x76: {  	v5 =	vshll.u32 v3, $0x3  }
0x77: {  	v6 =	vand.u32 $0xFFFF8000, v3;
	v3 =	vshrl.u32 v3, $0xC;
	v5 =	vand.u32 $0x7FF8, v5  }
0x78: {  	v7 =	vand.u32 $0xFFFF8000, v4;
	v5 =	vor.u32 v6, v5;
	v6 =	vshll.u32 v4, $0x3  }
0x79: {  	v3 =	vand.u32 $0x7, v3;
	v4 =	vshrl.u32 v4, $0xC;
	v6 =	vand.u32 $0x7FF8, v6  }
0x7a: {  	v3 =	vor.u32 v3, v5;
	v4 =	vand.u32 $0x7, v4;
	v5 =	vor.u32 v7, v6  }
0x7b: {  	[tilespmem:$0x1090] =	vst v3;
	v3 =	vor.u32 v4, v5  }
0x7c: {  	[tilespmem:$0x1290] =	vst v3  }
0x7d: {  	v3 =	vld.idx.msk [tilespmem:v21+s1+$0x0], $0xffff;
	_ =	sdelay $0x1  }
0x7e: {  	v4 =	vld.idx.msk [tilespmem:v22+s1+$0x0], $0xffff;
	_ =	sdelay $0x2  }
0x7f: {  	v5 =	vshll.u32 v3, $0x3  }
0x80: {  	v6 =	vand.u32 $0xFFFF8000, v3;
	v3 =	vshrl.u32 v3, $0xC;
	v5 =	vand.u32 $0x7FF8, v5  }
0x81: {  	v7 =	vand.u32 $0xFFFF8000, v4;
	v5 =	vor.u32 v6, v5;
	v6 =	vshll.u32 v4, $0x3  }
0x82: {  	v3 =	vand.u32 $0x7, v3;
	v4 =	vshrl.u32 v4, $0xC;
	v6 =	vand.u32 $0x7FF8, v6  }
0x83: {  	v3 =	vor.u32 v3, v5;
	v4 =	vand.u32 $0x7, v4;
	v5 =	vor.u32 v7, v6  }
0x84: {  	[tilespmem:$0x10A0] =	vst v3;
	v3 =	vor.u32 v4, v5  }
0x85: {  	[tilespmem:$0x12A0] =	vst v3  }
0x86: {  	v3 =	vld.idx.msk [tilespmem:v23+s1+$0x0], $0xffff;
	_ =	sdelay $0x1  }
0x87: {  	v4 =	vld.idx.msk [tilespmem:v24+s1+$0x0], $0xffff;
	_ =	sdelay $0x2  }
0x88: {  	v5 =	vshll.u32 v3, $0x3  }
0x89: {  	v6 =	vand.u32 $0xFFFF8000, v3;
	v3 =	vshrl.u32 v3, $0xC;
	v5 =	vand.u32 $0x7FF8, v5  }
0x8a: {  	v7 =	vand.u32 $0xFFFF8000, v4;
	v5 =	vor.u32 v6, v5;
	v6 =	vshll.u32 v4, $0x3  }
0x8b: {  	v3 =	vand.u32 $0x7, v3;
	v4 =	vshrl.u32 v4, $0xC;
	v6 =	vand.u32 $0x7FF8, v6  }
0x8c: {  	v3 =	vor.u32 v3, v5;
	v4 =	vand.u32 $0x7, v4;
	v5 =	vor.u32 v7, v6  }
0x8d: {  	[tilespmem:$0x10B0] =	vst v3;
	v3 =	vor.u32 v4, v5  }
0x8e: {  	[tilespmem:$0x12B0] =	vst v3  }
0x8f: {  	v3 =	vld.idx.msk [tilespmem:v25+s1+$0x0], $0xffff;
	_ =	sdelay $0x1  }
0x90: {  	v4 =	vld.idx.msk [tilespmem:v26+s1+$0x0], $0xffff;
	_ =	sdelay $0x2  }
0x91: {  	v5 =	vshll.u32 v3, $0x3  }
0x92: {  	v6 =	vand.u32 $0xFFFF8000, v3;
	v3 =	vshrl.u32 v3, $0xC;
	v5 =	vand.u32 $0x7FF8, v5  }
0x93: {  	v7 =	vand.u32 $0xFFFF8000, v4;
	v5 =	vor.u32 v6, v5;
	v6 =	vshll.u32 v4, $0x3  }
0x94: {  	v3 =	vand.u32 $0x7, v3;
	v4 =	vshrl.u32 v4, $0xC;
	v6 =	vand.u32 $0x7FF8, v6  }
0x95: {  	v3 =	vor.u32 v3, v5;
	v4 =	vand.u32 $0x7, v4;
	v5 =	vor.u32 v7, v6  }
0x96: {  	[tilespmem:$0x10C0] =	vst v3;
	v3 =	vor.u32 v4, v5  }
0x97: {  	[tilespmem:$0x12C0] =	vst v3  }
0x98: {  	v3 =	vld.idx.msk [tilespmem:v27+s1+$0x0], $0xffff;
	_ =	sdelay $0x1  }
0x99: {  	v4 =	vld.idx.msk [tilespmem:v28+s1+$0x0], $0xffff;
	_ =	sdelay $0x2  }
0x9a: {  	v5 =	vshll.u32 v3, $0x3  }
0x9b: {  	v6 =	vand.u32 $0xFFFF8000, v3;
	v3 =	vshrl.u32 v3, $0xC;
	v5 =	vand.u32 $0x7FF8, v5  }
0x9c: {  	v7 =	vand.u32 $0xFFFF8000, v4;
	v5 =	vor.u32 v6, v5;
	v6 =	vshll.u32 v4, $0x3  }
0x9d: {  	v3 =	vand.u32 $0x7, v3;
	v4 =	vshrl.u32 v4, $0xC;
	v6 =	vand.u32 $0x7FF8, v6  }
0x9e: {  	v3 =	vor.u32 v3, v5;
	v4 =	vand.u32 $0x7, v4;
	v5 =	vor.u32 v7, v6  }
0x9f: {  	[tilespmem:$0x10D0] =	vst v3;
	v3 =	vor.u32 v4, v5  }
0xa0: {  	[tilespmem:$0x12D0] =	vst v3  }
0xa1: {  	v3 =	vld.idx.msk [tilespmem:v29+s1+$0x0], $0xffff;
	_ =	sdelay $0x1  }
0xa2: {  	v4 =	vld.idx.msk [tilespmem:v30+s1+$0x0], $0xffff;
	_ =	sdelay $0x2  }
0xa3: {  	v5 =	vshll.u32 v3, $0x3  }
0xa4: {  	v6 =	vand.u32 $0xFFFF8000, v3;
	v3 =	vshrl.u32 v3, $0xC;
	v5 =	vand.u32 $0x7FF8, v5  }
0xa5: {  	v7 =	vand.u32 $0xFFFF8000, v4;
	v5 =	vor.u32 v6, v5;
	v6 =	vshll.u32 v4, $0x3  }
0xa6: {  	v3 =	vand.u32 $0x7, v3;
	v4 =	vshrl.u32 v4, $0xC;
	v6 =	vand.u32 $0x7FF8, v6  }
0xa7: {  	v3 =	vor.u32 v3, v5;
	v4 =	vand.u32 $0x7, v4;
	v5 =	vor.u32 v7, v6  }
0xa8: {  	[tilespmem:$0x10E0] =	vst v3;
	v3 =	vor.u32 v4, v5  }
0xa9: {  	[tilespmem:$0x12E0] =	vst v3  }
0xaa: {  	v3 =	vld.idx.msk [tilespmem:v31+s1+$0x0], $0xffff;
	_ =	sdelay $0x1  }
0xab: {  	v4 =	vld.idx.msk [tilespmem:v32+s1+$0x0], $0xffff;
	_ =	sdelay $0x2  }
0xac: {  	v5 =	vshll.u32 v3, $0x3  }
0xad: {  	v6 =	vand.u32 $0xFFFF8000, v3;
	v3 =	vshrl.u32 v3, $0xC;
	v5 =	vand.u32 $0x7FF8, v5  }
0xae: {  	v7 =	vand.u32 $0xFFFF8000, v4;
	v5 =	vor.u32 v6, v5;
	v6 =	vshll.u32 v4, $0x3  }
0xaf: {  	v3 =	vand.u32 $0x7, v3;
	v4 =	vshrl.u32 v4, $0xC;
	v6 =	vand.u32 $0x7FF8, v6  }
0xb0: {  	v3 =	vor.u32 v3, v5;
	v4 =	vand.u32 $0x7, v4;
	v5 =	vor.u32 v7, v6  }
0xb1: {  	[tilespmem:$0x10F0] =	vst v3;
	v3 =	vor.u32 v4, v5  }
0xb2: {  	[tilespmem:$0x12F0] =	vst v3  }
0xb3: {  	v3 =	vld.idx.msk [tilespmem:v33+s1+$0x0], $0xffff;
	_ =	sdelay $0x1  }
0xb4: {  	v4 =	vld.idx.msk [tilespmem:v34+s1+$0x0], $0xffff;
	_ =	sdelay $0x2  }
0xb5: {  	v5 =	vshll.u32 v3, $0x3  }
0xb6: {  	v6 =	vand.u32 $0xFFFF8000, v3;
	v3 =	vshrl.u32 v3, $0xC;
	v5 =	vand.u32 $0x7FF8, v5  }
0xb7: {  	v7 =	vand.u32 $0xFFFF8000, v4;
	v5 =	vor.u32 v6, v5;
	v6 =	vshll.u32 v4, $0x3  }
0xb8: {  	v3 =	vand.u32 $0x7, v3;
	v4 =	vshrl.u32 v4, $0xC;
	v6 =	vand.u32 $0x7FF8, v6  }
0xb9: {  	v3 =	vor.u32 v3, v5;
	v4 =	vand.u32 $0x7, v4;
	v5 =	vor.u32 v7, v6  }
0xba: {  	[tilespmem:$0x1100] =	vst v3;
	v3 =	vor.u32 v4, v5  }
0xbb: {  	[tilespmem:$0x1300] =	vst v3  }
0xbc: {  	v3 =	vld.idx.msk [tilespmem:v35+s1+$0x0], $0xffff;
	_ =	sdelay $0x1  }
0xbd: {  	v4 =	vld.idx.msk [tilespmem:v36+s1+$0x0], $0xffff;
	_ =	sdelay $0x2  }
0xbe: {  	v5 =	vshll.u32 v3, $0x3  }
0xbf: {  	v6 =	vand.u32 $0xFFFF8000, v3;
	v3 =	vshrl.u32 v3, $0xC;
	v5 =	vand.u32 $0x7FF8, v5  }
0xc0: {  	v7 =	vand.u32 $0xFFFF8000, v4;
	v5 =	vor.u32 v6, v5;
	v6 =	vshll.u32 v4, $0x3  }
0xc1: {  	v3 =	vand.u32 $0x7, v3;
	v4 =	vshrl.u32 v4, $0xC;
	v6 =	vand.u32 $0x7FF8, v6  }
0xc2: {  	v3 =	vor.u32 v3, v5;
	v4 =	vand.u32 $0x7, v4;
	v5 =	vor.u32 v7, v6  }
0xc3: {  	[tilespmem:$0x1110] =	vst v3;
	v3 =	vor.u32 v4, v5  }
0xc4: {  	[tilespmem:$0x1310] =	vst v3  }
0xc5: {  	v3 =	vld.idx.msk [tilespmem:v37+s1+$0x0], $0xffff;
	_ =	sdelay $0x1  }
0xc6: {  	v4 =	vld.idx.msk [tilespmem:v38+s1+$0x0], $0xffff;
	_ =	sdelay $0x2  }
0xc7: {  	v5 =	vshll.u32 v3, $0x3  }
0xc8: {  	v6 =	vand.u32 $0xFFFF8000, v3;
	v3 =	vshrl.u32 v3, $0xC;
	v5 =	vand.u32 $0x7FF8, v5  }
0xc9: {  	v7 =	vand.u32 $0xFFFF8000, v4;
	v5 =	vor.u32 v6, v5;
	v6 =	vshll.u32 v4, $0x3  }
0xca: {  	v3 =	vand.u32 $0x7, v3;
	v4 =	vshrl.u32 v4, $0xC;
	v6 =	vand.u32 $0x7FF8, v6  }
0xcb: {  	v3 =	vor.u32 v3, v5;
	v4 =	vand.u32 $0x7, v4;
	v5 =	vor.u32 v7, v6  }
0xcc: {  	[tilespmem:$0x1120] =	vst v3;
	v3 =	vor.u32 v4, v5  }
0xcd: {  	[tilespmem:$0x1320] =	vst v3  }
0xce: {  	v3 =	vld.idx.msk [tilespmem:v39+s1+$0x0], $0xffff;
	_ =	sdelay $0x1  }
0xcf: {  	v4 =	vld.idx.msk [tilespmem:v40+s1+$0x0], $0xffff;
	_ =	sdelay $0x2  }
0xd0: {  	v5 =	vshll.u32 v3, $0x3  }
0xd1: {  	v6 =	vand.u32 $0xFFFF8000, v3;
	v3 =	vshrl.u32 v3, $0xC;
	v5 =	vand.u32 $0x7FF8, v5  }
0xd2: {  	v7 =	vand.u32 $0xFFFF8000, v4;
	v5 =	vor.u32 v6, v5;
	v6 =	vshll.u32 v4, $0x3  }
0xd3: {  	v3 =	vand.u32 $0x7, v3;
	v4 =	vshrl.u32 v4, $0xC;
	v6 =	vand.u32 $0x7FF8, v6  }
0xd4: {  	v3 =	vor.u32 v3, v5;
	v4 =	vand.u32 $0x7, v4;
	v5 =	vor.u32 v7, v6  }
0xd5: {  	[tilespmem:$0x1130] =	vst v3;
	v3 =	vor.u32 v4, v5  }
0xd6: {  	[tilespmem:$0x1330] =	vst v3  }
0xd7: {  	v3 =	vld.idx.msk [tilespmem:v41+s1+$0x0], $0xffff;
	_ =	sdelay $0x1  }
0xd8: {  	v4 =	vld.idx.msk [tilespmem:v42+s1+$0x0], $0xffff;
	_ =	sdelay $0x2  }
0xd9: {  	v5 =	vshll.u32 v3, $0x3  }
0xda: {  	v6 =	vand.u32 $0xFFFF8000, v3;
	v3 =	vshrl.u32 v3, $0xC;
	v5 =	vand.u32 $0x7FF8, v5  }
0xdb: {  	v7 =	vand.u32 $0xFFFF8000, v4;
	v5 =	vor.u32 v6, v5;
	v6 =	vshll.u32 v4, $0x3  }
0xdc: {  	v3 =	vand.u32 $0x7, v3;
	v4 =	vshrl.u32 v4, $0xC;
	v6 =	vand.u32 $0x7FF8, v6  }
0xdd: {  	v3 =	vor.u32 v3, v5;
	v4 =	vand.u32 $0x7, v4;
	v5 =	vor.u32 v7, v6  }
0xde: {  	[tilespmem:$0x1140] =	vst v3;
	v3 =	vor.u32 v4, v5  }
0xdf: {  	[tilespmem:$0x1340] =	vst v3  }
0xe0: {  	v3 =	vld.idx.msk [tilespmem:v43+s1+$0x0], $0xffff;
	_ =	sdelay $0x1  }
0xe1: {  	v4 =	vld.idx.msk [tilespmem:v44+s1+$0x0], $0xffff;
	_ =	sdelay $0x2  }
0xe2: {  	v5 =	vshll.u32 v3, $0x3  }
0xe3: {  	v6 =	vand.u32 $0xFFFF8000, v3;
	v3 =	vshrl.u32 v3, $0xC;
	v5 =	vand.u32 $0x7FF8, v5  }
0xe4: {  	v7 =	vand.u32 $0xFFFF8000, v4;
	v5 =	vor.u32 v6, v5;
	v6 =	vshll.u32 v4, $0x3  }
0xe5: {  	v3 =	vand.u32 $0x7, v3;
	v4 =	vshrl.u32 v4, $0xC;
	v6 =	vand.u32 $0x7FF8, v6  }
0xe6: {  	v3 =	vor.u32 v3, v5;
	v4 =	vand.u32 $0x7, v4;
	v5 =	vor.u32 v7, v6  }
0xe7: {  	[tilespmem:$0x1150] =	vst v3;
	v3 =	vor.u32 v4, v5  }
0xe8: {  	[tilespmem:$0x1350] =	vst v3  }
0xe9: {  	v3 =	vld.idx.msk [tilespmem:v45+s1+$0x0], $0xffff;
	_ =	sdelay $0x1  }
0xea: {  	v4 =	vld.idx.msk [tilespmem:v46+s1+$0x0], $0xffff;
	_ =	sdelay $0x2  }
0xeb: {  	v5 =	vshll.u32 v3, $0x3  }
0xec: {  	v6 =	vand.u32 $0xFFFF8000, v3;
	v3 =	vshrl.u32 v3, $0xC;
	v5 =	vand.u32 $0x7FF8, v5  }
0xed: {  	v7 =	vand.u32 $0xFFFF8000, v4;
	v5 =	vor.u32 v6, v5;
	v6 =	vshll.u32 v4, $0x3  }
0xee: {  	v3 =	vand.u32 $0x7, v3;
	v4 =	vshrl.u32 v4, $0xC;
	v6 =	vand.u32 $0x7FF8, v6  }
0xef: {  	v3 =	vor.u32 v3, v5;
	v4 =	vand.u32 $0x7, v4;
	v5 =	vor.u32 v7, v6  }
0xf0: {  	[tilespmem:$0x1160] =	vst v3;
	v3 =	vor.u32 v4, v5  }
0xf1: {  	[tilespmem:$0x1360] =	vst v3  }
0xf2: {  	v3 =	vld.idx.msk [tilespmem:v47+s1+$0x0], $0xffff;
	_ =	sdelay $0x1  }
0xf3: {  	v4 =	vld.idx.msk [tilespmem:v48+s1+$0x0], $0xffff;
	_ =	sdelay $0x2  }
0xf4: {  	v5 =	vshll.u32 v3, $0x3  }
0xf5: {  	v6 =	vand.u32 $0xFFFF8000, v3;
	v3 =	vshrl.u32 v3, $0xC;
	v5 =	vand.u32 $0x7FF8, v5  }
0xf6: {  	v7 =	vand.u32 $0xFFFF8000, v4;
	v5 =	vor.u32 v6, v5;
	v6 =	vshll.u32 v4, $0x3  }
0xf7: {  	v3 =	vand.u32 $0x7, v3;
	v4 =	vshrl.u32 v4, $0xC;
	v6 =	vand.u32 $0x7FF8, v6  }
0xf8: {  	v3 =	vor.u32 v3, v5;
	v4 =	vand.u32 $0x7, v4;
	v5 =	vor.u32 v7, v6  }
0xf9: {  	[tilespmem:$0x1170] =	vst v3;
	v3 =	vor.u32 v4, v5  }
0xfa: {  	[tilespmem:$0x1370] =	vst v3  }
0xfb: {  	v3 =	vld.idx.msk [tilespmem:v49+s1+$0x0], $0xffff;
	_ =	sdelay $0x1  }
0xfc: {  	v4 =	vld.idx.msk [tilespmem:v50+s1+$0x0], $0xffff;
	_ =	sdelay $0x2  }
0xfd: {  	v5 =	vshll.u32 v3, $0x3  }
0xfe: {  	v6 =	vand.u32 $0xFFFF8000, v3;
	v3 =	vshrl.u32 v3, $0xC;
	v5 =	vand.u32 $0x7FF8, v5  }
0xff: {  	v7 =	vand.u32 $0xFFFF8000, v4;
	v5 =	vor.u32 v6, v5;
	v6 =	vshll.u32 v4, $0x3  }
0x100: {  	v3 =	vand.u32 $0x7, v3;
	v4 =	vshrl.u32 v4, $0xC;
	v6 =	vand.u32 $0x7FF8, v6  }
0x101: {  	v3 =	vor.u32 v3, v5;
	v4 =	vand.u32 $0x7, v4;
	v5 =	vor.u32 v7, v6  }
0x102: {  	[tilespmem:$0x1180] =	vst v3;
	v3 =	vor.u32 v4, v5  }
0x103: {  	[tilespmem:$0x1380] =	vst v3  }
0x104: {  	v3 =	vld.idx.msk [tilespmem:v51+s1+$0x0], $0xffff;
	_ =	sdelay $0x1  }
0x105: {  	v4 =	vld.idx.msk [tilespmem:v52+s1+$0x0], $0xffff;
	_ =	sdelay $0x2  }
0x106: {  	v5 =	vshll.u32 v3, $0x3  }
0x107: {  	v6 =	vand.u32 $0xFFFF8000, v3;
	v3 =	vshrl.u32 v3, $0xC;
	v5 =	vand.u32 $0x7FF8, v5  }
0x108: {  	v7 =	vand.u32 $0xFFFF8000, v4;
	v5 =	vor.u32 v6, v5;
	v6 =	vshll.u32 v4, $0x3  }
0x109: {  	v3 =	vand.u32 $0x7, v3;
	v4 =	vshrl.u32 v4, $0xC;
	v6 =	vand.u32 $0x7FF8, v6  }
0x10a: {  	v3 =	vor.u32 v3, v5;
	v4 =	vand.u32 $0x7, v4;
	v5 =	vor.u32 v7, v6  }
0x10b: {  	[tilespmem:$0x1190] =	vst v3;
	v3 =	vor.u32 v4, v5  }
0x10c: {  	[tilespmem:$0x1390] =	vst v3  }
0x10d: {  	v3 =	vld.idx.msk [tilespmem:v53+s1+$0x0], $0xffff;
	_ =	sdelay $0x1  }
0x10e: {  	v4 =	vld.idx.msk [tilespmem:v54+s1+$0x0], $0xffff;
	_ =	sdelay $0x2  }
0x10f: {  	v5 =	vshll.u32 v3, $0x3  }
0x110: {  	v6 =	vand.u32 $0xFFFF8000, v3;
	v3 =	vshrl.u32 v3, $0xC;
	v5 =	vand.u32 $0x7FF8, v5  }
0x111: {  	v7 =	vand.u32 $0xFFFF8000, v4;
	v5 =	vor.u32 v6, v5;
	v6 =	vshll.u32 v4, $0x3  }
0x112: {  	v3 =	vand.u32 $0x7, v3;
	v4 =	vshrl.u32 v4, $0xC;
	v6 =	vand.u32 $0x7FF8, v6  }
0x113: {  	v3 =	vor.u32 v3, v5;
	v4 =	vand.u32 $0x7, v4;
	v5 =	vor.u32 v7, v6  }
0x114: {  	[tilespmem:$0x11A0] =	vst v3;
	v3 =	vor.u32 v4, v5  }
0x115: {  	[tilespmem:$0x13A0] =	vst v3  }
0x116: {  	v3 =	vld.idx.msk [tilespmem:v55+s1+$0x0], $0xffff;
	_ =	sdelay $0x1  }
0x117: {  	v4 =	vld.idx.msk [tilespmem:v56+s1+$0x0], $0xffff;
	_ =	sdelay $0x2  }
0x118: {  	v5 =	vshll.u32 v3, $0x3  }
0x119: {  	v6 =	vand.u32 $0xFFFF8000, v3;
	v3 =	vshrl.u32 v3, $0xC;
	v5 =	vand.u32 $0x7FF8, v5  }
0x11a: {  	v7 =	vand.u32 $0xFFFF8000, v4;
	v5 =	vor.u32 v6, v5;
	v6 =	vshll.u32 v4, $0x3  }
0x11b: {  	v3 =	vand.u32 $0x7, v3;
	v4 =	vshrl.u32 v4, $0xC;
	v6 =	vand.u32 $0x7FF8, v6  }
0x11c: {  	v3 =	vor.u32 v3, v5;
	v4 =	vand.u32 $0x7, v4;
	v5 =	vor.u32 v7, v6  }
0x11d: {  	[tilespmem:$0x11B0] =	vst v3;
	v3 =	vor.u32 v4, v5  }
0x11e: {  	[tilespmem:$0x13B0] =	vst v3  }
0x11f: {  	v3 =	vld.idx.msk [tilespmem:v57+s1+$0x0], $0xffff;
	_ =	sdelay $0x1  }
0x120: {  	v4 =	vld.idx.msk [tilespmem:v58+s1+$0x0], $0xffff;
	_ =	sdelay $0x2  }
0x121: {  	v5 =	vshll.u32 v3, $0x3  }
0x122: {  	v6 =	vand.u32 $0xFFFF8000, v3;
	v3 =	vshrl.u32 v3, $0xC;
	v5 =	vand.u32 $0x7FF8, v5  }
0x123: {  	v7 =	vand.u32 $0xFFFF8000, v4;
	v5 =	vor.u32 v6, v5;
	v6 =	vshll.u32 v4, $0x3  }
0x124: {  	v3 =	vand.u32 $0x7, v3;
	v4 =	vshrl.u32 v4, $0xC;
	v6 =	vand.u32 $0x7FF8, v6  }
0x125: {  	v3 =	vor.u32 v3, v5;
	v4 =	vand.u32 $0x7, v4;
	v5 =	vor.u32 v7, v6  }
0x126: {  	[tilespmem:$0x11C0] =	vst v3;
	v3 =	vor.u32 v4, v5  }
0x127: {  	[tilespmem:$0x13C0] =	vst v3  }
0x128: {  	v3 =	vld.idx.msk [tilespmem:v59+s1+$0x0], $0xffff;
	_ =	sdelay $0x1  }
0x129: {  	v4 =	vld.idx.msk [tilespmem:v60+s1+$0x0], $0xffff;
	_ =	sdelay $0x2  }
0x12a: {  	v5 =	vshll.u32 v3, $0x3  }
0x12b: {  	v6 =	vand.u32 $0xFFFF8000, v3;
	v3 =	vshrl.u32 v3, $0xC;
	v5 =	vand.u32 $0x7FF8, v5  }
0x12c: {  	v7 =	vand.u32 $0xFFFF8000, v4;
	v5 =	vor.u32 v6, v5;
	v6 =	vshll.u32 v4, $0x3  }
0x12d: {  	v3 =	vand.u32 $0x7, v3;
	v4 =	vshrl.u32 v4, $0xC;
	v6 =	vand.u32 $0x7FF8, v6  }
0x12e: {  	v3 =	vor.u32 v3, v5;
	v4 =	vand.u32 $0x7, v4;
	v5 =	vor.u32 v7, v6  }
0x12f: {  	[tilespmem:$0x11D0] =	vst v3;
	v3 =	vor.u32 v4, v5  }
0x130: {  	[tilespmem:$0x13D0] =	vst v3  }
0x131: {  	v3 =	vld.idx.msk [tilespmem:v61+s1+$0x0], $0xffff;
	_ =	sdelay $0x1  }
0x132: {  	v4 =	vld.idx.msk [tilespmem:v62+s1+$0x0], $0xffff;
	_ =	sdelay $0x2  }
0x133: {  	v5 =	vshll.u32 v3, $0x3  }
0x134: {  	v6 =	vand.u32 $0xFFFF8000, v3;
	v3 =	vshrl.u32 v3, $0xC;
	v5 =	vand.u32 $0x7FF8, v5  }
0x135: {  	v7 =	vand.u32 $0xFFFF8000, v4;
	v5 =	vor.u32 v6, v5;
	v6 =	vshll.u32 v4, $0x3  }
0x136: {  	v3 =	vand.u32 $0x7, v3;
	v4 =	vshrl.u32 v4, $0xC;
	v6 =	vand.u32 $0x7FF8, v6  }
0x137: {  	v3 =	vor.u32 v3, v5;
	v4 =	vand.u32 $0x7, v4;
	v5 =	vor.u32 v7, v6  }
0x138: {  	[tilespmem:$0x11E0] =	vst v3;
	v3 =	vor.u32 v4, v5  }
0x139: {  	[tilespmem:$0x13E0] =	vst v3  }
0x13a: {  	v3 =	vld.idx.msk [tilespmem:v63+s1+$0x0], $0xffff;
	_ =	sdelay $0x1  }
0x13b: {  	v4 =	vld.idx.msk [tilespmem:v2+s1+$0x0], $0xffff;
	_ =	sdelay $0x2  }
0x13c: {  	v5 =	vshll.u32 v3, $0x3  }
0x13d: {  	v6 =	vand.u32 $0xFFFF8000, v3;
	v3 =	vshrl.u32 v3, $0xC;
	v5 =	vand.u32 $0x7FF8, v5  }
0x13e: {  	v7 =	vand.u32 $0xFFFF8000, v4;
	v5 =	vor.u32 v6, v5;
	v6 =	vshll.u32 v4, $0x3  }
0x13f: {  	v3 =	vand.u32 $0x7, v3;
	v4 =	vshrl.u32 v4, $0xC;
	v6 =	vand.u32 $0x7FF8, v6  }
0x140: {  	v3 =	vor.u32 v3, v5;
	v4 =	vand.u32 $0x7, v4;
	v5 =	vor.u32 v7, v6  }
0x141: {  	[tilespmem:$0x11F0] =	vst v3;
	v3 =	vor.u32 v4, v5  }
0x142: {  	[tilespmem:$0x13F0] =	vst v3  }
0x143: {  	[tilespmem:s11], [sflag:$0x1] =	stream.indirect.gather [hbm4b:s3+s9], $0x10, s10, s9, $0xb8;
	[tilespmem:$0x6400] =	vst v63  }
0x144: {  	_ = 	snop  }
0x145: {  	[tilespmem:s13], [sflag:$0x1] =	stream.indirect.gather [hbm4b:s4+s9], $0x10, s12, s9, $0xb8;
	[tilespmem:$0x6400] =	vst v63  }
0x146: {  	_ = 	snop  }
0x147: {  	[tilespmem:s15], [sflag:$0x1] =	stream.indirect.gather [hbm4b:s3+s9], $0x10, s14, s9, $0xb8;
	[tilespmem:$0x6400] =	vst v63  }
0x148: {  	_ = 	snop  }
0x149: {  	[tilespmem:s17], [sflag:$0x1] =	stream.indirect.gather [hbm4b:s4+s9], $0x10, s16, s9, $0xb8;
	[tilespmem:$0x6400] =	vst v63  }
0x14a: {  	_ = 	snop  }
0x14b: {  	[tilespmem:s19], [sflag:$0x1] =	stream.indirect.gather [hbm4b:s3+s9], $0x10, s18, s9, $0xb8;
	[tilespmem:$0x6400] =	vst v63  }
0x14c: {  	_ = 	snop  }
0x14d: {  	[tilespmem:s21], [sflag:$0x1] =	stream.indirect.gather [hbm4b:s4+s9], $0x10, s20, s9, $0xb8;
	[tilespmem:$0x6400] =	vst v63  }
0x14e: {  	_ = 	snop  }
0x14f: {  	[tilespmem:s23], [sflag:$0x1] =	stream.indirect.gather [hbm4b:s3+s9], $0x10, s22, s9, $0xb8;
	[tilespmem:$0x6400] =	vst v63  }
0x150: {  	_ = 	snop  }
0x151: {  	[tilespmem:s25], [sflag:$0x1] =	stream.indirect.gather [hbm4b:s4+s9], $0x10, s24, s9, $0xb8;
	[tilespmem:$0x6400] =	vst v63  }
0x152: {  	_ =	swait.ge [sflag:s26], $0x800  }
0x153: {  	[sflag:s26] =	ssyncset.done $0x0  }
0x154: {  	[sflag:s26] =	ssyncadd.s32 $0xFFFFF800  }
0x155: {  	_ =	swait.ge [sflag:s26], $0x800  }
0x156: {  	[sflag:s26] =	ssyncset.done $0x0  }
0x157: {  	[sflag:s26] =	ssyncadd.s32 $0xFFFFF800  }
0x158: {  	_ =	swait.ge [sflag:s26], $0x800  }
0x159: {  	[sflag:s26] =	ssyncset.done $0x0  }
0x15a: {  	[sflag:s26] =	ssyncadd.s32 $0xFFFFF800  }
0x15b: {  	_ =	swait.ge [sflag:s26], $0x800  }
0x15c: {  	[sflag:s26] =	ssyncset.done $0x0  }
0x15d: {  	[sflag:s26] =	ssyncadd.s32 $0xFFFFF800  }
0x15e: {  	_ =	swait.ge [sflag:s26], $0x800  }
0x15f: {  	[sflag:s26] =	ssyncset.done $0x0  }
0x160: {  	[sflag:s26] =	ssyncadd.s32 $0xFFFFF800  }
0x161: {  	_ =	swait.ge [sflag:s26], $0x800  }
0x162: {  	[sflag:s26] =	ssyncset.done $0x0  }
0x163: {  	[sflag:s26] =	ssyncadd.s32 $0xFFFFF800  }
0x164: {  	v3 =	vor.u32 s1, v0;
	_ =	swait.ge [sflag:s26], $0x800  }
0x165: {  	v4 =	vshll.u32 v3, $0x4;
	[sflag:s26] =	ssyncset.done $0x0  }
0x166: {  	v5 =	vor.u32 $0x4, v4;
	[sflag:s26] =	ssyncadd.s32 $0xFFFFF800  }
0x167: {  	v6 =	vor.u32 $0x2, v4;
	_ =	swait.ge [sflag:s26], $0x800  }
0x168: {  	[sflag:s26] =	ssyncset.done $0x0  }
0x169: {  	[sflag:s26] =	ssyncadd.s32 $0xFFFFF800  }
0x16a: {  	v7 =	vor.u32 $0x1, v4;
	v8 =	vld.idx.msk [tilespmem:v4+s11+$0x0], $0xffff  }
0x16b: {  	v9 =	vld.idx.msk [tilespmem:v5+s13+$0x0], $0xffff  }
0x16c: {  	v10 =	vor.u32 $0x3, v4;
	v11 =	vld.idx.msk [tilespmem:v6+s13+$0x0], $0xffff  }
0x16d: {  	v6 =	vld.idx.msk [tilespmem:v6+s11+$0x0], $0xffff  }
0x16e: {  	v4 =	vld.idx.msk [tilespmem:v4+s13+$0x0], $0xffff  }
0x16f: {  	v12 =	vld.idx.msk [tilespmem:v7+s11+$0x0], $0xffff  }
0x170: {  	v7 =	vld.idx.msk [tilespmem:v7+s13+$0x0], $0xffff  }
0x171: {  	v13 =	vld.idx.msk [tilespmem:v10+s11+$0x0], $0xffff  }
0x172: {  	v10 =	vld.idx.msk [tilespmem:v10+s13+$0x0], $0xffff  }
0x173: {  	v5 =	vld.idx.msk [tilespmem:v5+s11+$0x0], $0xffff;
	_ =	sdelay $0x1  }
0x174: {  	v4 =	vadd.f32 v4, v8;
	v7 =	vadd.f32 v7, v12  }
0x175: {  	v6 =	vadd.f32 v11, v6  }
0x176: {  	v12 =	vadd.f32 v10, v13;
	v13 =	vmax.f32 v4, v7  }
0x177: {  	v5 =	vadd.f32 v9, v5;
	v14 =	vmax.f32 v13, v6  }
0x178: {  	v9 =	vmax.f32 v14, v12  }
0x179: {  	v9 =	vmax.f32 v9, v5  }
0x17a: {  	v4 =	vsub.f32 v4, v9  }
0x17b: {  	v7 =	vsub.f32 v7, v9  }
0x17c: {  	v4 =	vmul.f32 $1.442695020e+00, v4  }
0x17d: {  	v6 =	vsub.f32 v6, v9;
	v7 =	vmul.f32 $1.442695020e+00, v7  }
0x17e: {  	(erf) = vpow2.f32 v4  }
0x17f: {  	v6 =	vmul.f32 $1.442695020e+00, v6;
	v4 =	vsub.f32 v12, v9;
	(erf) = vpow2.f32 v7;
	_ =	sdelay $0x1  }
0x180: {  	v5 =	vsub.f32 v5, v9;
	v4 =	vmul.f32 $1.442695020e+00, v4;
	(erf) = vpow2.f32 v6;
	_ =	sdelay $0x1  }
0x181: {  	v5 =	vmul.f32 $1.442695020e+00, v5;
	(erf) = vpow2.f32 v4;
	_ =	sdelay $0x1  }
0x182: {  	(erf) = vpow2.f32 v5;
	_ =	sdelay $0x1  }
0x183: {  	v4 =	vpop (erf)  }
0x184: {  	v5 =	vpop (erf)  }
0x185: {  	v6 =	vadd.f32 v5, v4  }
0x186: {  	v7 =	vpop (erf)  }
0x187: {  	v6 =	vadd.f32 v6, v7  }
0x188: {  	v8 =	vpop (erf)  }
0x189: {  	v6 =	vadd.f32 v6, v8  }
0x18a: {  	v9 =	vpop (erf)  }
0x18b: {  	v6 =	vadd.f32 v6, v9;
	_ =	sdelay $0x1  }
0x18c: {  	(erf) = vrcp.f32 v6;
	_ =	sdelay $0x6  }
0x18d: {  	v3 =	vshll.u32 v3, $0x3  }
0x18e: {  	v6 =	vor.u32 $0x1, v3  }
0x18f: {  	s30 =	simm.s32 $0x10;
	v10 =	vor.u32 $0x2, v3;
	v11 =	vpop (erf)  }
0x190: {  	v13 =	vor.u32 s30, v0;
	v12 =	vor.u32 $0x3, v3;
	v4 =	vmul.f32 v11, v4  }
0x191: {  	v14 =	vor.u32 $0x4, v3;
	v15 =	vshll.u32 v13, $0x4;
	v5 =	vmul.f32 v11, v5  }
0x192: {  	[tilespmem:v3+s28+$0x0] =	vst.idx.msk $0xffff, v4;
	v3 =	vmul.f32 v11, v7;
	v4 =	vor.u32 $0x3, v15  }
0x193: {  	[tilespmem:v6+s28+$0x0] =	vst.idx.msk $0xffff, v5;
	v5 =	vmul.f32 v11, v8  }
0x194: {  	[tilespmem:v10+s28+$0x0] =	vst.idx.msk $0xffff, v3;
	v3 =	vmul.f32 v11, v9  }
0x195: {  	[tilespmem:v12+s28+$0x0] =	vst.idx.msk $0xffff, v5  }
0x196: {  	v6 =	vor.u32 $0x2, v15;
	[tilespmem:v14+s28+$0x0] =	vst.idx.msk $0xffff, v3  }
0x197: {  	v5 =	vor.u32 $0x1, v15;
	v3 =	vld.idx.msk [tilespmem:v4+s11+$0x0], $0xffff  }
0x198: {  	v4 =	vld.idx.msk [tilespmem:v4+s13+$0x0], $0xffff  }
0x199: {  	v8 =	vld.idx.msk [tilespmem:v15+s11+$0x0], $0xffff  }
0x19a: {  	v9 =	vor.u32 $0x4, v15;
	v10 =	vld.idx.msk [tilespmem:v15+s13+$0x0], $0xffff  }
0x19b: {  	v7 =	vld.idx.msk [tilespmem:v6+s11+$0x0], $0xffff  }
0x19c: {  	v11 =	vld.idx.msk [tilespmem:v5+s13+$0x0], $0xffff  }
0x19d: {  	v5 =	vld.idx.msk [tilespmem:v5+s11+$0x0], $0xffff  }
0x19e: {  	v6 =	vld.idx.msk [tilespmem:v6+s13+$0x0], $0xffff  }
0x19f: {  	v12 =	vld.idx.msk [tilespmem:v9+s13+$0x0], $0xffff  }
0x1a0: {  	v9 =	vld.idx.msk [tilespmem:v9+s11+$0x0], $0xffff;
	_ =	sdelay $0x1  }
0x1a1: {  	v8 =	vadd.f32 v10, v8;
	v5 =	vadd.f32 v11, v5  }
0x1a2: {  	v6 =	vadd.f32 v6, v7  }
0x1a3: {  	v3 =	vadd.f32 v4, v3;
	v4 =	vmax.f32 v8, v5  }
0x1a4: {  	v7 =	vadd.f32 v12, v9;
	v4 =	vmax.f32 v4, v6  }
0x1a5: {  	v4 =	vmax.f32 v4, v3  }
0x1a6: {  	v4 =	vmax.f32 v4, v7  }
0x1a7: {  	v8 =	vsub.f32 v8, v4  }
0x1a8: {  	v5 =	vsub.f32 v5, v4  }
0x1a9: {  	v8 =	vmul.f32 $1.442695020e+00, v8  }
0x1aa: {  	v6 =	vsub.f32 v6, v4;
	v5 =	vmul.f32 $1.442695020e+00, v5  }
0x1ab: {  	(erf) = vpow2.f32 v8  }
0x1ac: {  	v3 =	vsub.f32 v3, v4;
	v6 =	vmul.f32 $1.442695020e+00, v6;
	(erf) = vpow2.f32 v5;
	_ =	sdelay $0x1  }
0x1ad: {  	v4 =	vsub.f32 v7, v4;
	v3 =	vmul.f32 $1.442695020e+00, v3;
	(erf) = vpow2.f32 v6;
	_ =	sdelay $0x1  }
0x1ae: {  	v4 =	vmul.f32 $1.442695020e+00, v4;
	(erf) = vpow2.f32 v3;
	_ =	sdelay $0x1  }
0x1af: {  	(erf) = vpow2.f32 v4;
	_ =	sdelay $0x1  }
0x1b0: {  	v3 =	vpop (erf)  }
0x1b1: {  	v4 =	vpop (erf)  }
0x1b2: {  	v5 =	vadd.f32 v4, v3  }
0x1b3: {  	v6 =	vpop (erf)  }
0x1b4: {  	v5 =	vadd.f32 v5, v6  }
0x1b5: {  	v7 =	vpop (erf)  }
0x1b6: {  	v5 =	vadd.f32 v5, v7  }
0x1b7: {  	v8 =	vpop (erf)  }
0x1b8: {  	v5 =	vadd.f32 v5, v8;
	_ =	sdelay $0x1  }
0x1b9: {  	(erf) = vrcp.f32 v5;
	_ =	sdelay $0x6  }
0x1ba: {  	v5 =	vshll.u32 v13, $0x3  }
0x1bb: {  	v9 =	vor.u32 $0x1, v5  }
0x1bc: {  	s30 =	simm.s32 $0x20;
	v10 =	vor.u32 $0x2, v5;
	v11 =	vpop (erf)  }
0x1bd: {  	v13 =	vor.u32 s30, v0;
	v12 =	vor.u32 $0x3, v5;
	v3 =	vmul.f32 v11, v3  }
0x1be: {  	v14 =	vor.u32 $0x4, v5;
	v15 =	vshll.u32 v13, $0x4;
	v4 =	vmul.f32 v11, v4  }
0x1bf: {  	[tilespmem:v5+s28+$0x0] =	vst.idx.msk $0xffff, v3;
	v3 =	vmul.f32 v11, v6;
	v5 =	vor.u32 $0x2, v15  }
0x1c0: {  	v6 =	vor.u32 $0x3, v15;
	[tilespmem:v9+s28+$0x0] =	vst.idx.msk $0xffff, v4;
	v4 =	vmul.f32 v11, v7  }
0x1c1: {  	[tilespmem:v10+s28+$0x0] =	vst.idx.msk $0xffff, v3;
	v3 =	vmul.f32 v11, v8  }
0x1c2: {  	[tilespmem:v12+s28+$0x0] =	vst.idx.msk $0xffff, v4  }
0x1c3: {  	[tilespmem:v14+s28+$0x0] =	vst.idx.msk $0xffff, v3  }
0x1c4: {  	v4 =	vor.u32 $0x1, v15;
	v3 =	vld.idx.msk [tilespmem:v5+s11+$0x0], $0xffff  }
0x1c5: {  	v7 =	vld.idx.msk [tilespmem:v6+s13+$0x0], $0xffff  }
0x1c6: {  	v6 =	vld.idx.msk [tilespmem:v6+s11+$0x0], $0xffff  }
0x1c7: {  	v9 =	vor.u32 $0x4, v15;
	v10 =	vld.idx.msk [tilespmem:v15+s11+$0x0], $0xffff  }
0x1c8: {  	v11 =	vld.idx.msk [tilespmem:v15+s13+$0x0], $0xffff  }
0x1c9: {  	v8 =	vld.idx.msk [tilespmem:v4+s13+$0x0], $0xffff  }
0x1ca: {  	v4 =	vld.idx.msk [tilespmem:v4+s11+$0x0], $0xffff  }
0x1cb: {  	v5 =	vld.idx.msk [tilespmem:v5+s13+$0x0], $0xffff  }
0x1cc: {  	v12 =	vld.idx.msk [tilespmem:v9+s13+$0x0], $0xffff  }
0x1cd: {  	v9 =	vld.idx.msk [tilespmem:v9+s11+$0x0], $0xffff;
	_ =	sdelay $0x1  }
0x1ce: {  	v10 =	vadd.f32 v11, v10;
	v4 =	vadd.f32 v8, v4  }
0x1cf: {  	v3 =	vadd.f32 v5, v3  }
0x1d0: {  	v5 =	vadd.f32 v7, v6;
	v6 =	vmax.f32 v10, v4  }
0x1d1: {  	v7 =	vadd.f32 v12, v9;
	v6 =	vmax.f32 v6, v3  }
0x1d2: {  	v6 =	vmax.f32 v6, v5  }
0x1d3: {  	v6 =	vmax.f32 v6, v7  }
0x1d4: {  	v12 =	vsub.f32 v10, v6  }
0x1d5: {  	v4 =	vsub.f32 v4, v6  }
0x1d6: {  	v8 =	vmul.f32 $1.442695020e+00, v12  }
0x1d7: {  	v3 =	vsub.f32 v3, v6;
	v4 =	vmul.f32 $1.442695020e+00, v4  }
0x1d8: {  	(erf) = vpow2.f32 v8  }
0x1d9: {  	v5 =	vsub.f32 v5, v6;
	v3 =	vmul.f32 $1.442695020e+00, v3;
	(erf) = vpow2.f32 v4;
	_ =	sdelay $0x1  }
0x1da: {  	v5 =	vmul.f32 $1.442695020e+00, v5;
	v4 =	vsub.f32 v7, v6;
	(erf) = vpow2.f32 v3;
	_ =	sdelay $0x1  }
0x1db: {  	v3 =	vmul.f32 $1.442695020e+00, v4;
	(erf) = vpow2.f32 v5;
	_ =	sdelay $0x1  }
0x1dc: {  	(erf) = vpow2.f32 v3;
	_ =	sdelay $0x1  }
0x1dd: {  	v3 =	vpop (erf)  }
0x1de: {  	v4 =	vpop (erf)  }
0x1df: {  	v5 =	vadd.f32 v4, v3  }
0x1e0: {  	v6 =	vpop (erf)  }
0x1e1: {  	v5 =	vadd.f32 v5, v6  }
0x1e2: {  	v7 =	vpop (erf)  }
0x1e3: {  	v5 =	vadd.f32 v5, v7  }
0x1e4: {  	v8 =	vpop (erf)  }
0x1e5: {  	v5 =	vadd.f32 v5, v8;
	_ =	sdelay $0x1  }
0x1e6: {  	(erf) = vrcp.f32 v5;
	_ =	sdelay $0x6  }
0x1e7: {  	v5 =	vshll.u32 v13, $0x3  }
0x1e8: {  	v9 =	vor.u32 $0x1, v5  }
0x1e9: {  	s30 =	simm.s32 $0x30;
	v10 =	vor.u32 $0x2, v5;
	v11 =	vpop (erf)  }
0x1ea: {  	v12 =	vor.u32 $0x3, v5;
	v13 =	vmul.f32 v11, v3;
	v3 =	vor.u32 s30, v0  }
0x1eb: {  	v14 =	vor.u32 $0x4, v5;
	v4 =	vmul.f32 v11, v4;
	v15 =	vshll.u32 v3, $0x4  }
0x1ec: {  	[tilespmem:v5+s28+$0x0] =	vst.idx.msk $0xffff, v13;
	v5 =	vmul.f32 v11, v6;
	v6 =	vor.u32 $0x3, v15  }
0x1ed: {  	[tilespmem:v9+s28+$0x0] =	vst.idx.msk $0xffff, v4;
	v4 =	vmul.f32 v11, v7  }
0x1ee: {  	[tilespmem:v10+s28+$0x0] =	vst.idx.msk $0xffff, v5;
	v5 =	vmul.f32 v11, v8  }
0x1ef: {  	[tilespmem:v12+s28+$0x0] =	vst.idx.msk $0xffff, v4  }
0x1f0: {  	v7 =	vor.u32 $0x2, v15;
	[tilespmem:v14+s28+$0x0] =	vst.idx.msk $0xffff, v5  }
0x1f1: {  	v4 =	vor.u32 $0x1, v15;
	v5 =	vld.idx.msk [tilespmem:v6+s11+$0x0], $0xffff  }
0x1f2: {  	v11 =	vld.idx.msk [tilespmem:v15+s13+$0x0], $0xffff  }
0x1f3: {  	v12 =	vld.idx.msk [tilespmem:v15+s11+$0x0], $0xffff  }
0x1f4: {  	v10 =	vor.u32 $0x4, v15;
	v6 =	vld.idx.msk [tilespmem:v6+s13+$0x0], $0xffff  }
0x1f5: {  	v8 =	vld.idx.msk [tilespmem:v7+s13+$0x0], $0xffff  }
0x1f6: {  	v9 =	vld.idx.msk [tilespmem:v4+s13+$0x0], $0xffff  }
0x1f7: {  	v4 =	vld.idx.msk [tilespmem:v4+s11+$0x0], $0xffff  }
0x1f8: {  	v7 =	vld.idx.msk [tilespmem:v7+s11+$0x0], $0xffff  }
0x1f9: {  	v13 =	vld.idx.msk [tilespmem:v10+s11+$0x0], $0xffff  }
0x1fa: {  	v10 =	vld.idx.msk [tilespmem:v10+s13+$0x0], $0xffff;
	_ =	sdelay $0x1  }
0x1fb: {  	v11 =	vadd.f32 v11, v12;
	v4 =	vadd.f32 v9, v4  }
0x1fc: {  	v7 =	vadd.f32 v8, v7  }
0x1fd: {  	v5 =	vadd.f32 v6, v5;
	v6 =	vmax.f32 v11, v4  }
0x1fe: {  	v13 =	vadd.f32 v10, v13;
	v6 =	vmax.f32 v6, v7  }
0x1ff: {  	v6 =	vmax.f32 v6, v5  }
0x200: {  	v6 =	vmax.f32 v6, v13  }
0x201: {  	v14 =	vsub.f32 v11, v6  }
0x202: {  	v4 =	vsub.f32 v4, v6  }
0x203: {  	v7 =	vsub.f32 v7, v6;
	v9 =	vmul.f32 $1.442695020e+00, v14  }
0x204: {  	v5 =	vsub.f32 v5, v6;
	v4 =	vmul.f32 $1.442695020e+00, v4  }
0x205: {  	v7 =	vmul.f32 $1.442695020e+00, v7;
	(erf) = vpow2.f32 v9  }
0x206: {  	v6 =	vsub.f32 v13, v6;
	(erf) = vpow2.f32 v4;
	v4 =	vmul.f32 $1.442695020e+00, v5  }
0x207: {  	(erf) = vpow2.f32 v7  }
0x208: {  	s30 =	simm.s32 $0x40;
	(erf) = vpow2.f32 v4;
	v4 =	vmul.f32 $1.442695020e+00, v6  }
.LBB2_2:
0x209: {  	p0 =	sne.s32 s30, $0x1C0;
	s31 =	smov.u32 s30;
	s30 =	sadd.s32 $0x40, s30  }
0x20a: {  	_ = 	snop  }
0x20b: {  	(erf) = vpow2.f32 v4;
	_ =	sdelay $0x2  }
0x20c: {  	v4 =	vpop (erf)  }
0x20d: {  	v5 =	vpop (erf)  }
0x20e: {  	v6 =	vadd.f32 v5, v4;
	v7 =	vpop (erf)  }
0x20f: {  	v8 =	vpop (erf)  }
0x210: {  	v6 =	vadd.f32 v6, v7;
	_ =	sdelay $0x1  }
0x211: {  	v6 =	vadd.f32 v6, v8;
	v9 =	vpop (erf);
	_ =	sdelay $0x1  }
0x212: {  	v6 =	vadd.f32 v6, v9;
	_ =	sdelay $0x1  }
0x213: {  	(erf) = vrcp.f32 v6;
	_ =	sdelay $0x5  }
0x214: {  	v3 =	vshll.u32 v3, $0x3  }
0x215: {  	v6 =	vor.u32 $0x1, v3  }
0x216: {  	v10 =	vor.u32 $0x2, v3  }
0x217: {  	v11 =	vor.u32 $0x3, v3;
	v12 =	vpop (erf)  }
0x218: {  	v13 =	vor.u32 $0x4, v3;
	v4 =	vmul.f32 v12, v4;
	v5 =	vmul.f32 v12, v5  }
0x219: {  	v14 =	vor.u32 s31, v0;
	v7 =	vmul.f32 v12, v7  }
0x21a: {  	v15 =	vshll.u32 v14, $0x4;
	[tilespmem:v3+s28+$0x0] =	vst.idx.msk $0xffff, v4;
	v3 =	vmul.f32 v12, v8;
	v4 =	vmul.f32 v12, v9  }
0x21b: {  	v8 =	vor.u32 $0x1, v15;
	v9 =	vor.u32 $0x2, v15;
	v12 =	vor.u32 $0x4, v15;
	[tilespmem:v6+s28+$0x0] =	vst.idx.msk $0xffff, v5  }
0x21c: {  	[tilespmem:v10+s28+$0x0] =	vst.idx.msk $0xffff, v7  }
0x21d: {  	[tilespmem:v11+s28+$0x0] =	vst.idx.msk $0xffff, v3  }
0x21e: {  	[tilespmem:v13+s28+$0x0] =	vst.idx.msk $0xffff, v4  }
0x21f: {  	v3 =	vld.idx.msk [tilespmem:v15+s11+$0x0], $0xffff  }
0x220: {  	v4 =	vld.idx.msk [tilespmem:v12+s13+$0x0], $0xffff  }
0x221: {  	v5 =	vor.u32 $0x3, v15;
	v6 =	vld.idx.msk [tilespmem:v12+s11+$0x0], $0xffff  }
0x222: {  	v7 =	vld.idx.msk [tilespmem:v9+s13+$0x0], $0xffff  }
0x223: {  	v9 =	vld.idx.msk [tilespmem:v9+s11+$0x0], $0xffff  }
0x224: {  	v10 =	vld.idx.msk [tilespmem:v15+s13+$0x0], $0xffff  }
0x225: {  	v11 =	vld.idx.msk [tilespmem:v8+s11+$0x0], $0xffff  }
0x226: {  	v8 =	vld.idx.msk [tilespmem:v8+s13+$0x0], $0xffff  }
0x227: {  	v12 =	vld.idx.msk [tilespmem:v5+s11+$0x0], $0xffff  }
0x228: {  	v5 =	vld.idx.msk [tilespmem:v5+s13+$0x0], $0xffff  }
0x229: {  	v7 =	vadd.f32 v7, v9;
	_ =	sdelay $0x1  }
0x22a: {  	v3 =	vadd.f32 v10, v3  }
0x22b: {  	v8 =	vadd.f32 v8, v11  }
0x22c: {  	v4 =	vadd.f32 v4, v6  }
0x22d: {  	v5 =	vadd.f32 v5, v12;
	v6 =	vmax.f32 v3, v8  }
0x22e: {  	v6 =	vmax.f32 v6, v7  }
0x22f: {  	v6 =	vmax.f32 v6, v5  }
0x230: {  	v6 =	vmax.f32 v6, v4  }
0x231: {  	v3 =	vsub.f32 v3, v6;
	v8 =	vsub.f32 v8, v6  }
0x232: {  	v7 =	vsub.f32 v7, v6;
	v5 =	vsub.f32 v5, v6  }
0x233: {  	v4 =	vsub.f32 v4, v6;
	v3 =	vmul.f32 $1.442695020e+00, v3;
	v8 =	vmul.f32 $1.442695020e+00, v8  }
0x234: {  	v6 =	vmul.f32 $1.442695020e+00, v7;
	v5 =	vmul.f32 $1.442695020e+00, v5  }
0x235: {  	v4 =	vmul.f32 $1.442695020e+00, v4;
	(erf) = vpow2.f32 v3  }
0x236: {  	(erf) = vpow2.f32 v8;
	_ =	sdelay $0x1  }
0x237: {  	(erf) = vpow2.f32 v6;
	_ =	sdelay $0x1  }
0x238: {  	(erf) = vpow2.f32 v5;
	_ =	sdelay $0x1  }
0x239: {  	(erf) = vpow2.f32 v4;
	_ =	sdelay $0x1  }
0x23a: {  	v3 =	vpop (erf)  }
0x23b: {  	v4 =	vpop (erf)  }
0x23c: {  	v5 =	vadd.f32 v4, v3  }
0x23d: {  	v6 =	vpop (erf)  }
0x23e: {  	v5 =	vadd.f32 v5, v6  }
0x23f: {  	v7 =	vpop (erf)  }
0x240: {  	v5 =	vadd.f32 v5, v7  }
0x241: {  	v8 =	vpop (erf)  }
0x242: {  	v5 =	vadd.f32 v5, v8;
	_ =	sdelay $0x1  }
0x243: {  	(erf) = vrcp.f32 v5;
	_ =	sdelay $0x6  }
0x244: {  	v5 =	vshll.u32 v14, $0x3  }
0x245: {  	v9 =	vor.u32 $0x1, v5  }
0x246: {  	s0 =	sadd.s32 $0x10, s31;
	v10 =	vor.u32 $0x2, v5;
	v11 =	vor.u32 $0x3, v5;
	v12 =	vpop (erf)  }
0x247: {  	v13 =	vor.u32 s0, v0;
	v3 =	vmul.f32 v12, v3;
	v4 =	vmul.f32 v12, v4  }
0x248: {  	v15 =	vshll.u32 v13, $0x4;
	v14 =	vor.u32 $0x4, v5  }
0x249: {  	[tilespmem:v5+s28+$0x0] =	vst.idx.msk $0xffff, v3;
	v3 =	vmul.f32 v12, v6;
	v5 =	vor.u32 $0x3, v15  }
0x24a: {  	v6 =	vor.u32 $0x2, v15;
	[tilespmem:v9+s28+$0x0] =	vst.idx.msk $0xffff, v4;
	v4 =	vmul.f32 v12, v7  }
0x24b: {  	[tilespmem:v10+s28+$0x0] =	vst.idx.msk $0xffff, v3;
	v3 =	vmul.f32 v12, v8  }
0x24c: {  	[tilespmem:v11+s28+$0x0] =	vst.idx.msk $0xffff, v4  }
0x24d: {  	[tilespmem:v14+s28+$0x0] =	vst.idx.msk $0xffff, v3  }
0x24e: {  	v3 =	vld.idx.msk [tilespmem:v5+s11+$0x0], $0xffff  }
0x24f: {  	v4 =	vor.u32 $0x1, v15;
	v7 =	vld.idx.msk [tilespmem:v6+s11+$0x0], $0xffff  }
0x250: {  	v5 =	vld.idx.msk [tilespmem:v5+s13+$0x0], $0xffff  }
0x251: {  	v6 =	vld.idx.msk [tilespmem:v6+s13+$0x0], $0xffff  }
0x252: {  	v9 =	vor.u32 $0x4, v15;
	v8 =	vld.idx.msk [tilespmem:v15+s11+$0x0], $0xffff  }
0x253: {  	v10 =	vld.idx.msk [tilespmem:v15+s13+$0x0], $0xffff  }
0x254: {  	v11 =	vld.idx.msk [tilespmem:v4+s13+$0x0], $0xffff  }
0x255: {  	v4 =	vld.idx.msk [tilespmem:v4+s11+$0x0], $0xffff;
	_ =	sdelay $0x1  }
0x256: {  	v12 =	vld.idx.msk [tilespmem:v9+s13+$0x0], $0xffff  }
0x257: {  	v9 =	vld.idx.msk [tilespmem:v9+s11+$0x0], $0xffff  }
0x258: {  	v6 =	vadd.f32 v6, v7;
	v8 =	vadd.f32 v10, v8  }
0x259: {  	v3 =	vadd.f32 v5, v3  }
0x25a: {  	v4 =	vadd.f32 v11, v4;
	_ =	sdelay $0x1  }
0x25b: {  	v5 =	vmax.f32 v8, v4  }
0x25c: {  	v7 =	vadd.f32 v12, v9;
	v5 =	vmax.f32 v5, v6  }
0x25d: {  	v5 =	vmax.f32 v5, v3  }
0x25e: {  	v5 =	vmax.f32 v5, v7  }
0x25f: {  	v8 =	vsub.f32 v8, v5;
	v4 =	vsub.f32 v4, v5  }
0x260: {  	v6 =	vsub.f32 v6, v5;
	v3 =	vsub.f32 v3, v5  }
0x261: {  	v5 =	vsub.f32 v7, v5;
	v8 =	vmul.f32 $1.442695020e+00, v8;
	v4 =	vmul.f32 $1.442695020e+00, v4  }
0x262: {  	v6 =	vmul.f32 $1.442695020e+00, v6;
	v3 =	vmul.f32 $1.442695020e+00, v3  }
0x263: {  	v5 =	vmul.f32 $1.442695020e+00, v5;
	(erf) = vpow2.f32 v8  }
0x264: {  	(erf) = vpow2.f32 v4;
	_ =	sdelay $0x1  }
0x265: {  	(erf) = vpow2.f32 v6;
	_ =	sdelay $0x1  }
0x266: {  	(erf) = vpow2.f32 v3;
	_ =	sdelay $0x1  }
0x267: {  	(erf) = vpow2.f32 v5;
	_ =	sdelay $0x1  }
0x268: {  	v3 =	vpop (erf)  }
0x269: {  	v4 =	vpop (erf)  }
0x26a: {  	v5 =	vadd.f32 v4, v3  }
0x26b: {  	v6 =	vpop (erf)  }
0x26c: {  	v5 =	vadd.f32 v5, v6  }
0x26d: {  	v7 =	vpop (erf)  }
0x26e: {  	v5 =	vadd.f32 v5, v7  }
0x26f: {  	v8 =	vpop (erf)  }
0x270: {  	v5 =	vadd.f32 v5, v8;
	_ =	sdelay $0x1  }
0x271: {  	(erf) = vrcp.f32 v5;
	_ =	sdelay $0x6  }
0x272: {  	v5 =	vshll.u32 v13, $0x3  }
0x273: {  	v9 =	vor.u32 $0x1, v5  }
0x274: {  	s0 =	sadd.s32 $0x20, s31;
	v10 =	vor.u32 $0x2, v5;
	v11 =	vor.u32 $0x3, v5;
	v12 =	vpop (erf)  }
0x275: {  	v13 =	vor.u32 s0, v0;
	v3 =	vmul.f32 v12, v3;
	v4 =	vmul.f32 v12, v4  }
0x276: {  	v14 =	vor.u32 $0x4, v5;
	v15 =	vshll.u32 v13, $0x4  }
0x277: {  	[tilespmem:v5+s28+$0x0] =	vst.idx.msk $0xffff, v3;
	v3 =	vmul.f32 v12, v6;
	v5 =	vor.u32 $0x2, v15  }
0x278: {  	v6 =	vor.u32 $0x3, v15;
	[tilespmem:v9+s28+$0x0] =	vst.idx.msk $0xffff, v4;
	v4 =	vmul.f32 v12, v7  }
0x279: {  	[tilespmem:v10+s28+$0x0] =	vst.idx.msk $0xffff, v3;
	v3 =	vmul.f32 v12, v8  }
0x27a: {  	[tilespmem:v11+s28+$0x0] =	vst.idx.msk $0xffff, v4;
	v4 =	vor.u32 $0x1, v15  }
0x27b: {  	[tilespmem:v14+s28+$0x0] =	vst.idx.msk $0xffff, v3  }
0x27c: {  	v3 =	vld.idx.msk [tilespmem:v5+s11+$0x0], $0xffff  }
0x27d: {  	v7 =	vld.idx.msk [tilespmem:v6+s13+$0x0], $0xffff  }
0x27e: {  	v6 =	vld.idx.msk [tilespmem:v6+s11+$0x0], $0xffff  }
0x27f: {  	v8 =	vld.idx.msk [tilespmem:v4+s13+$0x0], $0xffff  }
0x280: {  	v10 =	vor.u32 $0x4, v15;
	v9 =	vld.idx.msk [tilespmem:v15+s11+$0x0], $0xffff  }
0x281: {  	v5 =	vld.idx.msk [tilespmem:v5+s13+$0x0], $0xffff  }
0x282: {  	v11 =	vld.idx.msk [tilespmem:v15+s13+$0x0], $0xffff  }
0x283: {  	v4 =	vld.idx.msk [tilespmem:v4+s11+$0x0], $0xffff;
	_ =	sdelay $0x1  }
0x284: {  	v12 =	vld.idx.msk [tilespmem:v10+s13+$0x0], $0xffff  }
0x285: {  	v10 =	vld.idx.msk [tilespmem:v10+s11+$0x0], $0xffff  }
0x286: {  	v3 =	vadd.f32 v5, v3;
	v5 =	vadd.f32 v7, v6  }
0x287: {  	v6 =	vadd.f32 v11, v9  }
0x288: {  	v4 =	vadd.f32 v8, v4;
	_ =	sdelay $0x1  }
0x289: {  	v7 =	vmax.f32 v6, v4  }
0x28a: {  	v8 =	vadd.f32 v12, v10;
	v7 =	vmax.f32 v7, v3  }
0x28b: {  	v7 =	vmax.f32 v7, v5  }
0x28c: {  	v7 =	vmax.f32 v7, v8  }
0x28d: {  	v6 =	vsub.f32 v6, v7;
	v4 =	vsub.f32 v4, v7  }
0x28e: {  	v3 =	vsub.f32 v3, v7;
	v5 =	vsub.f32 v5, v7  }
0x28f: {  	v7 =	vsub.f32 v8, v7;
	v6 =	vmul.f32 $1.442695020e+00, v6;
	v4 =	vmul.f32 $1.442695020e+00, v4  }
0x290: {  	v3 =	vmul.f32 $1.442695020e+00, v3;
	v5 =	vmul.f32 $1.442695020e+00, v5  }
0x291: {  	v7 =	vmul.f32 $1.442695020e+00, v7;
	(erf) = vpow2.f32 v6  }
0x292: {  	(erf) = vpow2.f32 v4;
	_ =	sdelay $0x1  }
0x293: {  	(erf) = vpow2.f32 v3;
	_ =	sdelay $0x1  }
0x294: {  	(erf) = vpow2.f32 v5;
	_ =	sdelay $0x1  }
0x295: {  	(erf) = vpow2.f32 v7;
	_ =	sdelay $0x1  }
0x296: {  	v3 =	vpop (erf)  }
0x297: {  	v4 =	vpop (erf)  }
0x298: {  	v5 =	vadd.f32 v4, v3  }
0x299: {  	v6 =	vpop (erf)  }
0x29a: {  	v5 =	vadd.f32 v5, v6  }
0x29b: {  	v7 =	vpop (erf)  }
0x29c: {  	v5 =	vadd.f32 v5, v7  }
0x29d: {  	v8 =	vpop (erf)  }
0x29e: {  	v5 =	vadd.f32 v5, v8;
	_ =	sdelay $0x1  }
0x29f: {  	(erf) = vrcp.f32 v5;
	_ =	sdelay $0x6  }
0x2a0: {  	v5 =	vshll.u32 v13, $0x3  }
0x2a1: {  	v9 =	vor.u32 $0x1, v5  }
0x2a2: {  	s0 =	sadd.s32 $0x30, s31;
	v10 =	vor.u32 $0x2, v5;
	v11 =	vor.u32 $0x3, v5;
	v12 =	vpop (erf)  }
0x2a3: {  	v13 =	vmul.f32 v12, v3;
	v4 =	vmul.f32 v12, v4;
	v3 =	vor.u32 s0, v0  }
0x2a4: {  	v14 =	vor.u32 $0x4, v5;
	v15 =	vshll.u32 v3, $0x4  }
0x2a5: {  	[tilespmem:v5+s28+$0x0] =	vst.idx.msk $0xffff, v13;
	v5 =	vmul.f32 v12, v6;
	v6 =	vor.u32 $0x3, v15  }
0x2a6: {  	[tilespmem:v9+s28+$0x0] =	vst.idx.msk $0xffff, v4;
	v4 =	vmul.f32 v12, v7;
	v7 =	vor.u32 $0x2, v15  }
0x2a7: {  	[tilespmem:v10+s28+$0x0] =	vst.idx.msk $0xffff, v5;
	v5 =	vmul.f32 v12, v8  }
0x2a8: {  	[tilespmem:v11+s28+$0x0] =	vst.idx.msk $0xffff, v4;
	v4 =	vor.u32 $0x1, v15  }
0x2a9: {  	[tilespmem:v14+s28+$0x0] =	vst.idx.msk $0xffff, v5  }
0x2aa: {  	v5 =	vld.idx.msk [tilespmem:v6+s11+$0x0], $0xffff  }
0x2ab: {  	v8 =	vld.idx.msk [tilespmem:v7+s13+$0x0], $0xffff  }
0x2ac: {  	v7 =	vld.idx.msk [tilespmem:v7+s11+$0x0], $0xffff  }
0x2ad: {  	v10 =	vor.u32 $0x4, v15;
	v9 =	vld.idx.msk [tilespmem:v4+s13+$0x0], $0xffff  }
0x2ae: {  	v11 =	vld.idx.msk [tilespmem:v15+s13+$0x0], $0xffff  }
0x2af: {  	v12 =	vld.idx.msk [tilespmem:v15+s11+$0x0], $0xffff  }
0x2b0: {  	v6 =	vld.idx.msk [tilespmem:v6+s13+$0x0], $0xffff  }
0x2b1: {  	v4 =	vld.idx.msk [tilespmem:v4+s11+$0x0], $0xffff  }
0x2b2: {  	v13 =	vld.idx.msk [tilespmem:v10+s11+$0x0], $0xffff  }
0x2b3: {  	v10 =	vld.idx.msk [tilespmem:v10+s13+$0x0], $0xffff;
	_ =	sdelay $0x1  }
0x2b4: {  	v7 =	vadd.f32 v8, v7;
	v11 =	vadd.f32 v11, v12  }
0x2b5: {  	v5 =	vadd.f32 v6, v5  }
0x2b6: {  	v4 =	vadd.f32 v9, v4;
	_ =	sdelay $0x1  }
0x2b7: {  	v6 =	vmax.f32 v11, v4  }
0x2b8: {  	v8 =	vadd.f32 v10, v13;
	v6 =	vmax.f32 v6, v7  }
0x2b9: {  	v6 =	vmax.f32 v6, v5  }
0x2ba: {  	v6 =	vmax.f32 v6, v8  }
0x2bb: {  	v9 =	vsub.f32 v11, v6;
	v4 =	vsub.f32 v4, v6  }
0x2bc: {  	v7 =	vsub.f32 v7, v6;
	v5 =	vsub.f32 v5, v6  }
0x2bd: {  	v9 =	vmul.f32 $1.442695020e+00, v9;
	v10 =	vmul.f32 $1.442695020e+00, v4;
	v4 =	vsub.f32 v8, v6  }
.Ltmp0:
0x2be: {  	v6 =	vmul.f32 $1.442695020e+00, v7;
	v5 =	vmul.f32 $1.442695020e+00, v5;
	(pc) =	sbr.rel @p0 .LBB2_2-.Ltmp0, $4  }
0x2bf: {  	v4 =	vmul.f32 $1.442695020e+00, v4;
	(erf) = vpow2.f32 v9  }
0x2c0: {  	(erf) = vpow2.f32 v10  }
0x2c1: {  	(erf) = vpow2.f32 v6  }
0x2c2: {  	(erf) = vpow2.f32 v5  }
0x2c3: {  	_ =	sdelay $0x2  }
0x2c4: {  	(erf) = vpow2.f32 v4;
	_ =	sdelay $0x1  }
0x2c5: {  	v4 =	vpop (erf)  }
0x2c6: {  	v5 =	vpop (erf)  }
0x2c7: {  	v6 =	vadd.f32 v5, v4  }
0x2c8: {  	v7 =	vpop (erf)  }
0x2c9: {  	v6 =	vadd.f32 v6, v7  }
0x2ca: {  	v8 =	vpop (erf)  }
0x2cb: {  	v6 =	vadd.f32 v6, v8  }
0x2cc: {  	v9 =	vpop (erf)  }
0x2cd: {  	v6 =	vadd.f32 v6, v9;
	_ =	sdelay $0x1  }
0x2ce: {  	(erf) = vrcp.f32 v6;
	_ =	sdelay $0x6  }
0x2cf: {  	v3 =	vshll.u32 v3, $0x3  }
0x2d0: {  	v6 =	vor.u32 $0x1, v3  }
0x2d1: {  	v10 =	vor.u32 $0x2, v3;
	v11 =	vpop (erf)  }
0x2d2: {  	v12 =	vor.u32 $0x3, v3;
	v4 =	vmul.f32 v11, v4  }
0x2d3: {  	v13 =	vor.u32 $0x4, v3;
	v5 =	vmul.f32 v11, v5  }
0x2d4: {  	v7 =	vmul.f32 v11, v7;
	[tilespmem:v3+s28+$0x0] =	vst.idx.msk $0xffff, v4  }
0x2d5: {  	v3 =	vmul.f32 v11, v8;
	[tilespmem:v6+s28+$0x0] =	vst.idx.msk $0xffff, v5  }
0x2d6: {  	s29 =	sadd.s32 $0x1, s29;
	v14 =	vmul.f32 v11, v9;
	[tilespmem:v10+s28+$0x0] =	vst.idx.msk $0xffff, v7  }
0x2d7: {  	p0 =	sne.s32 s29, s7;
	[tilespmem:v12+s28+$0x0] =	vst.idx.msk $0xffff, v3  }
.Ltmp1:
0x2d8: {  	[tilespmem:v13+s28+$0x0] =	vst.idx.msk $0xffff, v14;
	(pc) =	sbr.rel @p0 .LBB2_1-.Ltmp1, $4  }
0x2d9: {  	[hbm4b:s6+s1] =	stream.linear.scatter [tilespmem:s28], [sflag:$0x2], $0x1000, $0x38;
	[tilespmem:$0x6400] =	vst v63  }
0x2da: {  	_ =	swait.ge [sflag:s8], $0x1000  }
0x2db: {  	[sflag:s8] =	ssyncset.done $0x0  }
0x2dc: {  	[sflag:s8] =	ssyncadd.s32 $0xFFFFF000  }
0x2dd: {  	_ =	sfence.sel $0x180000  }
0x2de: {  	[bflag:$0x0] =	sbarrier.arrive $0xFFFF  }
0x2df: {  	_ =	strace $0x90000047  }
0x2e0: {  	[bflag:$0x2] =	sbarrier.arrive $0xFFFF  }
0x2e1: {  	p0 =	sne.s32 s2, $0x0;
	s0 =	rddreg [dreg:$0x2]  }
0x2e2: {  	s0 =	sadd.s32 @!p0 $0x100000, s0  }
0x2e3: {  	[sflag:s0] =	ssyncadd.tile.s32 @!p0 $0x1;
	_ =	shalt  }
.Lfunc_end2:
_tile_overlayer_lowered:
.L_overlay_start_2:
0x2e4: {  	(tag) =	ssettag $0x2  }
0x2e5: {  	s0 =	rddreg [dreg:$0x0];
	s2 =	stileid.u32  }
0x2e6: {  	s1 =	rddreg [dreg:$0x1];
	p0 =	sne.s32 s2, $0x0  }
0x2e7: {  	s3 =	rddreg [dreg:$0x2];
	[bflag:$0x3] =	sbarrier.arrive $0xFFFF;
	s2 =	simm.s32 @!p0 $0x1C02  }
0x2e8: {  	[timem:s3], [sflag:s2] =	dma.local @!p0 [hbm:s0], s1  }
0x2e9: {  	s0 =	simm.s32 @!p0 $0x2  }
0x2ea: {  	_ =	swait.ge @!p0 [sflag:s0], s1  }
0x2eb: {  	s1 =	ssub.s32 @!p0 $0x0, s1;
	[sflag:s0] =	ssyncset.done @!p0 $0x0  }
0x2ec: {  	[sflag:s0] =	ssyncadd.s32 @!p0 s1  }
0x2ed: {  	[bflag:$0x3] =	sbarrier.arrive $0xFFFF  }
0x2ee: {  	_ =	shalt  }

</sc_bundles>
